<compile_context>
chip_gen: v7x
topology: tpu7x:2x2x1
jax: 0.10.2.dev20260603
libtpu: 0.0.44.dev20260713+nightly
codegen_flags: <defaults>
</compile_context>

<pallas_src>
import functools

import jax
import jax.numpy as jnp
from jax import lax
from jax.experimental import pallas as pl
from jax.experimental.pallas import tpu as pltpu
from jax.experimental.pallas import tpu_sc as plsc

WORD_DIM = 64
SHAPE_DIM = 16
OUT_DIM = WORD_DIM + SHAPE_DIM
PAIR_DIM = 2 * WORD_DIM

_NUM_CORES = 2
_NUM_SUBCORES = 16
_NUM_WORKERS = _NUM_CORES * _NUM_SUBCORES

_IDX_W = 128
_CHUNK = 256
_NIDX = _CHUNK // _IDX_W
_L = 16


def _make_body(batch, seq):
    blocks_per_seq = batch // _CHUNK
    num_chunks_total = seq * blocks_per_seq
    num_chunks = num_chunks_total // _NUM_WORKERS
    assert num_chunks % 2 == 0

    def body(whalf_hbm, p64_hbm, sidx_hbm, wtab_hbm, stab_hbm, out_hbm,
             wh0, wh1, p0, p1, s0, s1, pair0, pair1, comb_t, stab_v,
             g0, g1, wsem):
        wh = (wh0, wh1)
        pp = (p0, p1)
        ss = (s0, s1)
        pair = (pair0, pair1)
        gsem = (g0, g1)
        sid = lax.axis_index("s")
        wid = sid * _NUM_CORES + lax.axis_index("c")
        chunk0 = wid * num_chunks

        pltpu.sync_copy(stab_hbm, stab_v)
        iota = lax.iota(jnp.int32, _L)

        def out_dst(ci):
            s_pos = ci // blocks_per_seq
            blk = ci % blocks_per_seq
            return out_hbm.at[s_pos, :, pl.ds(blk * _CHUNK, _CHUNK)]

        def fire(ci, b):
            pltpu.sync_copy(whalf_hbm.at[ci], wh[b])
            pltpu.async_copy(p64_hbm.at[ci], pp[b], gsem[b])
            pltpu.async_copy(sidx_hbm.at[ci], ss[b], gsem[b])
            for j in range(_NIDX):
                pltpu.async_copy(
                    wtab_hbm.at[wh[b].at[j]],
                    pair[b].at[pl.ds(j * _IDX_W, _IDX_W)], gsem[b])

        def gather_wait(ci, b):
            pltpu.make_async_copy(p64_hbm.at[ci], pp[b], gsem[b]).wait()
            pltpu.make_async_copy(sidx_hbm.at[ci], ss[b], gsem[b]).wait()
            for j in range(_NIDX):
                pltpu.make_async_copy(
                    wtab_hbm.at[wh[b].at[j]],
                    pair[b].at[pl.ds(j * _IDX_W, _IDX_W)], gsem[b]).wait()

        def write_wait(ci):
            pltpu.make_async_copy(comb_t, out_dst(ci), wsem).wait()

        def select(b):
            def step(t, carry2):
                rowv = t * _L + iota
                src = pp[b][pl.ds(t * _L, _L)]
                sv = ss[b][pl.ds(t * _L, _L)] * SHAPE_DIM

                def cgroup(k, colw):
                    for _ in range(_L):
                        val = plsc.load_gather(pair[b], [rowv, src + colw])
                        plsc.store_scatter(comb_t, [colw, rowv], val)
                        colw = (colw + 1) & (WORD_DIM - 1)
                    return colw

                lax.fori_loop(0, WORD_DIM // _L, cgroup, iota)

                def sgroup(k, cols):
                    for _ in range(_L):
                        val = plsc.load_gather(stab_v, [sv + cols])
                        plsc.store_scatter(
                            comb_t, [WORD_DIM + cols, rowv], val)
                        cols = (cols + 1) & (SHAPE_DIM - 1)
                    return cols

                lax.fori_loop(0, 1, sgroup, iota & (SHAPE_DIM - 1))
                return carry2

            lax.fori_loop(0, _CHUNK // _L, step, 0)

        fire(chunk0, 0)

        def pair_iter(g, carry):
            ci0 = chunk0 + 2 * g
            for b in range(2):
                ci = ci0 + b
                nxt = ci + 1

                @pl.when(nxt < chunk0 + num_chunks)
                def _():
                    fire(nxt, 1 - b)

                gather_wait(ci, b)

                @pl.when(ci > chunk0)
                def _():
                    write_wait(ci - 1)

                select(b)
                pltpu.async_copy(comb_t, out_dst(ci), wsem)
            return carry

        lax.fori_loop(0, num_chunks // 2, pair_iter, 0)
        write_wait(chunk0 + num_chunks - 1)

    return body


@jax.jit
def kernel(word_id, shape_id, word_table, shape_table):
    b, s = word_id.shape
    num_chunks_total = (b * s) // _CHUNK
    wvocab = word_table.shape[0]
    svocab = shape_table.shape[0]

    wi_t = word_id.T.astype(jnp.int32)
    si_t = shape_id.T.astype(jnp.int32)
    whalf = (wi_t >> 1).reshape(num_chunks_total, _NIDX, _IDX_W)
    p64 = ((wi_t & 1) << 6).reshape(num_chunks_total, _CHUNK)
    sidx = si_t.reshape(num_chunks_total, _CHUNK)
    stab_flat = shape_table.reshape(svocab * SHAPE_DIM)
    wtab2 = word_table.reshape(wvocab // 2, PAIR_DIM)

    call = functools.partial(
        pl.kernel,
        out_type=jax.ShapeDtypeStruct((s, OUT_DIM, b), jnp.float32),
        mesh=plsc.VectorSubcoreMesh(core_axis_name="c", subcore_axis_name="s"),
        compiler_params=pltpu.CompilerParams(needs_layout_passes=False,
                                             disable_bounds_checks=True),
        scratch_types=[
            pltpu.VMEM((_NIDX, _IDX_W), jnp.int32),
            pltpu.VMEM((_NIDX, _IDX_W), jnp.int32),
            pltpu.VMEM((_CHUNK,), jnp.int32),
            pltpu.VMEM((_CHUNK,), jnp.int32),
            pltpu.VMEM((_CHUNK,), jnp.int32),
            pltpu.VMEM((_CHUNK,), jnp.int32),
            pltpu.VMEM((_CHUNK, PAIR_DIM), jnp.float32),
            pltpu.VMEM((_CHUNK, PAIR_DIM), jnp.float32),
            pltpu.VMEM((OUT_DIM, _CHUNK), jnp.float32),
            pltpu.VMEM((svocab * SHAPE_DIM,), jnp.float32),
            pltpu.SemaphoreType.DMA,
            pltpu.SemaphoreType.DMA,
            pltpu.SemaphoreType.DMA,
        ],
    )(_make_body(b, s))
    out_t = call(whalf, p64, sidx, wtab2, stab_flat)
    return jnp.transpose(out_t, (2, 0, 1))

# --- scband reference (transcript-rebuilt; emitter-appended) ---
"""Pipeline reference for scband-word-model-19619410608760 (READ-ONLY COPY).

The authoritative reference and input builder live on the scoring server;
editing this copy changes nothing except your own understanding.
"""

import jax, jax.numpy as jnp
import numpy as np

WORD_VOCAB = 1000000
WORD_DIM = 64
SHAPE_VOCAB = 1000
SHAPE_DIM = 16
BATCH = 4096
SEQ = 200


def setup_inputs(seed: int = 0) -> dict:
    key = jax.random.key(seed)
    k1, k2, k3, k4 = jax.random.split(key, 4)
    word_id = jax.random.randint(k1, (BATCH, SEQ), 0, WORD_VOCAB, dtype=jnp.int64 if jax.config.jax_enable_x64 else jnp.int32)
    shape_id = jax.random.randint(k2, (BATCH, SEQ), 0, SHAPE_VOCAB, dtype=jnp.int64 if jax.config.jax_enable_x64 else jnp.int32)
    word_table = jax.random.normal(k3, (WORD_VOCAB, WORD_DIM), dtype=jnp.float32)
    shape_table = jax.random.normal(k4, (SHAPE_VOCAB, SHAPE_DIM), dtype=jnp.float32)
    return {"word_id": word_id, "shape_id": shape_id, "word_table": word_table, "shape_table": shape_table}


def reference(word_id, shape_id, word_table, shape_table):
    # WordModel.forward: lookup both embeddings and concat on last dim
    word_emb = jnp.take(word_table, word_id, axis=0)    # [B, S, WORD_DIM]
    shape_emb = jnp.take(shape_table, shape_id, axis=0)  # [B, S, SHAPE_DIM]
    return jnp.concatenate([word_emb, shape_emb], axis=-1)  # [B, S, WORD_DIM+SHAPE_DIM]

if __name__ == "__main__":
    import jax
    _d = setup_inputs()
    print(jax.jit(kernel)(*tuple(_d.values())))

</pallas_src>

<mosaic_0001>
#map = affine_map<(d0, d1) -> (0, 0, 0)>
#map1 = affine_map<(d0, d1) -> (0, 0)>
#map2 = affine_map<(d0, d1) -> (0)>
module attributes {stable_mosaic.version = 14 : i64} {
  func.func @body(%arg0: i32, %arg1: i32, %arg2: memref<3200x2x128xi32, #tpu.memory_space<hbm>>, %arg3: memref<3200x256xi32, #tpu.memory_space<hbm>>, %arg4: memref<3200x256xi32, #tpu.memory_space<hbm>>, %arg5: memref<500000x128xf32, #tpu.memory_space<hbm>>, %arg6: memref<16000xf32, #tpu.memory_space<hbm>>, %arg7: memref<200x80x4096xf32, #tpu.memory_space<hbm>>, %arg8: memref<2x128xi32, #tpu.memory_space<vmem>>, %arg9: memref<2x128xi32, #tpu.memory_space<vmem>>, %arg10: memref<256xi32, #tpu.memory_space<vmem>>, %arg11: memref<256xi32, #tpu.memory_space<vmem>>, %arg12: memref<256xi32, #tpu.memory_space<vmem>>, %arg13: memref<256xi32, #tpu.memory_space<vmem>>, %arg14: memref<256x128xf32, #tpu.memory_space<vmem>>, %arg15: memref<256x128xf32, #tpu.memory_space<vmem>>, %arg16: memref<80x256xf32, #tpu.memory_space<vmem>>, %arg17: memref<16000xf32, #tpu.memory_space<vmem>>, %arg18: memref<!tpu.dma_semaphore, #tpu.memory_space<semaphore_mem>>, %arg19: memref<!tpu.dma_semaphore, #tpu.memory_space<semaphore_mem>>, %arg20: memref<!tpu.dma_semaphore, #tpu.memory_space<semaphore_mem>>) attributes {dimension_semantics = [#tpu.dimension_semantics<core_parallel>, #tpu.dimension_semantics<subcore_parallel>], iteration_bounds = array<i64: 2, 16>, scalar_prefetch = 0 : i64, scratch_operands = 13 : i64, tpu.core_type = #tpu.core_type<sc_vector_subcore>, window_params = [{transform_indices = #map}, {transform_indices = #map1}, {transform_indices = #map1}, {transform_indices = #map1}, {transform_indices = #map2}, {transform_indices = #map}]} {
    %mul3A = arith.constant 2 : i32
    %mul3A_0 = arith.muli %arg1, %mul3A : i32
    %add3A = arith.addi %mul3A_0, %arg0 : i32
    %mul3A_1 = arith.constant 100 : i32
    %mul3A_2 = arith.muli %add3A, %mul3A_1 : i32
    "tpu.region"() ({
      %run_scoped3A = tpu.sem_alloc : memref<!tpu.dma_semaphore, #tpu.memory_space<semaphore_mem>>
      tpu.enqueue_dma source(%arg6 : memref<16000xf32, #tpu.memory_space<hbm>>) target(%arg17 : memref<16000xf32, #tpu.memory_space<vmem>>) target_semaphore(%run_scoped3A : memref<!tpu.dma_semaphore, #tpu.memory_space<semaphore_mem>>)
      tpu.wait_dma2 semaphore(%run_scoped3A : memref<!tpu.dma_semaphore, #tpu.memory_space<semaphore_mem>>) src(%arg6 : memref<16000xf32, #tpu.memory_space<hbm>>) dst(%arg17 : memref<16000xf32, #tpu.memory_space<vmem>>)
      tpu.yield
    }) : () -> ()
    %iota3A = tpu.iota {dimensions = array<i32: 0>} : vector<16xi32>
    "tpu.region"() ({
      %run_scoped3A = tpu.sem_alloc : memref<!tpu.dma_semaphore, #tpu.memory_space<semaphore_mem>>
      %dma_start3A_80 = arith.constant 0 : i32
      %dma_start3A_81 = arith.constant 0 : i32
      %dma_start3A_82 = tpu.memref_slice %arg2[%mul3A_2, %dma_start3A_80, %dma_start3A_81] : memref<3200x2x128xi32, #tpu.memory_space<hbm>> -> memref<1x2x128xi32, #tpu.memory_space<hbm>>
      %dma_start3A_83 = tpu.memref_squeeze %dma_start3A_82 : memref<1x2x128xi32, #tpu.memory_space<hbm>> -> memref<2x128xi32, #tpu.memory_space<hbm>>
      %dma_start3A_84 = arith.constant 0 : i32
      %dma_start3A_85 = arith.constant 0 : i32
      %dma_start3A_86 = tpu.memref_slice %arg2[%mul3A_2, %dma_start3A_84, %dma_start3A_85] : memref<3200x2x128xi32, #tpu.memory_space<hbm>> -> memref<1x2x128xi32, #tpu.memory_space<hbm>>
      %dma_start3A_87 = tpu.memref_squeeze %dma_start3A_86 : memref<1x2x128xi32, #tpu.memory_space<hbm>> -> memref<2x128xi32, #tpu.memory_space<hbm>>
      tpu.enqueue_dma source(%dma_start3A_87 : memref<2x128xi32, #tpu.memory_space<hbm>>) target(%arg8 : memref<2x128xi32, #tpu.memory_space<vmem>>) target_semaphore(%run_scoped3A : memref<!tpu.dma_semaphore, #tpu.memory_space<semaphore_mem>>)
      %dma_wait3A_88 = arith.constant 0 : i32
      %dma_wait3A_89 = arith.constant 0 : i32
      %dma_wait3A_90 = tpu.memref_slice %arg2[%mul3A_2, %dma_wait3A_88, %dma_wait3A_89] : memref<3200x2x128xi32, #tpu.memory_space<hbm>> -> memref<1x2x128xi32, #tpu.memory_space<hbm>>
      %dma_wait3A_91 = tpu.memref_squeeze %dma_wait3A_90 : memref<1x2x128xi32, #tpu.memory_space<hbm>> -> memref<2x128xi32, #tpu.memory_space<hbm>>
      %dma_wait3A_92 = arith.constant 0 : i32
      %dma_wait3A_93 = arith.constant 0 : i32
      %dma_wait3A_94 = tpu.memref_slice %arg2[%mul3A_2, %dma_wait3A_92, %dma_wait3A_93] : memref<3200x2x128xi32, #tpu.memory_space<hbm>> -> memref<1x2x128xi32, #tpu.memory_space<hbm>>
      %dma_wait3A_95 = tpu.memref_squeeze %dma_wait3A_94 : memref<1x2x128xi32, #tpu.memory_space<hbm>> -> memref<2x128xi32, #tpu.memory_space<hbm>>
      tpu.wait_dma2 semaphore(%run_scoped3A : memref<!tpu.dma_semaphore, #tpu.memory_space<semaphore_mem>>) src(%dma_wait3A_95 : memref<2x128xi32, #tpu.memory_space<hbm>>) dst(%arg8 : memref<2x128xi32, #tpu.memory_space<vmem>>)
      tpu.yield
    }) : () -> ()
    %dma_start3A = arith.constant 0 : i32
    %dma_start3A_3 = tpu.memref_slice %arg3[%mul3A_2, %dma_start3A] : memref<3200x256xi32, #tpu.memory_space<hbm>> -> memref<1x256xi32, #tpu.memory_space<hbm>>
    %dma_start3A_4 = tpu.memref_squeeze %dma_start3A_3 : memref<1x256xi32, #tpu.memory_space<hbm>> -> memref<256xi32, #tpu.memory_space<hbm>>
    %dma_start3A_5 = arith.constant 0 : i32
    %dma_start3A_6 = tpu.memref_slice %arg3[%mul3A_2, %dma_start3A_5] : memref<3200x256xi32, #tpu.memory_space<hbm>> -> memref<1x256xi32, #tpu.memory_space<hbm>>
    %dma_start3A_7 = tpu.memref_squeeze %dma_start3A_6 : memref<1x256xi32, #tpu.memory_space<hbm>> -> memref<256xi32, #tpu.memory_space<hbm>>
    tpu.enqueue_dma source(%dma_start3A_7 : memref<256xi32, #tpu.memory_space<hbm>>) target(%arg10 : memref<256xi32, #tpu.memory_space<vmem>>) target_semaphore(%arg18 : memref<!tpu.dma_semaphore, #tpu.memory_space<semaphore_mem>>)
    %dma_start3A_8 = arith.constant 0 : i32
    %dma_start3A_9 = tpu.memref_slice %arg4[%mul3A_2, %dma_start3A_8] : memref<3200x256xi32, #tpu.memory_space<hbm>> -> memref<1x256xi32, #tpu.memory_space<hbm>>
    %dma_start3A_10 = tpu.memref_squeeze %dma_start3A_9 : memref<1x256xi32, #tpu.memory_space<hbm>> -> memref<256xi32, #tpu.memory_space<hbm>>
    %dma_start3A_11 = arith.constant 0 : i32
    %dma_start3A_12 = tpu.memref_slice %arg4[%mul3A_2, %dma_start3A_11] : memref<3200x256xi32, #tpu.memory_space<hbm>> -> memref<1x256xi32, #tpu.memory_space<hbm>>
    %dma_start3A_13 = tpu.memref_squeeze %dma_start3A_12 : memref<1x256xi32, #tpu.memory_space<hbm>> -> memref<256xi32, #tpu.memory_space<hbm>>
    tpu.enqueue_dma source(%dma_start3A_13 : memref<256xi32, #tpu.memory_space<hbm>>) target(%arg12 : memref<256xi32, #tpu.memory_space<vmem>>) target_semaphore(%arg18 : memref<!tpu.dma_semaphore, #tpu.memory_space<semaphore_mem>>)
    %dma_start3A_14 = arith.constant 0 : i32
    %dma_start3A_15 = arith.constant 0 : i32
    %dma_start3A_16 = arith.constant 0 : i32
    %dma_start3A_17 = tpu.memref_slice %arg14[%dma_start3A_15, %dma_start3A_16] : memref<256x128xf32, #tpu.memory_space<vmem>> -> memref<128x128xf32, #tpu.memory_space<vmem>>
    %dma_start3A_18 = arith.constant 0 : i32
    %dma_start3A_19 = tpu.memref_slice %arg8[%dma_start3A_14, %dma_start3A_18] : memref<2x128xi32, #tpu.memory_space<vmem>> -> memref<1x128xi32, #tpu.memory_space<vmem>>
    %dma_start3A_20 = tpu.memref_squeeze %dma_start3A_19 : memref<1x128xi32, #tpu.memory_space<vmem>> -> memref<128xi32, #tpu.memory_space<vmem>>
    %dma_start3A_21 = arith.constant 0 : i32
    %dma_start3A_22 = arith.constant 0 : i32
    %dma_start3A_23 = tpu.memref_slice %arg5[%dma_start3A_21, %dma_start3A_22] : memref<500000x128xf32, #tpu.memory_space<hbm>> -> memref<500000x128xf32, #tpu.memory_space<hbm>>
    tpu.enqueue_indirect_dma source(%dma_start3A_23 : memref<500000x128xf32, #tpu.memory_space<hbm>>) target(%dma_start3A_17 : memref<128x128xf32, #tpu.memory_space<vmem>>) offsets(%dma_start3A_20 : memref<128xi32, #tpu.memory_space<vmem>>) semaphore(%arg18 : memref<!tpu.dma_semaphore, #tpu.memory_space<semaphore_mem>>)
    %dma_start3A_24 = arith.constant 1 : i32
    %dma_start3A_25 = arith.constant 128 : i32
    %dma_start3A_26 = arith.constant 0 : i32
    %dma_start3A_27 = tpu.memref_slice %arg14[%dma_start3A_25, %dma_start3A_26] : memref<256x128xf32, #tpu.memory_space<vmem>> -> memref<128x128xf32, #tpu.memory_space<vmem>>
    %dma_start3A_28 = arith.constant 0 : i32
    %dma_start3A_29 = tpu.memref_slice %arg8[%dma_start3A_24, %dma_start3A_28] : memref<2x128xi32, #tpu.memory_space<vmem>> -> memref<1x128xi32, #tpu.memory_space<vmem>>
    %dma_start3A_30 = tpu.memref_squeeze %dma_start3A_29 : memref<1x128xi32, #tpu.memory_space<vmem>> -> memref<128xi32, #tpu.memory_space<vmem>>
    %dma_start3A_31 = arith.constant 0 : i32
    %dma_start3A_32 = arith.constant 0 : i32
    %dma_start3A_33 = tpu.memref_slice %arg5[%dma_start3A_31, %dma_start3A_32] : memref<500000x128xf32, #tpu.memory_space<hbm>> -> memref<500000x128xf32, #tpu.memory_space<hbm>>
    tpu.enqueue_indirect_dma source(%dma_start3A_33 : memref<500000x128xf32, #tpu.memory_space<hbm>>) target(%dma_start3A_27 : memref<128x128xf32, #tpu.memory_space<vmem>>) offsets(%dma_start3A_30 : memref<128xi32, #tpu.memory_space<vmem>>) semaphore(%arg18 : memref<!tpu.dma_semaphore, #tpu.memory_space<semaphore_mem>>)
    %scan3A = arith.constant 0 : i32
    %scan3A_34 = arith.constant 0 : i32
    %scan3A_35 = arith.constant 50 : i32
    %scan3A_36 = arith.addi %scan3A_34, %scan3A_35 : i32
    %scan3A_37 = arith.constant 1 : i32
    scf.for %scan3A_80 = %scan3A_34 to %scan3A_36 step %scan3A_37  : i32 {
      %mul3A_81 = arith.constant 2 : i32
      %mul3A_82 = arith.muli %mul3A_81, %scan3A_80 : i32
      %add3A_83 = arith.addi %mul3A_2, %mul3A_82 : i32
      %add3A_84 = arith.constant 0 : i32
      %add3A_85 = arith.addi %add3A_83, %add3A_84 : i32
      %add3A_86 = arith.constant 1 : i32
      %add3A_87 = arith.addi %add3A_85, %add3A_86 : i32
      %add3A_88 = arith.constant 100 : i32
      %add3A_89 = arith.addi %mul3A_2, %add3A_88 : i32
      %lt3A_90 = arith.cmpi slt, %add3A_87, %add3A_89 : i32
      %convert_element_type3A = arith.extui %lt3A_90 : i1 to i32
      %cond3A = arith.constant 0 : i32
      %cond3A_91 = arith.cmpi ne, %convert_element_type3A, %cond3A : i32
      scf.if %cond3A_91 {
        "tpu.region"() ({
          %run_scoped3A = tpu.sem_alloc : memref<!tpu.dma_semaphore, #tpu.memory_space<semaphore_mem>>
          %dma_start3A_313 = arith.constant 0 : i32
          %dma_start3A_314 = arith.constant 0 : i32
          %dma_start3A_315 = tpu.memref_slice %arg2[%add3A_87, %dma_start3A_313, %dma_start3A_314] : memref<3200x2x128xi32, #tpu.memory_space<hbm>> -> memref<1x2x128xi32, #tpu.memory_space<hbm>>
          %dma_start3A_316 = tpu.memref_squeeze %dma_start3A_315 : memref<1x2x128xi32, #tpu.memory_space<hbm>> -> memref<2x128xi32, #tpu.memory_space<hbm>>
          %dma_start3A_317 = arith.constant 0 : i32
          %dma_start3A_318 = arith.constant 0 : i32
          %dma_start3A_319 = tpu.memref_slice %arg2[%add3A_87, %dma_start3A_317, %dma_start3A_318] : memref<3200x2x128xi32, #tpu.memory_space<hbm>> -> memref<1x2x128xi32, #tpu.memory_space<hbm>>
          %dma_start3A_320 = tpu.memref_squeeze %dma_start3A_319 : memref<1x2x128xi32, #tpu.memory_space<hbm>> -> memref<2x128xi32, #tpu.memory_space<hbm>>
          tpu.enqueue_dma source(%dma_start3A_320 : memref<2x128xi32, #tpu.memory_space<hbm>>) target(%arg9 : memref<2x128xi32, #tpu.memory_space<vmem>>) target_semaphore(%run_scoped3A : memref<!tpu.dma_semaphore, #tpu.memory_space<semaphore_mem>>)
          %dma_wait3A_321 = arith.constant 0 : i32
          %dma_wait3A_322 = arith.constant 0 : i32
          %dma_wait3A_323 = tpu.memref_slice %arg2[%add3A_87, %dma_wait3A_321, %dma_wait3A_322] : memref<3200x2x128xi32, #tpu.memory_space<hbm>> -> memref<1x2x128xi32, #tpu.memory_space<hbm>>
          %dma_wait3A_324 = tpu.memref_squeeze %dma_wait3A_323 : memref<1x2x128xi32, #tpu.memory_space<hbm>> -> memref<2x128xi32, #tpu.memory_space<hbm>>
          %dma_wait3A_325 = arith.constant 0 : i32
          %dma_wait3A_326 = arith.constant 0 : i32
          %dma_wait3A_327 = tpu.memref_slice %arg2[%add3A_87, %dma_wait3A_325, %dma_wait3A_326] : memref<3200x2x128xi32, #tpu.memory_space<hbm>> -> memref<1x2x128xi32, #tpu.memory_space<hbm>>
          %dma_wait3A_328 = tpu.memref_squeeze %dma_wait3A_327 : memref<1x2x128xi32, #tpu.memory_space<hbm>> -> memref<2x128xi32, #tpu.memory_space<hbm>>
          tpu.wait_dma2 semaphore(%run_scoped3A : memref<!tpu.dma_semaphore, #tpu.memory_space<semaphore_mem>>) src(%dma_wait3A_328 : memref<2x128xi32, #tpu.memory_space<hbm>>) dst(%arg9 : memref<2x128xi32, #tpu.memory_space<vmem>>)
          tpu.yield
        }) : () -> ()
        %dma_start3A_281 = arith.constant 0 : i32
        %dma_start3A_282 = tpu.memref_slice %arg3[%add3A_87, %dma_start3A_281] : memref<3200x256xi32, #tpu.memory_space<hbm>> -> memref<1x256xi32, #tpu.memory_space<hbm>>
        %dma_start3A_283 = tpu.memref_squeeze %dma_start3A_282 : memref<1x256xi32, #tpu.memory_space<hbm>> -> memref<256xi32, #tpu.memory_space<hbm>>
        %dma_start3A_284 = arith.constant 0 : i32
        %dma_start3A_285 = tpu.memref_slice %arg3[%add3A_87, %dma_start3A_284] : memref<3200x256xi32, #tpu.memory_space<hbm>> -> memref<1x256xi32, #tpu.memory_space<hbm>>
        %dma_start3A_286 = tpu.memref_squeeze %dma_start3A_285 : memref<1x256xi32, #tpu.memory_space<hbm>> -> memref<256xi32, #tpu.memory_space<hbm>>
        tpu.enqueue_dma source(%dma_start3A_286 : memref<256xi32, #tpu.memory_space<hbm>>) target(%arg11 : memref<256xi32, #tpu.memory_space<vmem>>) target_semaphore(%arg19 : memref<!tpu.dma_semaphore, #tpu.memory_space<semaphore_mem>>)
        %dma_start3A_287 = arith.constant 0 : i32
        %dma_start3A_288 = tpu.memref_slice %arg4[%add3A_87, %dma_start3A_287] : memref<3200x256xi32, #tpu.memory_space<hbm>> -> memref<1x256xi32, #tpu.memory_space<hbm>>
        %dma_start3A_289 = tpu.memref_squeeze %dma_start3A_288 : memref<1x256xi32, #tpu.memory_space<hbm>> -> memref<256xi32, #tpu.memory_space<hbm>>
        %dma_start3A_290 = arith.constant 0 : i32
        %dma_start3A_291 = tpu.memref_slice %arg4[%add3A_87, %dma_start3A_290] : memref<3200x256xi32, #tpu.memory_space<hbm>> -> memref<1x256xi32, #tpu.memory_space<hbm>>
        %dma_start3A_292 = tpu.memref_squeeze %dma_start3A_291 : memref<1x256xi32, #tpu.memory_space<hbm>> -> memref<256xi32, #tpu.memory_space<hbm>>
        tpu.enqueue_dma source(%dma_start3A_292 : memref<256xi32, #tpu.memory_space<hbm>>) target(%arg13 : memref<256xi32, #tpu.memory_space<vmem>>) target_semaphore(%arg19 : memref<!tpu.dma_semaphore, #tpu.memory_space<semaphore_mem>>)
        %dma_start3A_293 = arith.constant 0 : i32
        %dma_start3A_294 = arith.constant 0 : i32
        %dma_start3A_295 = arith.constant 0 : i32
        %dma_start3A_296 = tpu.memref_slice %arg15[%dma_start3A_294, %dma_start3A_295] : memref<256x128xf32, #tpu.memory_space<vmem>> -> memref<128x128xf32, #tpu.memory_space<vmem>>
        %dma_start3A_297 = arith.constant 0 : i32
        %dma_start3A_298 = tpu.memref_slice %arg9[%dma_start3A_293, %dma_start3A_297] : memref<2x128xi32, #tpu.memory_space<vmem>> -> memref<1x128xi32, #tpu.memory_space<vmem>>
        %dma_start3A_299 = tpu.memref_squeeze %dma_start3A_298 : memref<1x128xi32, #tpu.memory_space<vmem>> -> memref<128xi32, #tpu.memory_space<vmem>>
        %dma_start3A_300 = arith.constant 0 : i32
        %dma_start3A_301 = arith.constant 0 : i32
        %dma_start3A_302 = tpu.memref_slice %arg5[%dma_start3A_300, %dma_start3A_301] : memref<500000x128xf32, #tpu.memory_space<hbm>> -> memref<500000x128xf32, #tpu.memory_space<hbm>>
        tpu.enqueue_indirect_dma source(%dma_start3A_302 : memref<500000x128xf32, #tpu.memory_space<hbm>>) target(%dma_start3A_296 : memref<128x128xf32, #tpu.memory_space<vmem>>) offsets(%dma_start3A_299 : memref<128xi32, #tpu.memory_space<vmem>>) semaphore(%arg19 : memref<!tpu.dma_semaphore, #tpu.memory_space<semaphore_mem>>)
        %dma_start3A_303 = arith.constant 1 : i32
        %dma_start3A_304 = arith.constant 128 : i32
        %dma_start3A_305 = arith.constant 0 : i32
        %dma_start3A_306 = tpu.memref_slice %arg15[%dma_start3A_304, %dma_start3A_305] : memref<256x128xf32, #tpu.memory_space<vmem>> -> memref<128x128xf32, #tpu.memory_space<vmem>>
        %dma_start3A_307 = arith.constant 0 : i32
        %dma_start3A_308 = tpu.memref_slice %arg9[%dma_start3A_303, %dma_start3A_307] : memref<2x128xi32, #tpu.memory_space<vmem>> -> memref<1x128xi32, #tpu.memory_space<vmem>>
        %dma_start3A_309 = tpu.memref_squeeze %dma_start3A_308 : memref<1x128xi32, #tpu.memory_space<vmem>> -> memref<128xi32, #tpu.memory_space<vmem>>
        %dma_start3A_310 = arith.constant 0 : i32
        %dma_start3A_311 = arith.constant 0 : i32
        %dma_start3A_312 = tpu.memref_slice %arg5[%dma_start3A_310, %dma_start3A_311] : memref<500000x128xf32, #tpu.memory_space<hbm>> -> memref<500000x128xf32, #tpu.memory_space<hbm>>
        tpu.enqueue_indirect_dma source(%dma_start3A_312 : memref<500000x128xf32, #tpu.memory_space<hbm>>) target(%dma_start3A_306 : memref<128x128xf32, #tpu.memory_space<vmem>>) offsets(%dma_start3A_309 : memref<128xi32, #tpu.memory_space<vmem>>) semaphore(%arg19 : memref<!tpu.dma_semaphore, #tpu.memory_space<semaphore_mem>>)
      } else {
      }
      %dma_wait3A_92 = arith.constant 0 : i32
      %dma_wait3A_93 = tpu.memref_slice %arg3[%add3A_85, %dma_wait3A_92] : memref<3200x256xi32, #tpu.memory_space<hbm>> -> memref<1x256xi32, #tpu.memory_space<hbm>>
      %dma_wait3A_94 = tpu.memref_squeeze %dma_wait3A_93 : memref<1x256xi32, #tpu.memory_space<hbm>> -> memref<256xi32, #tpu.memory_space<hbm>>
      %dma_wait3A_95 = arith.constant 0 : i32
      %dma_wait3A_96 = tpu.memref_slice %arg3[%add3A_85, %dma_wait3A_95] : memref<3200x256xi32, #tpu.memory_space<hbm>> -> memref<1x256xi32, #tpu.memory_space<hbm>>
      %dma_wait3A_97 = tpu.memref_squeeze %dma_wait3A_96 : memref<1x256xi32, #tpu.memory_space<hbm>> -> memref<256xi32, #tpu.memory_space<hbm>>
      tpu.wait_dma2 semaphore(%arg18 : memref<!tpu.dma_semaphore, #tpu.memory_space<semaphore_mem>>) src(%dma_wait3A_97 : memref<256xi32, #tpu.memory_space<hbm>>) dst(%arg10 : memref<256xi32, #tpu.memory_space<vmem>>)
      %dma_wait3A_98 = arith.constant 0 : i32
      %dma_wait3A_99 = tpu.memref_slice %arg4[%add3A_85, %dma_wait3A_98] : memref<3200x256xi32, #tpu.memory_space<hbm>> -> memref<1x256xi32, #tpu.memory_space<hbm>>
      %dma_wait3A_100 = tpu.memref_squeeze %dma_wait3A_99 : memref<1x256xi32, #tpu.memory_space<hbm>> -> memref<256xi32, #tpu.memory_space<hbm>>
      %dma_wait3A_101 = arith.constant 0 : i32
      %dma_wait3A_102 = tpu.memref_slice %arg4[%add3A_85, %dma_wait3A_101] : memref<3200x256xi32, #tpu.memory_space<hbm>> -> memref<1x256xi32, #tpu.memory_space<hbm>>
      %dma_wait3A_103 = tpu.memref_squeeze %dma_wait3A_102 : memref<1x256xi32, #tpu.memory_space<hbm>> -> memref<256xi32, #tpu.memory_space<hbm>>
      tpu.wait_dma2 semaphore(%arg18 : memref<!tpu.dma_semaphore, #tpu.memory_space<semaphore_mem>>) src(%dma_wait3A_103 : memref<256xi32, #tpu.memory_space<hbm>>) dst(%arg12 : memref<256xi32, #tpu.memory_space<vmem>>)
      %dma_wait3A_104 = arith.constant 0 : i32
      %dma_wait3A_105 = arith.constant 0 : i32
      %dma_wait3A_106 = arith.constant 0 : i32
      %dma_wait3A_107 = tpu.memref_slice %arg14[%dma_wait3A_105, %dma_wait3A_106] : memref<256x128xf32, #tpu.memory_space<vmem>> -> memref<128x128xf32, #tpu.memory_space<vmem>>
      %dma_wait3A_108 = arith.constant 0 : i32
      %dma_wait3A_109 = tpu.memref_slice %arg8[%dma_wait3A_104, %dma_wait3A_108] : memref<2x128xi32, #tpu.memory_space<vmem>> -> memref<1x128xi32, #tpu.memory_space<vmem>>
      %dma_wait3A_110 = tpu.memref_squeeze %dma_wait3A_109 : memref<1x128xi32, #tpu.memory_space<vmem>> -> memref<128xi32, #tpu.memory_space<vmem>>
      %dma_wait3A_111 = arith.constant 0 : i32
      %dma_wait3A_112 = arith.constant 0 : i32
      %dma_wait3A_113 = tpu.memref_slice %arg5[%dma_wait3A_111, %dma_wait3A_112] : memref<500000x128xf32, #tpu.memory_space<hbm>> -> memref<500000x128xf32, #tpu.memory_space<hbm>>
      tpu.wait_indirect_dma semaphore(%arg18 : memref<!tpu.dma_semaphore, #tpu.memory_space<semaphore_mem>>) src(%dma_wait3A_113 : memref<500000x128xf32, #tpu.memory_space<hbm>>) dst(%dma_wait3A_107 : memref<128x128xf32, #tpu.memory_space<vmem>>)
      %dma_wait3A_114 = arith.constant 1 : i32
      %dma_wait3A_115 = arith.constant 128 : i32
      %dma_wait3A_116 = arith.constant 0 : i32
      %dma_wait3A_117 = tpu.memref_slice %arg14[%dma_wait3A_115, %dma_wait3A_116] : memref<256x128xf32, #tpu.memory_space<vmem>> -> memref<128x128xf32, #tpu.memory_space<vmem>>
      %dma_wait3A_118 = arith.constant 0 : i32
      %dma_wait3A_119 = tpu.memref_slice %arg8[%dma_wait3A_114, %dma_wait3A_118] : memref<2x128xi32, #tpu.memory_space<vmem>> -> memref<1x128xi32, #tpu.memory_space<vmem>>
      %dma_wait3A_120 = tpu.memref_squeeze %dma_wait3A_119 : memref<1x128xi32, #tpu.memory_space<vmem>> -> memref<128xi32, #tpu.memory_space<vmem>>
      %dma_wait3A_121 = arith.constant 0 : i32
      %dma_wait3A_122 = arith.constant 0 : i32
      %dma_wait3A_123 = tpu.memref_slice %arg5[%dma_wait3A_121, %dma_wait3A_122] : memref<500000x128xf32, #tpu.memory_space<hbm>> -> memref<500000x128xf32, #tpu.memory_space<hbm>>
      tpu.wait_indirect_dma semaphore(%arg18 : memref<!tpu.dma_semaphore, #tpu.memory_space<semaphore_mem>>) src(%dma_wait3A_123 : memref<500000x128xf32, #tpu.memory_space<hbm>>) dst(%dma_wait3A_117 : memref<128x128xf32, #tpu.memory_space<vmem>>)
      %gt3A = arith.cmpi sgt, %add3A_85, %mul3A_2 : i32
      %convert_element_type3A_124 = arith.extui %gt3A : i1 to i32
      %cond3A_125 = arith.constant 0 : i32
      %cond3A_126 = arith.cmpi ne, %convert_element_type3A_124, %cond3A_125 : i32
      scf.if %cond3A_126 {
        %sub3A_281 = arith.constant 1 : i32
        %sub3A_282 = arith.subi %add3A_85, %sub3A_281 : i32
        %jit3A_283 = arith.constant 16 : i32
        %div3A_284 = arith.divsi %sub3A_282, %jit3A_283 : i32
        %sign3A_285 = arith.constant 0 : i32
        %sign3A_286 = arith.cmpi sgt, %sub3A_282, %sign3A_285 : i32
        %sign3A_287 = arith.extui %sign3A_286 : i1 to i32
        %sign3A_288 = arith.constant 0 : i32
        %sign3A_289 = arith.cmpi slt, %sub3A_282, %sign3A_288 : i32
        %sign3A_290 = arith.extui %sign3A_289 : i1 to i32
        %sign3A_291 = arith.subi %sign3A_287, %sign3A_290 : i32
        %sign3A_292 = arith.constant 0 : i32
        %sign3A_293 = arith.cmpi sgt, %jit3A_283, %sign3A_292 : i32
        %sign3A_294 = arith.extui %sign3A_293 : i1 to i32
        %sign3A_295 = arith.constant 0 : i32
        %sign3A_296 = arith.cmpi slt, %jit3A_283, %sign3A_295 : i32
        %sign3A_297 = arith.extui %sign3A_296 : i1 to i32
        %sign3A_298 = arith.subi %sign3A_294, %sign3A_297 : i32
        %ne3A_299 = arith.cmpi ne, %sign3A_291, %sign3A_298 : i32
        %rem3A_300 = arith.remsi %sub3A_282, %jit3A_283 : i32
        %ne3A_301 = arith.constant 0 : i32
        %ne3A_302 = arith.cmpi ne, %rem3A_300, %ne3A_301 : i32
        %and3A_303 = arith.andi %ne3A_299, %ne3A_302 : i1
        %sub3A_304 = arith.constant 1 : i32
        %sub3A_305 = arith.subi %div3A_284, %sub3A_304 : i32
        %select_n3A_306 = arith.select %and3A_303, %sub3A_305, %div3A_284 : i32
        %jit3A_307 = arith.constant 16 : i32
        %eq3A_308 = arith.constant 0 : i32
        %eq3A_309 = arith.cmpi eq, %jit3A_307, %eq3A_308 : i32
        %jit3A_310 = arith.constant 1 : i32
        %select_n3A_311 = arith.select %eq3A_309, %jit3A_310, %jit3A_307 : i32
        %rem3A_312 = arith.remsi %sub3A_282, %select_n3A_311 : i32
        %ne3A_313 = arith.constant 0 : i32
        %ne3A_314 = arith.cmpi ne, %rem3A_312, %ne3A_313 : i32
        %lt3A_315 = arith.constant 0 : i32
        %lt3A_316 = arith.cmpi slt, %rem3A_312, %lt3A_315 : i32
        %lt3A_317 = arith.constant 0 : i32
        %lt3A_318 = arith.cmpi slt, %select_n3A_311, %lt3A_317 : i32
        %ne3A_319 = arith.xori %lt3A_316, %lt3A_318 : i1
        %and3A_320 = arith.andi %ne3A_319, %ne3A_314 : i1
        %add3A_321 = arith.addi %rem3A_312, %select_n3A_311 : i32
        %select_n3A_322 = arith.select %and3A_320, %add3A_321, %rem3A_312 : i32
        %mul3A_323 = arith.constant 256 : i32
        %mul3A_324 = arith.muli %select_n3A_322, %mul3A_323 : i32
        %dma_wait3A_325 = arith.constant 0 : i32
        %dma_wait3A_326 = tpu.memref_slice %arg7[%select_n3A_306, %dma_wait3A_325, %mul3A_324] : memref<200x80x4096xf32, #tpu.memory_space<hbm>> -> memref<1x80x256xf32, #tpu.memory_space<hbm>>
        %dma_wait3A_327 = tpu.memref_squeeze %dma_wait3A_326 : memref<1x80x256xf32, #tpu.memory_space<hbm>> -> memref<80x256xf32, #tpu.memory_space<hbm>>
        %dma_wait3A_328 = arith.constant 0 : i32
        %dma_wait3A_329 = tpu.memref_slice %arg7[%select_n3A_306, %dma_wait3A_328, %mul3A_324] : memref<200x80x4096xf32, #tpu.memory_space<hbm>> -> memref<1x80x256xf32, #tpu.memory_space<hbm>>
        %dma_wait3A_330 = tpu.memref_squeeze %dma_wait3A_329 : memref<1x80x256xf32, #tpu.memory_space<hbm>> -> memref<80x256xf32, #tpu.memory_space<hbm>>
        tpu.wait_dma2 semaphore(%arg20 : memref<!tpu.dma_semaphore, #tpu.memory_space<semaphore_mem>>) src(%arg16 : memref<80x256xf32, #tpu.memory_space<vmem>>) dst(%dma_wait3A_330 : memref<80x256xf32, #tpu.memory_space<hbm>>)
      } else {
      }
      %scan3A_127 = arith.constant 0 : i32
      %scan3A_128 = arith.constant 0 : i32
      %scan3A_129 = arith.constant 16 : i32
      %scan3A_130 = arith.addi %scan3A_128, %scan3A_129 : i32
      %scan3A_131 = arith.constant 1 : i32
      scf.for %scan3A_281 = %scan3A_128 to %scan3A_130 step %scan3A_131  : i32 {
        %mul3A_282 = arith.constant 16 : i32
        %mul3A_283 = arith.muli %scan3A_281, %mul3A_282 : i32
        %add3A_284 = vector.broadcast %mul3A_283 : i32 to vector<16xi32>
        %add3A_285 = arith.addi %add3A_284, %iota3A : vector<16xi32>
        %mul3A_286 = arith.constant 16 : i32
        %mul3A_287 = arith.muli %scan3A_281, %mul3A_286 : i32
        %get3A = arith.index_cast %mul3A_287 : i32 to index
        %get3A_288 = tpu.vector_load %arg10[%get3A] {strides = array<i32>} : memref<256xi32, #tpu.memory_space<vmem>>, vector<16xi32>,
        %mul3A_289 = arith.constant 16 : i32
        %mul3A_290 = arith.muli %scan3A_281, %mul3A_289 : i32
        %get3A_291 = arith.index_cast %mul3A_290 : i32 to index
        %get3A_292 = tpu.vector_load %arg12[%get3A_291] {strides = array<i32>} : memref<256xi32, #tpu.memory_space<vmem>>, vector<16xi32>,
        %mul3A_293 = arith.constant 16 : i32
        %mul3A_294 = vector.broadcast %mul3A_293 : i32 to vector<16xi32>
        %mul3A_295 = arith.muli %get3A_292, %mul3A_294 : vector<16xi32>
        %scan3A_296 = arith.constant 0 : i32
        %scan3A_297 = arith.constant 4 : i32
        %scan3A_298 = arith.addi %scan3A_296, %scan3A_297 : i32
        %scan3A_299 = arith.constant 1 : i32
        %scan3A_300 = scf.for %scan3A_482 = %scan3A_296 to %scan3A_298 step %scan3A_299 iter_args(%scan3A_483 = %iota3A) -> (vector<16xi32>)  : i32 {
          %add3A_484 = arith.addi %get3A_288, %scan3A_483 : vector<16xi32>
          %gather3A_485 = tpu.vector_load_idx %arg14[%add3A_285, %add3A_484] : memref<256x128xf32, #tpu.memory_space<vmem>>[vector<16xi32>, vector<16xi32>], vector<16xf32>,
          tpu.vector_store_idx %arg16[%scan3A_483, %add3A_285], %gather3A_485 : memref<80x256xf32, #tpu.memory_space<vmem>>[vector<16xi32>, vector<16xi32>], vector<16xf32>,
          %add3A_486 = arith.constant 1 : i32
          %add3A_487 = vector.broadcast %add3A_486 : i32 to vector<16xi32>
          %add3A_488 = arith.addi %scan3A_483, %add3A_487 : vector<16xi32>
          %and3A_489 = arith.constant 63 : i32
          %and3A_490 = vector.broadcast %and3A_489 : i32 to vector<16xi32>
          %and3A_491 = arith.andi %add3A_488, %and3A_490 : vector<16xi32>
          %add3A_492 = arith.addi %get3A_288, %and3A_491 : vector<16xi32>
          %gather3A_493 = tpu.vector_load_idx %arg14[%add3A_285, %add3A_492] : memref<256x128xf32, #tpu.memory_space<vmem>>[vector<16xi32>, vector<16xi32>], vector<16xf32>,
          tpu.vector_store_idx %arg16[%and3A_491, %add3A_285], %gather3A_493 : memref<80x256xf32, #tpu.memory_space<vmem>>[vector<16xi32>, vector<16xi32>], vector<16xf32>,
          %add3A_494 = arith.constant 1 : i32
          %add3A_495 = vector.broadcast %add3A_494 : i32 to vector<16xi32>
          %add3A_496 = arith.addi %and3A_491, %add3A_495 : vector<16xi32>
          %and3A_497 = arith.constant 63 : i32
          %and3A_498 = vector.broadcast %and3A_497 : i32 to vector<16xi32>
          %and3A_499 = arith.andi %add3A_496, %and3A_498 : vector<16xi32>
          %add3A_500 = arith.addi %get3A_288, %and3A_499 : vector<16xi32>
          %gather3A_501 = tpu.vector_load_idx %arg14[%add3A_285, %add3A_500] : memref<256x128xf32, #tpu.memory_space<vmem>>[vector<16xi32>, vector<16xi32>], vector<16xf32>,
          tpu.vector_store_idx %arg16[%and3A_499, %add3A_285], %gather3A_501 : memref<80x256xf32, #tpu.memory_space<vmem>>[vector<16xi32>, vector<16xi32>], vector<16xf32>,
          %add3A_502 = arith.constant 1 : i32
          %add3A_503 = vector.broadcast %add3A_502 : i32 to vector<16xi32>
          %add3A_504 = arith.addi %and3A_499, %add3A_503 : vector<16xi32>
          %and3A_505 = arith.constant 63 : i32
          %and3A_506 = vector.broadcast %and3A_505 : i32 to vector<16xi32>
          %and3A_507 = arith.andi %add3A_504, %and3A_506 : vector<16xi32>
          %add3A_508 = arith.addi %get3A_288, %and3A_507 : vector<16xi32>
          %gather3A_509 = tpu.vector_load_idx %arg14[%add3A_285, %add3A_508] : memref<256x128xf32, #tpu.memory_space<vmem>>[vector<16xi32>, vector<16xi32>], vector<16xf32>,
          tpu.vector_store_idx %arg16[%and3A_507, %add3A_285], %gather3A_509 : memref<80x256xf32, #tpu.memory_space<vmem>>[vector<16xi32>, vector<16xi32>], vector<16xf32>,
          %add3A_510 = arith.constant 1 : i32
          %add3A_511 = vector.broadcast %add3A_510 : i32 to vector<16xi32>
          %add3A_512 = arith.addi %and3A_507, %add3A_511 : vector<16xi32>
          %and3A_513 = arith.constant 63 : i32
          %and3A_514 = vector.broadcast %and3A_513 : i32 to vector<16xi32>
          %and3A_515 = arith.andi %add3A_512, %and3A_514 : vector<16xi32>
          %add3A_516 = arith.addi %get3A_288, %and3A_515 : vector<16xi32>
          %gather3A_517 = tpu.vector_load_idx %arg14[%add3A_285, %add3A_516] : memref<256x128xf32, #tpu.memory_space<vmem>>[vector<16xi32>, vector<16xi32>], vector<16xf32>,
          tpu.vector_store_idx %arg16[%and3A_515, %add3A_285], %gather3A_517 : memref<80x256xf32, #tpu.memory_space<vmem>>[vector<16xi32>, vector<16xi32>], vector<16xf32>,
          %add3A_518 = arith.constant 1 : i32
          %add3A_519 = vector.broadcast %add3A_518 : i32 to vector<16xi32>
          %add3A_520 = arith.addi %and3A_515, %add3A_519 : vector<16xi32>
          %and3A_521 = arith.constant 63 : i32
          %and3A_522 = vector.broadcast %and3A_521 : i32 to vector<16xi32>
          %and3A_523 = arith.andi %add3A_520, %and3A_522 : vector<16xi32>
          %add3A_524 = arith.addi %get3A_288, %and3A_523 : vector<16xi32>
          %gather3A_525 = tpu.vector_load_idx %arg14[%add3A_285, %add3A_524] : memref<256x128xf32, #tpu.memory_space<vmem>>[vector<16xi32>, vector<16xi32>], vector<16xf32>,
          tpu.vector_store_idx %arg16[%and3A_523, %add3A_285], %gather3A_525 : memref<80x256xf32, #tpu.memory_space<vmem>>[vector<16xi32>, vector<16xi32>], vector<16xf32>,
          %add3A_526 = arith.constant 1 : i32
          %add3A_527 = vector.broadcast %add3A_526 : i32 to vector<16xi32>
          %add3A_528 = arith.addi %and3A_523, %add3A_527 : vector<16xi32>
          %and3A_529 = arith.constant 63 : i32
          %and3A_530 = vector.broadcast %and3A_529 : i32 to vector<16xi32>
          %and3A_531 = arith.andi %add3A_528, %and3A_530 : vector<16xi32>
          %add3A_532 = arith.addi %get3A_288, %and3A_531 : vector<16xi32>
          %gather3A_533 = tpu.vector_load_idx %arg14[%add3A_285, %add3A_532] : memref<256x128xf32, #tpu.memory_space<vmem>>[vector<16xi32>, vector<16xi32>], vector<16xf32>,
          tpu.vector_store_idx %arg16[%and3A_531, %add3A_285], %gather3A_533 : memref<80x256xf32, #tpu.memory_space<vmem>>[vector<16xi32>, vector<16xi32>], vector<16xf32>,
          %add3A_534 = arith.constant 1 : i32
          %add3A_535 = vector.broadcast %add3A_534 : i32 to vector<16xi32>
          %add3A_536 = arith.addi %and3A_531, %add3A_535 : vector<16xi32>
          %and3A_537 = arith.constant 63 : i32
          %and3A_538 = vector.broadcast %and3A_537 : i32 to vector<16xi32>
          %and3A_539 = arith.andi %add3A_536, %and3A_538 : vector<16xi32>
          %add3A_540 = arith.addi %get3A_288, %and3A_539 : vector<16xi32>
          %gather3A_541 = tpu.vector_load_idx %arg14[%add3A_285, %add3A_540] : memref<256x128xf32, #tpu.memory_space<vmem>>[vector<16xi32>, vector<16xi32>], vector<16xf32>,
          tpu.vector_store_idx %arg16[%and3A_539, %add3A_285], %gather3A_541 : memref<80x256xf32, #tpu.memory_space<vmem>>[vector<16xi32>, vector<16xi32>], vector<16xf32>,
          %add3A_542 = arith.constant 1 : i32
          %add3A_543 = vector.broadcast %add3A_542 : i32 to vector<16xi32>
          %add3A_544 = arith.addi %and3A_539, %add3A_543 : vector<16xi32>
          %and3A_545 = arith.constant 63 : i32
          %and3A_546 = vector.broadcast %and3A_545 : i32 to vector<16xi32>
          %and3A_547 = arith.andi %add3A_544, %and3A_546 : vector<16xi32>
          %add3A_548 = arith.addi %get3A_288, %and3A_547 : vector<16xi32>
          %gather3A_549 = tpu.vector_load_idx %arg14[%add3A_285, %add3A_548] : memref<256x128xf32, #tpu.memory_space<vmem>>[vector<16xi32>, vector<16xi32>], vector<16xf32>,
          tpu.vector_store_idx %arg16[%and3A_547, %add3A_285], %gather3A_549 : memref<80x256xf32, #tpu.memory_space<vmem>>[vector<16xi32>, vector<16xi32>], vector<16xf32>,
          %add3A_550 = arith.constant 1 : i32
          %add3A_551 = vector.broadcast %add3A_550 : i32 to vector<16xi32>
          %add3A_552 = arith.addi %and3A_547, %add3A_551 : vector<16xi32>
          %and3A_553 = arith.constant 63 : i32
          %and3A_554 = vector.broadcast %and3A_553 : i32 to vector<16xi32>
          %and3A_555 = arith.andi %add3A_552, %and3A_554 : vector<16xi32>
          %add3A_556 = arith.addi %get3A_288, %and3A_555 : vector<16xi32>
          %gather3A_557 = tpu.vector_load_idx %arg14[%add3A_285, %add3A_556] : memref<256x128xf32, #tpu.memory_space<vmem>>[vector<16xi32>, vector<16xi32>], vector<16xf32>,
          tpu.vector_store_idx %arg16[%and3A_555, %add3A_285], %gather3A_557 : memref<80x256xf32, #tpu.memory_space<vmem>>[vector<16xi32>, vector<16xi32>], vector<16xf32>,
          %add3A_558 = arith.constant 1 : i32
          %add3A_559 = vector.broadcast %add3A_558 : i32 to vector<16xi32>
          %add3A_560 = arith.addi %and3A_555, %add3A_559 : vector<16xi32>
          %and3A_561 = arith.constant 63 : i32
          %and3A_562 = vector.broadcast %and3A_561 : i32 to vector<16xi32>
          %and3A_563 = arith.andi %add3A_560, %and3A_562 : vector<16xi32>
          %add3A_564 = arith.addi %get3A_288, %and3A_563 : vector<16xi32>
          %gather3A_565 = tpu.vector_load_idx %arg14[%add3A_285, %add3A_564] : memref<256x128xf32, #tpu.memory_space<vmem>>[vector<16xi32>, vector<16xi32>], vector<16xf32>,
          tpu.vector_store_idx %arg16[%and3A_563, %add3A_285], %gather3A_565 : memref<80x256xf32, #tpu.memory_space<vmem>>[vector<16xi32>, vector<16xi32>], vector<16xf32>,
          %add3A_566 = arith.constant 1 : i32
          %add3A_567 = vector.broadcast %add3A_566 : i32 to vector<16xi32>
          %add3A_568 = arith.addi %and3A_563, %add3A_567 : vector<16xi32>
          %and3A_569 = arith.constant 63 : i32
          %and3A_570 = vector.broadcast %and3A_569 : i32 to vector<16xi32>
          %and3A_571 = arith.andi %add3A_568, %and3A_570 : vector<16xi32>
          %add3A_572 = arith.addi %get3A_288, %and3A_571 : vector<16xi32>
          %gather3A_573 = tpu.vector_load_idx %arg14[%add3A_285, %add3A_572] : memref<256x128xf32, #tpu.memory_space<vmem>>[vector<16xi32>, vector<16xi32>], vector<16xf32>,
          tpu.vector_store_idx %arg16[%and3A_571, %add3A_285], %gather3A_573 : memref<80x256xf32, #tpu.memory_space<vmem>>[vector<16xi32>, vector<16xi32>], vector<16xf32>,
          %add3A_574 = arith.constant 1 : i32
          %add3A_575 = vector.broadcast %add3A_574 : i32 to vector<16xi32>
          %add3A_576 = arith.addi %and3A_571, %add3A_575 : vector<16xi32>
          %and3A_577 = arith.constant 63 : i32
          %and3A_578 = vector.broadcast %and3A_577 : i32 to vector<16xi32>
          %and3A_579 = arith.andi %add3A_576, %and3A_578 : vector<16xi32>
          %add3A_580 = arith.addi %get3A_288, %and3A_579 : vector<16xi32>
          %gather3A_581 = tpu.vector_load_idx %arg14[%add3A_285, %add3A_580] : memref<256x128xf32, #tpu.memory_space<vmem>>[vector<16xi32>, vector<16xi32>], vector<16xf32>,
          tpu.vector_store_idx %arg16[%and3A_579, %add3A_285], %gather3A_581 : memref<80x256xf32, #tpu.memory_space<vmem>>[vector<16xi32>, vector<16xi32>], vector<16xf32>,
          %add3A_582 = arith.constant 1 : i32
          %add3A_583 = vector.broadcast %add3A_582 : i32 to vector<16xi32>
          %add3A_584 = arith.addi %and3A_579, %add3A_583 : vector<16xi32>
          %and3A_585 = arith.constant 63 : i32
          %and3A_586 = vector.broadcast %and3A_585 : i32 to vector<16xi32>
          %and3A_587 = arith.andi %add3A_584, %and3A_586 : vector<16xi32>
          %add3A_588 = arith.addi %get3A_288, %and3A_587 : vector<16xi32>
          %gather3A_589 = tpu.vector_load_idx %arg14[%add3A_285, %add3A_588] : memref<256x128xf32, #tpu.memory_space<vmem>>[vector<16xi32>, vector<16xi32>], vector<16xf32>,
          tpu.vector_store_idx %arg16[%and3A_587, %add3A_285], %gather3A_589 : memref<80x256xf32, #tpu.memory_space<vmem>>[vector<16xi32>, vector<16xi32>], vector<16xf32>,
          %add3A_590 = arith.constant 1 : i32
          %add3A_591 = vector.broadcast %add3A_590 : i32 to vector<16xi32>
          %add3A_592 = arith.addi %and3A_587, %add3A_591 : vector<16xi32>
          %and3A_593 = arith.constant 63 : i32
          %and3A_594 = vector.broadcast %and3A_593 : i32 to vector<16xi32>
          %and3A_595 = arith.andi %add3A_592, %and3A_594 : vector<16xi32>
          %add3A_596 = arith.addi %get3A_288, %and3A_595 : vector<16xi32>
          %gather3A_597 = tpu.vector_load_idx %arg14[%add3A_285, %add3A_596] : memref<256x128xf32, #tpu.memory_space<vmem>>[vector<16xi32>, vector<16xi32>], vector<16xf32>,
          tpu.vector_store_idx %arg16[%and3A_595, %add3A_285], %gather3A_597 : memref<80x256xf32, #tpu.memory_space<vmem>>[vector<16xi32>, vector<16xi32>], vector<16xf32>,
          %add3A_598 = arith.constant 1 : i32
          %add3A_599 = vector.broadcast %add3A_598 : i32 to vector<16xi32>
          %add3A_600 = arith.addi %and3A_595, %add3A_599 : vector<16xi32>
          %and3A_601 = arith.constant 63 : i32
          %and3A_602 = vector.broadcast %and3A_601 : i32 to vector<16xi32>
          %and3A_603 = arith.andi %add3A_600, %and3A_602 : vector<16xi32>
          %add3A_604 = arith.addi %get3A_288, %and3A_603 : vector<16xi32>
          %gather3A_605 = tpu.vector_load_idx %arg14[%add3A_285, %add3A_604] : memref<256x128xf32, #tpu.memory_space<vmem>>[vector<16xi32>, vector<16xi32>], vector<16xf32>,
          tpu.vector_store_idx %arg16[%and3A_603, %add3A_285], %gather3A_605 : memref<80x256xf32, #tpu.memory_space<vmem>>[vector<16xi32>, vector<16xi32>], vector<16xf32>,
          %add3A_606 = arith.constant 1 : i32
          %add3A_607 = vector.broadcast %add3A_606 : i32 to vector<16xi32>
          %add3A_608 = arith.addi %and3A_603, %add3A_607 : vector<16xi32>
          %and3A_609 = arith.constant 63 : i32
          %and3A_610 = vector.broadcast %and3A_609 : i32 to vector<16xi32>
          %and3A_611 = arith.andi %add3A_608, %and3A_610 : vector<16xi32>
          scf.yield %and3A_611 : vector<16xi32>
        }
        %scan3A_301 = arith.constant 4 : i32
        %and3A_302 = arith.constant 15 : i32
        %and3A_303 = vector.broadcast %and3A_302 : i32 to vector<16xi32>
        %and3A_304 = arith.andi %iota3A, %and3A_303 : vector<16xi32>
        %scan3A_305 = arith.constant 0 : i32
        %add3A_306 = arith.addi %mul3A_295, %and3A_304 : vector<16xi32>
        %gather3A = tpu.vector_load_idx %arg17[%add3A_306] : memref<16000xf32, #tpu.memory_space<vmem>>[vector<16xi32>], vector<16xf32>,
        %add3A_307 = arith.constant 64 : i32
        %add3A_308 = vector.broadcast %add3A_307 : i32 to vector<16xi32>
        %add3A_309 = arith.addi %add3A_308, %and3A_304 : vector<16xi32>
        tpu.vector_store_idx %arg16[%add3A_309, %add3A_285], %gather3A : memref<80x256xf32, #tpu.memory_space<vmem>>[vector<16xi32>, vector<16xi32>], vector<16xf32>,
        %add3A_310 = arith.constant 1 : i32
        %add3A_311 = vector.broadcast %add3A_310 : i32 to vector<16xi32>
        %add3A_312 = arith.addi %and3A_304, %add3A_311 : vector<16xi32>
        %and3A_313 = arith.constant 15 : i32
        %and3A_314 = vector.broadcast %and3A_313 : i32 to vector<16xi32>
        %and3A_315 = arith.andi %add3A_312, %and3A_314 : vector<16xi32>
        %add3A_316 = arith.addi %mul3A_295, %and3A_315 : vector<16xi32>
        %gather3A_317 = tpu.vector_load_idx %arg17[%add3A_316] : memref<16000xf32, #tpu.memory_space<vmem>>[vector<16xi32>], vector<16xf32>,
        %add3A_318 = arith.constant 64 : i32
        %add3A_319 = vector.broadcast %add3A_318 : i32 to vector<16xi32>
        %add3A_320 = arith.addi %add3A_319, %and3A_315 : vector<16xi32>
        tpu.vector_store_idx %arg16[%add3A_320, %add3A_285], %gather3A_317 : memref<80x256xf32, #tpu.memory_space<vmem>>[vector<16xi32>, vector<16xi32>], vector<16xf32>,
        %add3A_321 = arith.constant 1 : i32
        %add3A_322 = vector.broadcast %add3A_321 : i32 to vector<16xi32>
        %add3A_323 = arith.addi %and3A_315, %add3A_322 : vector<16xi32>
        %and3A_324 = arith.constant 15 : i32
        %and3A_325 = vector.broadcast %and3A_324 : i32 to vector<16xi32>
        %and3A_326 = arith.andi %add3A_323, %and3A_325 : vector<16xi32>
        %add3A_327 = arith.addi %mul3A_295, %and3A_326 : vector<16xi32>
        %gather3A_328 = tpu.vector_load_idx %arg17[%add3A_327] : memref<16000xf32, #tpu.memory_space<vmem>>[vector<16xi32>], vector<16xf32>,
        %add3A_329 = arith.constant 64 : i32
        %add3A_330 = vector.broadcast %add3A_329 : i32 to vector<16xi32>
        %add3A_331 = arith.addi %add3A_330, %and3A_326 : vector<16xi32>
        tpu.vector_store_idx %arg16[%add3A_331, %add3A_285], %gather3A_328 : memref<80x256xf32, #tpu.memory_space<vmem>>[vector<16xi32>, vector<16xi32>], vector<16xf32>,
        %add3A_332 = arith.constant 1 : i32
        %add3A_333 = vector.broadcast %add3A_332 : i32 to vector<16xi32>
        %add3A_334 = arith.addi %and3A_326, %add3A_333 : vector<16xi32>
        %and3A_335 = arith.constant 15 : i32
        %and3A_336 = vector.broadcast %and3A_335 : i32 to vector<16xi32>
        %and3A_337 = arith.andi %add3A_334, %and3A_336 : vector<16xi32>
        %add3A_338 = arith.addi %mul3A_295, %and3A_337 : vector<16xi32>
        %gather3A_339 = tpu.vector_load_idx %arg17[%add3A_338] : memref<16000xf32, #tpu.memory_space<vmem>>[vector<16xi32>], vector<16xf32>,
        %add3A_340 = arith.constant 64 : i32
        %add3A_341 = vector.broadcast %add3A_340 : i32 to vector<16xi32>
        %add3A_342 = arith.addi %add3A_341, %and3A_337 : vector<16xi32>
        tpu.vector_store_idx %arg16[%add3A_342, %add3A_285], %gather3A_339 : memref<80x256xf32, #tpu.memory_space<vmem>>[vector<16xi32>, vector<16xi32>], vector<16xf32>,
        %add3A_343 = arith.constant 1 : i32
        %add3A_344 = vector.broadcast %add3A_343 : i32 to vector<16xi32>
        %add3A_345 = arith.addi %and3A_337, %add3A_344 : vector<16xi32>
        %and3A_346 = arith.constant 15 : i32
        %and3A_347 = vector.broadcast %and3A_346 : i32 to vector<16xi32>
        %and3A_348 = arith.andi %add3A_345, %and3A_347 : vector<16xi32>
        %add3A_349 = arith.addi %mul3A_295, %and3A_348 : vector<16xi32>
        %gather3A_350 = tpu.vector_load_idx %arg17[%add3A_349] : memref<16000xf32, #tpu.memory_space<vmem>>[vector<16xi32>], vector<16xf32>,
        %add3A_351 = arith.constant 64 : i32
        %add3A_352 = vector.broadcast %add3A_351 : i32 to vector<16xi32>
        %add3A_353 = arith.addi %add3A_352, %and3A_348 : vector<16xi32>
        tpu.vector_store_idx %arg16[%add3A_353, %add3A_285], %gather3A_350 : memref<80x256xf32, #tpu.memory_space<vmem>>[vector<16xi32>, vector<16xi32>], vector<16xf32>,
        %add3A_354 = arith.constant 1 : i32
        %add3A_355 = vector.broadcast %add3A_354 : i32 to vector<16xi32>
        %add3A_356 = arith.addi %and3A_348, %add3A_355 : vector<16xi32>
        %and3A_357 = arith.constant 15 : i32
        %and3A_358 = vector.broadcast %and3A_357 : i32 to vector<16xi32>
        %and3A_359 = arith.andi %add3A_356, %and3A_358 : vector<16xi32>
        %add3A_360 = arith.addi %mul3A_295, %and3A_359 : vector<16xi32>
        %gather3A_361 = tpu.vector_load_idx %arg17[%add3A_360] : memref<16000xf32, #tpu.memory_space<vmem>>[vector<16xi32>], vector<16xf32>,
        %add3A_362 = arith.constant 64 : i32
        %add3A_363 = vector.broadcast %add3A_362 : i32 to vector<16xi32>
        %add3A_364 = arith.addi %add3A_363, %and3A_359 : vector<16xi32>
        tpu.vector_store_idx %arg16[%add3A_364, %add3A_285], %gather3A_361 : memref<80x256xf32, #tpu.memory_space<vmem>>[vector<16xi32>, vector<16xi32>], vector<16xf32>,
        %add3A_365 = arith.constant 1 : i32
        %add3A_366 = vector.broadcast %add3A_365 : i32 to vector<16xi32>
        %add3A_367 = arith.addi %and3A_359, %add3A_366 : vector<16xi32>
        %and3A_368 = arith.constant 15 : i32
        %and3A_369 = vector.broadcast %and3A_368 : i32 to vector<16xi32>
        %and3A_370 = arith.andi %add3A_367, %and3A_369 : vector<16xi32>
        %add3A_371 = arith.addi %mul3A_295, %and3A_370 : vector<16xi32>
        %gather3A_372 = tpu.vector_load_idx %arg17[%add3A_371] : memref<16000xf32, #tpu.memory_space<vmem>>[vector<16xi32>], vector<16xf32>,
        %add3A_373 = arith.constant 64 : i32
        %add3A_374 = vector.broadcast %add3A_373 : i32 to vector<16xi32>
        %add3A_375 = arith.addi %add3A_374, %and3A_370 : vector<16xi32>
        tpu.vector_store_idx %arg16[%add3A_375, %add3A_285], %gather3A_372 : memref<80x256xf32, #tpu.memory_space<vmem>>[vector<16xi32>, vector<16xi32>], vector<16xf32>,
        %add3A_376 = arith.constant 1 : i32
        %add3A_377 = vector.broadcast %add3A_376 : i32 to vector<16xi32>
        %add3A_378 = arith.addi %and3A_370, %add3A_377 : vector<16xi32>
        %and3A_379 = arith.constant 15 : i32
        %and3A_380 = vector.broadcast %and3A_379 : i32 to vector<16xi32>
        %and3A_381 = arith.andi %add3A_378, %and3A_380 : vector<16xi32>
        %add3A_382 = arith.addi %mul3A_295, %and3A_381 : vector<16xi32>
        %gather3A_383 = tpu.vector_load_idx %arg17[%add3A_382] : memref<16000xf32, #tpu.memory_space<vmem>>[vector<16xi32>], vector<16xf32>,
        %add3A_384 = arith.constant 64 : i32
        %add3A_385 = vector.broadcast %add3A_384 : i32 to vector<16xi32>
        %add3A_386 = arith.addi %add3A_385, %and3A_381 : vector<16xi32>
        tpu.vector_store_idx %arg16[%add3A_386, %add3A_285], %gather3A_383 : memref<80x256xf32, #tpu.memory_space<vmem>>[vector<16xi32>, vector<16xi32>], vector<16xf32>,
        %add3A_387 = arith.constant 1 : i32
        %add3A_388 = vector.broadcast %add3A_387 : i32 to vector<16xi32>
        %add3A_389 = arith.addi %and3A_381, %add3A_388 : vector<16xi32>
        %and3A_390 = arith.constant 15 : i32
        %and3A_391 = vector.broadcast %and3A_390 : i32 to vector<16xi32>
        %and3A_392 = arith.andi %add3A_389, %and3A_391 : vector<16xi32>
        %add3A_393 = arith.addi %mul3A_295, %and3A_392 : vector<16xi32>
        %gather3A_394 = tpu.vector_load_idx %arg17[%add3A_393] : memref<16000xf32, #tpu.memory_space<vmem>>[vector<16xi32>], vector<16xf32>,
        %add3A_395 = arith.constant 64 : i32
        %add3A_396 = vector.broadcast %add3A_395 : i32 to vector<16xi32>
        %add3A_397 = arith.addi %add3A_396, %and3A_392 : vector<16xi32>
        tpu.vector_store_idx %arg16[%add3A_397, %add3A_285], %gather3A_394 : memref<80x256xf32, #tpu.memory_space<vmem>>[vector<16xi32>, vector<16xi32>], vector<16xf32>,
        %add3A_398 = arith.constant 1 : i32
        %add3A_399 = vector.broadcast %add3A_398 : i32 to vector<16xi32>
        %add3A_400 = arith.addi %and3A_392, %add3A_399 : vector<16xi32>
        %and3A_401 = arith.constant 15 : i32
        %and3A_402 = vector.broadcast %and3A_401 : i32 to vector<16xi32>
        %and3A_403 = arith.andi %add3A_400, %and3A_402 : vector<16xi32>
        %add3A_404 = arith.addi %mul3A_295, %and3A_403 : vector<16xi32>
        %gather3A_405 = tpu.vector_load_idx %arg17[%add3A_404] : memref<16000xf32, #tpu.memory_space<vmem>>[vector<16xi32>], vector<16xf32>,
        %add3A_406 = arith.constant 64 : i32
        %add3A_407 = vector.broadcast %add3A_406 : i32 to vector<16xi32>
        %add3A_408 = arith.addi %add3A_407, %and3A_403 : vector<16xi32>
        tpu.vector_store_idx %arg16[%add3A_408, %add3A_285], %gather3A_405 : memref<80x256xf32, #tpu.memory_space<vmem>>[vector<16xi32>, vector<16xi32>], vector<16xf32>,
        %add3A_409 = arith.constant 1 : i32
        %add3A_410 = vector.broadcast %add3A_409 : i32 to vector<16xi32>
        %add3A_411 = arith.addi %and3A_403, %add3A_410 : vector<16xi32>
        %and3A_412 = arith.constant 15 : i32
        %and3A_413 = vector.broadcast %and3A_412 : i32 to vector<16xi32>
        %and3A_414 = arith.andi %add3A_411, %and3A_413 : vector<16xi32>
        %add3A_415 = arith.addi %mul3A_295, %and3A_414 : vector<16xi32>
        %gather3A_416 = tpu.vector_load_idx %arg17[%add3A_415] : memref<16000xf32, #tpu.memory_space<vmem>>[vector<16xi32>], vector<16xf32>,
        %add3A_417 = arith.constant 64 : i32
        %add3A_418 = vector.broadcast %add3A_417 : i32 to vector<16xi32>
        %add3A_419 = arith.addi %add3A_418, %and3A_414 : vector<16xi32>
        tpu.vector_store_idx %arg16[%add3A_419, %add3A_285], %gather3A_416 : memref<80x256xf32, #tpu.memory_space<vmem>>[vector<16xi32>, vector<16xi32>], vector<16xf32>,
        %add3A_420 = arith.constant 1 : i32
        %add3A_421 = vector.broadcast %add3A_420 : i32 to vector<16xi32>
        %add3A_422 = arith.addi %and3A_414, %add3A_421 : vector<16xi32>
        %and3A_423 = arith.constant 15 : i32
        %and3A_424 = vector.broadcast %and3A_423 : i32 to vector<16xi32>
        %and3A_425 = arith.andi %add3A_422, %and3A_424 : vector<16xi32>
        %add3A_426 = arith.addi %mul3A_295, %and3A_425 : vector<16xi32>
        %gather3A_427 = tpu.vector_load_idx %arg17[%add3A_426] : memref<16000xf32, #tpu.memory_space<vmem>>[vector<16xi32>], vector<16xf32>,
        %add3A_428 = arith.constant 64 : i32
        %add3A_429 = vector.broadcast %add3A_428 : i32 to vector<16xi32>
        %add3A_430 = arith.addi %add3A_429, %and3A_425 : vector<16xi32>
        tpu.vector_store_idx %arg16[%add3A_430, %add3A_285], %gather3A_427 : memref<80x256xf32, #tpu.memory_space<vmem>>[vector<16xi32>, vector<16xi32>], vector<16xf32>,
        %add3A_431 = arith.constant 1 : i32
        %add3A_432 = vector.broadcast %add3A_431 : i32 to vector<16xi32>
        %add3A_433 = arith.addi %and3A_425, %add3A_432 : vector<16xi32>
        %and3A_434 = arith.constant 15 : i32
        %and3A_435 = vector.broadcast %and3A_434 : i32 to vector<16xi32>
        %and3A_436 = arith.andi %add3A_433, %and3A_435 : vector<16xi32>
        %add3A_437 = arith.addi %mul3A_295, %and3A_436 : vector<16xi32>
        %gather3A_438 = tpu.vector_load_idx %arg17[%add3A_437] : memref<16000xf32, #tpu.memory_space<vmem>>[vector<16xi32>], vector<16xf32>,
        %add3A_439 = arith.constant 64 : i32
        %add3A_440 = vector.broadcast %add3A_439 : i32 to vector<16xi32>
        %add3A_441 = arith.addi %add3A_440, %and3A_436 : vector<16xi32>
        tpu.vector_store_idx %arg16[%add3A_441, %add3A_285], %gather3A_438 : memref<80x256xf32, #tpu.memory_space<vmem>>[vector<16xi32>, vector<16xi32>], vector<16xf32>,
        %add3A_442 = arith.constant 1 : i32
        %add3A_443 = vector.broadcast %add3A_442 : i32 to vector<16xi32>
        %add3A_444 = arith.addi %and3A_436, %add3A_443 : vector<16xi32>
        %and3A_445 = arith.constant 15 : i32
        %and3A_446 = vector.broadcast %and3A_445 : i32 to vector<16xi32>
        %and3A_447 = arith.andi %add3A_444, %and3A_446 : vector<16xi32>
        %add3A_448 = arith.addi %mul3A_295, %and3A_447 : vector<16xi32>
        %gather3A_449 = tpu.vector_load_idx %arg17[%add3A_448] : memref<16000xf32, #tpu.memory_space<vmem>>[vector<16xi32>], vector<16xf32>,
        %add3A_450 = arith.constant 64 : i32
        %add3A_451 = vector.broadcast %add3A_450 : i32 to vector<16xi32>
        %add3A_452 = arith.addi %add3A_451, %and3A_447 : vector<16xi32>
        tpu.vector_store_idx %arg16[%add3A_452, %add3A_285], %gather3A_449 : memref<80x256xf32, #tpu.memory_space<vmem>>[vector<16xi32>, vector<16xi32>], vector<16xf32>,
        %add3A_453 = arith.constant 1 : i32
        %add3A_454 = vector.broadcast %add3A_453 : i32 to vector<16xi32>
        %add3A_455 = arith.addi %and3A_447, %add3A_454 : vector<16xi32>
        %and3A_456 = arith.constant 15 : i32
        %and3A_457 = vector.broadcast %and3A_456 : i32 to vector<16xi32>
        %and3A_458 = arith.andi %add3A_455, %and3A_457 : vector<16xi32>
        %add3A_459 = arith.addi %mul3A_295, %and3A_458 : vector<16xi32>
        %gather3A_460 = tpu.vector_load_idx %arg17[%add3A_459] : memref<16000xf32, #tpu.memory_space<vmem>>[vector<16xi32>], vector<16xf32>,
        %add3A_461 = arith.constant 64 : i32
        %add3A_462 = vector.broadcast %add3A_461 : i32 to vector<16xi32>
        %add3A_463 = arith.addi %add3A_462, %and3A_458 : vector<16xi32>
        tpu.vector_store_idx %arg16[%add3A_463, %add3A_285], %gather3A_460 : memref<80x256xf32, #tpu.memory_space<vmem>>[vector<16xi32>, vector<16xi32>], vector<16xf32>,
        %add3A_464 = arith.constant 1 : i32
        %add3A_465 = vector.broadcast %add3A_464 : i32 to vector<16xi32>
        %add3A_466 = arith.addi %and3A_458, %add3A_465 : vector<16xi32>
        %and3A_467 = arith.constant 15 : i32
        %and3A_468 = vector.broadcast %and3A_467 : i32 to vector<16xi32>
        %and3A_469 = arith.andi %add3A_466, %and3A_468 : vector<16xi32>
        %add3A_470 = arith.addi %mul3A_295, %and3A_469 : vector<16xi32>
        %gather3A_471 = tpu.vector_load_idx %arg17[%add3A_470] : memref<16000xf32, #tpu.memory_space<vmem>>[vector<16xi32>], vector<16xf32>,
        %add3A_472 = arith.constant 64 : i32
        %add3A_473 = vector.broadcast %add3A_472 : i32 to vector<16xi32>
        %add3A_474 = arith.addi %add3A_473, %and3A_469 : vector<16xi32>
        tpu.vector_store_idx %arg16[%add3A_474, %add3A_285], %gather3A_471 : memref<80x256xf32, #tpu.memory_space<vmem>>[vector<16xi32>, vector<16xi32>], vector<16xf32>,
        %add3A_475 = arith.constant 1 : i32
        %add3A_476 = vector.broadcast %add3A_475 : i32 to vector<16xi32>
        %add3A_477 = arith.addi %and3A_469, %add3A_476 : vector<16xi32>
        %and3A_478 = arith.constant 15 : i32
        %and3A_479 = vector.broadcast %and3A_478 : i32 to vector<16xi32>
        %and3A_480 = arith.andi %add3A_477, %and3A_479 : vector<16xi32>
        %scan3A_481 = arith.constant 1 : i32
      }
      %scan3A_132 = arith.constant 16 : i32
      %jit3A_133 = arith.constant 16 : i32
      %div3A_134 = arith.divsi %add3A_85, %jit3A_133 : i32
      %sign3A_135 = arith.constant 0 : i32
      %sign3A_136 = arith.cmpi sgt, %add3A_85, %sign3A_135 : i32
      %sign3A_137 = arith.extui %sign3A_136 : i1 to i32
      %sign3A_138 = arith.constant 0 : i32
      %sign3A_139 = arith.cmpi slt, %add3A_85, %sign3A_138 : i32
      %sign3A_140 = arith.extui %sign3A_139 : i1 to i32
      %sign3A_141 = arith.subi %sign3A_137, %sign3A_140 : i32
      %sign3A_142 = arith.constant 0 : i32
      %sign3A_143 = arith.cmpi sgt, %jit3A_133, %sign3A_142 : i32
      %sign3A_144 = arith.extui %sign3A_143 : i1 to i32
      %sign3A_145 = arith.constant 0 : i32
      %sign3A_146 = arith.cmpi slt, %jit3A_133, %sign3A_145 : i32
      %sign3A_147 = arith.extui %sign3A_146 : i1 to i32
      %sign3A_148 = arith.subi %sign3A_144, %sign3A_147 : i32
      %ne3A_149 = arith.cmpi ne, %sign3A_141, %sign3A_148 : i32
      %rem3A_150 = arith.remsi %add3A_85, %jit3A_133 : i32
      %ne3A_151 = arith.constant 0 : i32
      %ne3A_152 = arith.cmpi ne, %rem3A_150, %ne3A_151 : i32
      %and3A_153 = arith.andi %ne3A_149, %ne3A_152 : i1
      %sub3A_154 = arith.constant 1 : i32
      %sub3A_155 = arith.subi %div3A_134, %sub3A_154 : i32
      %select_n3A_156 = arith.select %and3A_153, %sub3A_155, %div3A_134 : i32
      %jit3A_157 = arith.constant 16 : i32
      %eq3A_158 = arith.constant 0 : i32
      %eq3A_159 = arith.cmpi eq, %jit3A_157, %eq3A_158 : i32
      %jit3A_160 = arith.constant 1 : i32
      %select_n3A_161 = arith.select %eq3A_159, %jit3A_160, %jit3A_157 : i32
      %rem3A_162 = arith.remsi %add3A_85, %select_n3A_161 : i32
      %ne3A_163 = arith.constant 0 : i32
      %ne3A_164 = arith.cmpi ne, %rem3A_162, %ne3A_163 : i32
      %lt3A_165 = arith.constant 0 : i32
      %lt3A_166 = arith.cmpi slt, %rem3A_162, %lt3A_165 : i32
      %lt3A_167 = arith.constant 0 : i32
      %lt3A_168 = arith.cmpi slt, %select_n3A_161, %lt3A_167 : i32
      %ne3A_169 = arith.xori %lt3A_166, %lt3A_168 : i1
      %and3A_170 = arith.andi %ne3A_169, %ne3A_164 : i1
      %add3A_171 = arith.addi %rem3A_162, %select_n3A_161 : i32
      %select_n3A_172 = arith.select %and3A_170, %add3A_171, %rem3A_162 : i32
      %mul3A_173 = arith.constant 256 : i32
      %mul3A_174 = arith.muli %select_n3A_172, %mul3A_173 : i32
      %dma_start3A_175 = arith.constant 0 : i32
      %dma_start3A_176 = tpu.memref_slice %arg7[%select_n3A_156, %dma_start3A_175, %mul3A_174] : memref<200x80x4096xf32, #tpu.memory_space<hbm>> -> memref<1x80x256xf32, #tpu.memory_space<hbm>>
      %dma_start3A_177 = tpu.memref_squeeze %dma_start3A_176 : memref<1x80x256xf32, #tpu.memory_space<hbm>> -> memref<80x256xf32, #tpu.memory_space<hbm>>
      %dma_start3A_178 = arith.constant 0 : i32
      %dma_start3A_179 = tpu.memref_slice %arg7[%select_n3A_156, %dma_start3A_178, %mul3A_174] : memref<200x80x4096xf32, #tpu.memory_space<hbm>> -> memref<1x80x256xf32, #tpu.memory_space<hbm>>
      %dma_start3A_180 = tpu.memref_squeeze %dma_start3A_179 : memref<1x80x256xf32, #tpu.memory_space<hbm>> -> memref<80x256xf32, #tpu.memory_space<hbm>>
      tpu.enqueue_dma source(%arg16 : memref<80x256xf32, #tpu.memory_space<vmem>>) target(%dma_start3A_180 : memref<80x256xf32, #tpu.memory_space<hbm>>) target_semaphore(%arg20 : memref<!tpu.dma_semaphore, #tpu.memory_space<semaphore_mem>>)
      %add3A_181 = arith.constant 1 : i32
      %add3A_182 = arith.addi %add3A_83, %add3A_181 : i32
      %add3A_183 = arith.constant 1 : i32
      %add3A_184 = arith.addi %add3A_182, %add3A_183 : i32
      %add3A_185 = arith.constant 100 : i32
      %add3A_186 = arith.addi %mul3A_2, %add3A_185 : i32
      %lt3A_187 = arith.cmpi slt, %add3A_184, %add3A_186 : i32
      %convert_element_type3A_188 = arith.extui %lt3A_187 : i1 to i32
      %cond3A_189 = arith.constant 0 : i32
      %cond3A_190 = arith.cmpi ne, %convert_element_type3A_188, %cond3A_189 : i32
      scf.if %cond3A_190 {
        "tpu.region"() ({
          %run_scoped3A = tpu.sem_alloc : memref<!tpu.dma_semaphore, #tpu.memory_space<semaphore_mem>>
          %dma_start3A_313 = arith.constant 0 : i32
          %dma_start3A_314 = arith.constant 0 : i32
          %dma_start3A_315 = tpu.memref_slice %arg2[%add3A_184, %dma_start3A_313, %dma_start3A_314] : memref<3200x2x128xi32, #tpu.memory_space<hbm>> -> memref<1x2x128xi32, #tpu.memory_space<hbm>>
          %dma_start3A_316 = tpu.memref_squeeze %dma_start3A_315 : memref<1x2x128xi32, #tpu.memory_space<hbm>> -> memref<2x128xi32, #tpu.memory_space<hbm>>
          %dma_start3A_317 = arith.constant 0 : i32
          %dma_start3A_318 = arith.constant 0 : i32
          %dma_start3A_319 = tpu.memref_slice %arg2[%add3A_184, %dma_start3A_317, %dma_start3A_318] : memref<3200x2x128xi32, #tpu.memory_space<hbm>> -> memref<1x2x128xi32, #tpu.memory_space<hbm>>
          %dma_start3A_320 = tpu.memref_squeeze %dma_start3A_319 : memref<1x2x128xi32, #tpu.memory_space<hbm>> -> memref<2x128xi32, #tpu.memory_space<hbm>>
          tpu.enqueue_dma source(%dma_start3A_320 : memref<2x128xi32, #tpu.memory_space<hbm>>) target(%arg8 : memref<2x128xi32, #tpu.memory_space<vmem>>) target_semaphore(%run_scoped3A : memref<!tpu.dma_semaphore, #tpu.memory_space<semaphore_mem>>)
          %dma_wait3A_321 = arith.constant 0 : i32
          %dma_wait3A_322 = arith.constant 0 : i32
          %dma_wait3A_323 = tpu.memref_slice %arg2[%add3A_184, %dma_wait3A_321, %dma_wait3A_322] : memref<3200x2x128xi32, #tpu.memory_space<hbm>> -> memref<1x2x128xi32, #tpu.memory_space<hbm>>
          %dma_wait3A_324 = tpu.memref_squeeze %dma_wait3A_323 : memref<1x2x128xi32, #tpu.memory_space<hbm>> -> memref<2x128xi32, #tpu.memory_space<hbm>>
          %dma_wait3A_325 = arith.constant 0 : i32
          %dma_wait3A_326 = arith.constant 0 : i32
          %dma_wait3A_327 = tpu.memref_slice %arg2[%add3A_184, %dma_wait3A_325, %dma_wait3A_326] : memref<3200x2x128xi32, #tpu.memory_space<hbm>> -> memref<1x2x128xi32, #tpu.memory_space<hbm>>
          %dma_wait3A_328 = tpu.memref_squeeze %dma_wait3A_327 : memref<1x2x128xi32, #tpu.memory_space<hbm>> -> memref<2x128xi32, #tpu.memory_space<hbm>>
          tpu.wait_dma2 semaphore(%run_scoped3A : memref<!tpu.dma_semaphore, #tpu.memory_space<semaphore_mem>>) src(%dma_wait3A_328 : memref<2x128xi32, #tpu.memory_space<hbm>>) dst(%arg8 : memref<2x128xi32, #tpu.memory_space<vmem>>)
          tpu.yield
        }) : () -> ()
        %dma_start3A_281 = arith.constant 0 : i32
        %dma_start3A_282 = tpu.memref_slice %arg3[%add3A_184, %dma_start3A_281] : memref<3200x256xi32, #tpu.memory_space<hbm>> -> memref<1x256xi32, #tpu.memory_space<hbm>>
        %dma_start3A_283 = tpu.memref_squeeze %dma_start3A_282 : memref<1x256xi32, #tpu.memory_space<hbm>> -> memref<256xi32, #tpu.memory_space<hbm>>
        %dma_start3A_284 = arith.constant 0 : i32
        %dma_start3A_285 = tpu.memref_slice %arg3[%add3A_184, %dma_start3A_284] : memref<3200x256xi32, #tpu.memory_space<hbm>> -> memref<1x256xi32, #tpu.memory_space<hbm>>
        %dma_start3A_286 = tpu.memref_squeeze %dma_start3A_285 : memref<1x256xi32, #tpu.memory_space<hbm>> -> memref<256xi32, #tpu.memory_space<hbm>>
        tpu.enqueue_dma source(%dma_start3A_286 : memref<256xi32, #tpu.memory_space<hbm>>) target(%arg10 : memref<256xi32, #tpu.memory_space<vmem>>) target_semaphore(%arg18 : memref<!tpu.dma_semaphore, #tpu.memory_space<semaphore_mem>>)
        %dma_start3A_287 = arith.constant 0 : i32
        %dma_start3A_288 = tpu.memref_slice %arg4[%add3A_184, %dma_start3A_287] : memref<3200x256xi32, #tpu.memory_space<hbm>> -> memref<1x256xi32, #tpu.memory_space<hbm>>
        %dma_start3A_289 = tpu.memref_squeeze %dma_start3A_288 : memref<1x256xi32, #tpu.memory_space<hbm>> -> memref<256xi32, #tpu.memory_space<hbm>>
        %dma_start3A_290 = arith.constant 0 : i32
        %dma_start3A_291 = tpu.memref_slice %arg4[%add3A_184, %dma_start3A_290] : memref<3200x256xi32, #tpu.memory_space<hbm>> -> memref<1x256xi32, #tpu.memory_space<hbm>>
        %dma_start3A_292 = tpu.memref_squeeze %dma_start3A_291 : memref<1x256xi32, #tpu.memory_space<hbm>> -> memref<256xi32, #tpu.memory_space<hbm>>
        tpu.enqueue_dma source(%dma_start3A_292 : memref<256xi32, #tpu.memory_space<hbm>>) target(%arg12 : memref<256xi32, #tpu.memory_space<vmem>>) target_semaphore(%arg18 : memref<!tpu.dma_semaphore, #tpu.memory_space<semaphore_mem>>)
        %dma_start3A_293 = arith.constant 0 : i32
        %dma_start3A_294 = arith.constant 0 : i32
        %dma_start3A_295 = arith.constant 0 : i32
        %dma_start3A_296 = tpu.memref_slice %arg14[%dma_start3A_294, %dma_start3A_295] : memref<256x128xf32, #tpu.memory_space<vmem>> -> memref<128x128xf32, #tpu.memory_space<vmem>>
        %dma_start3A_297 = arith.constant 0 : i32
        %dma_start3A_298 = tpu.memref_slice %arg8[%dma_start3A_293, %dma_start3A_297] : memref<2x128xi32, #tpu.memory_space<vmem>> -> memref<1x128xi32, #tpu.memory_space<vmem>>
        %dma_start3A_299 = tpu.memref_squeeze %dma_start3A_298 : memref<1x128xi32, #tpu.memory_space<vmem>> -> memref<128xi32, #tpu.memory_space<vmem>>
        %dma_start3A_300 = arith.constant 0 : i32
        %dma_start3A_301 = arith.constant 0 : i32
        %dma_start3A_302 = tpu.memref_slice %arg5[%dma_start3A_300, %dma_start3A_301] : memref<500000x128xf32, #tpu.memory_space<hbm>> -> memref<500000x128xf32, #tpu.memory_space<hbm>>
        tpu.enqueue_indirect_dma source(%dma_start3A_302 : memref<500000x128xf32, #tpu.memory_space<hbm>>) target(%dma_start3A_296 : memref<128x128xf32, #tpu.memory_space<vmem>>) offsets(%dma_start3A_299 : memref<128xi32, #tpu.memory_space<vmem>>) semaphore(%arg18 : memref<!tpu.dma_semaphore, #tpu.memory_space<semaphore_mem>>)
        %dma_start3A_303 = arith.constant 1 : i32
        %dma_start3A_304 = arith.constant 128 : i32
        %dma_start3A_305 = arith.constant 0 : i32
        %dma_start3A_306 = tpu.memref_slice %arg14[%dma_start3A_304, %dma_start3A_305] : memref<256x128xf32, #tpu.memory_space<vmem>> -> memref<128x128xf32, #tpu.memory_space<vmem>>
        %dma_start3A_307 = arith.constant 0 : i32
        %dma_start3A_308 = tpu.memref_slice %arg8[%dma_start3A_303, %dma_start3A_307] : memref<2x128xi32, #tpu.memory_space<vmem>> -> memref<1x128xi32, #tpu.memory_space<vmem>>
        %dma_start3A_309 = tpu.memref_squeeze %dma_start3A_308 : memref<1x128xi32, #tpu.memory_space<vmem>> -> memref<128xi32, #tpu.memory_space<vmem>>
        %dma_start3A_310 = arith.constant 0 : i32
        %dma_start3A_311 = arith.constant 0 : i32
        %dma_start3A_312 = tpu.memref_slice %arg5[%dma_start3A_310, %dma_start3A_311] : memref<500000x128xf32, #tpu.memory_space<hbm>> -> memref<500000x128xf32, #tpu.memory_space<hbm>>
        tpu.enqueue_indirect_dma source(%dma_start3A_312 : memref<500000x128xf32, #tpu.memory_space<hbm>>) target(%dma_start3A_306 : memref<128x128xf32, #tpu.memory_space<vmem>>) offsets(%dma_start3A_309 : memref<128xi32, #tpu.memory_space<vmem>>) semaphore(%arg18 : memref<!tpu.dma_semaphore, #tpu.memory_space<semaphore_mem>>)
      } else {
      }
      %dma_wait3A_191 = arith.constant 0 : i32
      %dma_wait3A_192 = tpu.memref_slice %arg3[%add3A_182, %dma_wait3A_191] : memref<3200x256xi32, #tpu.memory_space<hbm>> -> memref<1x256xi32, #tpu.memory_space<hbm>>
      %dma_wait3A_193 = tpu.memref_squeeze %dma_wait3A_192 : memref<1x256xi32, #tpu.memory_space<hbm>> -> memref<256xi32, #tpu.memory_space<hbm>>
      %dma_wait3A_194 = arith.constant 0 : i32
      %dma_wait3A_195 = tpu.memref_slice %arg3[%add3A_182, %dma_wait3A_194] : memref<3200x256xi32, #tpu.memory_space<hbm>> -> memref<1x256xi32, #tpu.memory_space<hbm>>
      %dma_wait3A_196 = tpu.memref_squeeze %dma_wait3A_195 : memref<1x256xi32, #tpu.memory_space<hbm>> -> memref<256xi32, #tpu.memory_space<hbm>>
      tpu.wait_dma2 semaphore(%arg19 : memref<!tpu.dma_semaphore, #tpu.memory_space<semaphore_mem>>) src(%dma_wait3A_196 : memref<256xi32, #tpu.memory_space<hbm>>) dst(%arg11 : memref<256xi32, #tpu.memory_space<vmem>>)
      %dma_wait3A_197 = arith.constant 0 : i32
      %dma_wait3A_198 = tpu.memref_slice %arg4[%add3A_182, %dma_wait3A_197] : memref<3200x256xi32, #tpu.memory_space<hbm>> -> memref<1x256xi32, #tpu.memory_space<hbm>>
      %dma_wait3A_199 = tpu.memref_squeeze %dma_wait3A_198 : memref<1x256xi32, #tpu.memory_space<hbm>> -> memref<256xi32, #tpu.memory_space<hbm>>
      %dma_wait3A_200 = arith.constant 0 : i32
      %dma_wait3A_201 = tpu.memref_slice %arg4[%add3A_182, %dma_wait3A_200] : memref<3200x256xi32, #tpu.memory_space<hbm>> -> memref<1x256xi32, #tpu.memory_space<hbm>>
      %dma_wait3A_202 = tpu.memref_squeeze %dma_wait3A_201 : memref<1x256xi32, #tpu.memory_space<hbm>> -> memref<256xi32, #tpu.memory_space<hbm>>
      tpu.wait_dma2 semaphore(%arg19 : memref<!tpu.dma_semaphore, #tpu.memory_space<semaphore_mem>>) src(%dma_wait3A_202 : memref<256xi32, #tpu.memory_space<hbm>>) dst(%arg13 : memref<256xi32, #tpu.memory_space<vmem>>)
      %dma_wait3A_203 = arith.constant 0 : i32
      %dma_wait3A_204 = arith.constant 0 : i32
      %dma_wait3A_205 = arith.constant 0 : i32
      %dma_wait3A_206 = tpu.memref_slice %arg15[%dma_wait3A_204, %dma_wait3A_205] : memref<256x128xf32, #tpu.memory_space<vmem>> -> memref<128x128xf32, #tpu.memory_space<vmem>>
      %dma_wait3A_207 = arith.constant 0 : i32
      %dma_wait3A_208 = tpu.memref_slice %arg9[%dma_wait3A_203, %dma_wait3A_207] : memref<2x128xi32, #tpu.memory_space<vmem>> -> memref<1x128xi32, #tpu.memory_space<vmem>>
      %dma_wait3A_209 = tpu.memref_squeeze %dma_wait3A_208 : memref<1x128xi32, #tpu.memory_space<vmem>> -> memref<128xi32, #tpu.memory_space<vmem>>
      %dma_wait3A_210 = arith.constant 0 : i32
      %dma_wait3A_211 = arith.constant 0 : i32
      %dma_wait3A_212 = tpu.memref_slice %arg5[%dma_wait3A_210, %dma_wait3A_211] : memref<500000x128xf32, #tpu.memory_space<hbm>> -> memref<500000x128xf32, #tpu.memory_space<hbm>>
      tpu.wait_indirect_dma semaphore(%arg19 : memref<!tpu.dma_semaphore, #tpu.memory_space<semaphore_mem>>) src(%dma_wait3A_212 : memref<500000x128xf32, #tpu.memory_space<hbm>>) dst(%dma_wait3A_206 : memref<128x128xf32, #tpu.memory_space<vmem>>)
      %dma_wait3A_213 = arith.constant 1 : i32
      %dma_wait3A_214 = arith.constant 128 : i32
      %dma_wait3A_215 = arith.constant 0 : i32
      %dma_wait3A_216 = tpu.memref_slice %arg15[%dma_wait3A_214, %dma_wait3A_215] : memref<256x128xf32, #tpu.memory_space<vmem>> -> memref<128x128xf32, #tpu.memory_space<vmem>>
      %dma_wait3A_217 = arith.constant 0 : i32
      %dma_wait3A_218 = tpu.memref_slice %arg9[%dma_wait3A_213, %dma_wait3A_217] : memref<2x128xi32, #tpu.memory_space<vmem>> -> memref<1x128xi32, #tpu.memory_space<vmem>>
      %dma_wait3A_219 = tpu.memref_squeeze %dma_wait3A_218 : memref<1x128xi32, #tpu.memory_space<vmem>> -> memref<128xi32, #tpu.memory_space<vmem>>
      %dma_wait3A_220 = arith.constant 0 : i32
      %dma_wait3A_221 = arith.constant 0 : i32
      %dma_wait3A_222 = tpu.memref_slice %arg5[%dma_wait3A_220, %dma_wait3A_221] : memref<500000x128xf32, #tpu.memory_space<hbm>> -> memref<500000x128xf32, #tpu.memory_space<hbm>>
      tpu.wait_indirect_dma semaphore(%arg19 : memref<!tpu.dma_semaphore, #tpu.memory_space<semaphore_mem>>) src(%dma_wait3A_222 : memref<500000x128xf32, #tpu.memory_space<hbm>>) dst(%dma_wait3A_216 : memref<128x128xf32, #tpu.memory_space<vmem>>)
      %gt3A_223 = arith.cmpi sgt, %add3A_182, %mul3A_2 : i32
      %convert_element_type3A_224 = arith.extui %gt3A_223 : i1 to i32
      %cond3A_225 = arith.constant 0 : i32
      %cond3A_226 = arith.cmpi ne, %convert_element_type3A_224, %cond3A_225 : i32
      scf.if %cond3A_226 {
        %sub3A_281 = arith.constant 1 : i32
        %sub3A_282 = arith.subi %add3A_182, %sub3A_281 : i32
        %jit3A_283 = arith.constant 16 : i32
        %div3A_284 = arith.divsi %sub3A_282, %jit3A_283 : i32
        %sign3A_285 = arith.constant 0 : i32
        %sign3A_286 = arith.cmpi sgt, %sub3A_282, %sign3A_285 : i32
        %sign3A_287 = arith.extui %sign3A_286 : i1 to i32
        %sign3A_288 = arith.constant 0 : i32
        %sign3A_289 = arith.cmpi slt, %sub3A_282, %sign3A_288 : i32
        %sign3A_290 = arith.extui %sign3A_289 : i1 to i32
        %sign3A_291 = arith.subi %sign3A_287, %sign3A_290 : i32
        %sign3A_292 = arith.constant 0 : i32
        %sign3A_293 = arith.cmpi sgt, %jit3A_283, %sign3A_292 : i32
        %sign3A_294 = arith.extui %sign3A_293 : i1 to i32
        %sign3A_295 = arith.constant 0 : i32
        %sign3A_296 = arith.cmpi slt, %jit3A_283, %sign3A_295 : i32
        %sign3A_297 = arith.extui %sign3A_296 : i1 to i32
        %sign3A_298 = arith.subi %sign3A_294, %sign3A_297 : i32
        %ne3A_299 = arith.cmpi ne, %sign3A_291, %sign3A_298 : i32
        %rem3A_300 = arith.remsi %sub3A_282, %jit3A_283 : i32
        %ne3A_301 = arith.constant 0 : i32
        %ne3A_302 = arith.cmpi ne, %rem3A_300, %ne3A_301 : i32
        %and3A_303 = arith.andi %ne3A_299, %ne3A_302 : i1
        %sub3A_304 = arith.constant 1 : i32
        %sub3A_305 = arith.subi %div3A_284, %sub3A_304 : i32
        %select_n3A_306 = arith.select %and3A_303, %sub3A_305, %div3A_284 : i32
        %jit3A_307 = arith.constant 16 : i32
        %eq3A_308 = arith.constant 0 : i32
        %eq3A_309 = arith.cmpi eq, %jit3A_307, %eq3A_308 : i32
        %jit3A_310 = arith.constant 1 : i32
        %select_n3A_311 = arith.select %eq3A_309, %jit3A_310, %jit3A_307 : i32
        %rem3A_312 = arith.remsi %sub3A_282, %select_n3A_311 : i32
        %ne3A_313 = arith.constant 0 : i32
        %ne3A_314 = arith.cmpi ne, %rem3A_312, %ne3A_313 : i32
        %lt3A_315 = arith.constant 0 : i32
        %lt3A_316 = arith.cmpi slt, %rem3A_312, %lt3A_315 : i32
        %lt3A_317 = arith.constant 0 : i32
        %lt3A_318 = arith.cmpi slt, %select_n3A_311, %lt3A_317 : i32
        %ne3A_319 = arith.xori %lt3A_316, %lt3A_318 : i1
        %and3A_320 = arith.andi %ne3A_319, %ne3A_314 : i1
        %add3A_321 = arith.addi %rem3A_312, %select_n3A_311 : i32
        %select_n3A_322 = arith.select %and3A_320, %add3A_321, %rem3A_312 : i32
        %mul3A_323 = arith.constant 256 : i32
        %mul3A_324 = arith.muli %select_n3A_322, %mul3A_323 : i32
        %dma_wait3A_325 = arith.constant 0 : i32
        %dma_wait3A_326 = tpu.memref_slice %arg7[%select_n3A_306, %dma_wait3A_325, %mul3A_324] : memref<200x80x4096xf32, #tpu.memory_space<hbm>> -> memref<1x80x256xf32, #tpu.memory_space<hbm>>
        %dma_wait3A_327 = tpu.memref_squeeze %dma_wait3A_326 : memref<1x80x256xf32, #tpu.memory_space<hbm>> -> memref<80x256xf32, #tpu.memory_space<hbm>>
        %dma_wait3A_328 = arith.constant 0 : i32
        %dma_wait3A_329 = tpu.memref_slice %arg7[%select_n3A_306, %dma_wait3A_328, %mul3A_324] : memref<200x80x4096xf32, #tpu.memory_space<hbm>> -> memref<1x80x256xf32, #tpu.memory_space<hbm>>
        %dma_wait3A_330 = tpu.memref_squeeze %dma_wait3A_329 : memref<1x80x256xf32, #tpu.memory_space<hbm>> -> memref<80x256xf32, #tpu.memory_space<hbm>>
        tpu.wait_dma2 semaphore(%arg20 : memref<!tpu.dma_semaphore, #tpu.memory_space<semaphore_mem>>) src(%arg16 : memref<80x256xf32, #tpu.memory_space<vmem>>) dst(%dma_wait3A_330 : memref<80x256xf32, #tpu.memory_space<hbm>>)
      } else {
      }
      %scan3A_227 = arith.constant 0 : i32
      %scan3A_228 = arith.constant 0 : i32
      %scan3A_229 = arith.constant 16 : i32
      %scan3A_230 = arith.addi %scan3A_228, %scan3A_229 : i32
      %scan3A_231 = arith.constant 1 : i32
      scf.for %scan3A_281 = %scan3A_228 to %scan3A_230 step %scan3A_231  : i32 {
        %mul3A_282 = arith.constant 16 : i32
        %mul3A_283 = arith.muli %scan3A_281, %mul3A_282 : i32
        %add3A_284 = vector.broadcast %mul3A_283 : i32 to vector<16xi32>
        %add3A_285 = arith.addi %add3A_284, %iota3A : vector<16xi32>
        %mul3A_286 = arith.constant 16 : i32
        %mul3A_287 = arith.muli %scan3A_281, %mul3A_286 : i32
        %get3A = arith.index_cast %mul3A_287 : i32 to index
        %get3A_288 = tpu.vector_load %arg11[%get3A] {strides = array<i32>} : memref<256xi32, #tpu.memory_space<vmem>>, vector<16xi32>,
        %mul3A_289 = arith.constant 16 : i32
        %mul3A_290 = arith.muli %scan3A_281, %mul3A_289 : i32
        %get3A_291 = arith.index_cast %mul3A_290 : i32 to index
        %get3A_292 = tpu.vector_load %arg13[%get3A_291] {strides = array<i32>} : memref<256xi32, #tpu.memory_space<vmem>>, vector<16xi32>,
        %mul3A_293 = arith.constant 16 : i32
        %mul3A_294 = vector.broadcast %mul3A_293 : i32 to vector<16xi32>
        %mul3A_295 = arith.muli %get3A_292, %mul3A_294 : vector<16xi32>
        %scan3A_296 = arith.constant 0 : i32
        %scan3A_297 = arith.constant 4 : i32
        %scan3A_298 = arith.addi %scan3A_296, %scan3A_297 : i32
        %scan3A_299 = arith.constant 1 : i32
        %scan3A_300 = scf.for %scan3A_482 = %scan3A_296 to %scan3A_298 step %scan3A_299 iter_args(%scan3A_483 = %iota3A) -> (vector<16xi32>)  : i32 {
          %add3A_484 = arith.addi %get3A_288, %scan3A_483 : vector<16xi32>
          %gather3A_485 = tpu.vector_load_idx %arg15[%add3A_285, %add3A_484] : memref<256x128xf32, #tpu.memory_space<vmem>>[vector<16xi32>, vector<16xi32>], vector<16xf32>,
          tpu.vector_store_idx %arg16[%scan3A_483, %add3A_285], %gather3A_485 : memref<80x256xf32, #tpu.memory_space<vmem>>[vector<16xi32>, vector<16xi32>], vector<16xf32>,
          %add3A_486 = arith.constant 1 : i32
          %add3A_487 = vector.broadcast %add3A_486 : i32 to vector<16xi32>
          %add3A_488 = arith.addi %scan3A_483, %add3A_487 : vector<16xi32>
          %and3A_489 = arith.constant 63 : i32
          %and3A_490 = vector.broadcast %and3A_489 : i32 to vector<16xi32>
          %and3A_491 = arith.andi %add3A_488, %and3A_490 : vector<16xi32>
          %add3A_492 = arith.addi %get3A_288, %and3A_491 : vector<16xi32>
          %gather3A_493 = tpu.vector_load_idx %arg15[%add3A_285, %add3A_492] : memref<256x128xf32, #tpu.memory_space<vmem>>[vector<16xi32>, vector<16xi32>], vector<16xf32>,
          tpu.vector_store_idx %arg16[%and3A_491, %add3A_285], %gather3A_493 : memref<80x256xf32, #tpu.memory_space<vmem>>[vector<16xi32>, vector<16xi32>], vector<16xf32>,
          %add3A_494 = arith.constant 1 : i32
          %add3A_495 = vector.broadcast %add3A_494 : i32 to vector<16xi32>
          %add3A_496 = arith.addi %and3A_491, %add3A_495 : vector<16xi32>
          %and3A_497 = arith.constant 63 : i32
          %and3A_498 = vector.broadcast %and3A_497 : i32 to vector<16xi32>
          %and3A_499 = arith.andi %add3A_496, %and3A_498 : vector<16xi32>
          %add3A_500 = arith.addi %get3A_288, %and3A_499 : vector<16xi32>
          %gather3A_501 = tpu.vector_load_idx %arg15[%add3A_285, %add3A_500] : memref<256x128xf32, #tpu.memory_space<vmem>>[vector<16xi32>, vector<16xi32>], vector<16xf32>,
          tpu.vector_store_idx %arg16[%and3A_499, %add3A_285], %gather3A_501 : memref<80x256xf32, #tpu.memory_space<vmem>>[vector<16xi32>, vector<16xi32>], vector<16xf32>,
          %add3A_502 = arith.constant 1 : i32
          %add3A_503 = vector.broadcast %add3A_502 : i32 to vector<16xi32>
          %add3A_504 = arith.addi %and3A_499, %add3A_503 : vector<16xi32>
          %and3A_505 = arith.constant 63 : i32
          %and3A_506 = vector.broadcast %and3A_505 : i32 to vector<16xi32>
          %and3A_507 = arith.andi %add3A_504, %and3A_506 : vector<16xi32>
          %add3A_508 = arith.addi %get3A_288, %and3A_507 : vector<16xi32>
          %gather3A_509 = tpu.vector_load_idx %arg15[%add3A_285, %add3A_508] : memref<256x128xf32, #tpu.memory_space<vmem>>[vector<16xi32>, vector<16xi32>], vector<16xf32>,
          tpu.vector_store_idx %arg16[%and3A_507, %add3A_285], %gather3A_509 : memref<80x256xf32, #tpu.memory_space<vmem>>[vector<16xi32>, vector<16xi32>], vector<16xf32>,
          %add3A_510 = arith.constant 1 : i32
          %add3A_511 = vector.broadcast %add3A_510 : i32 to vector<16xi32>
          %add3A_512 = arith.addi %and3A_507, %add3A_511 : vector<16xi32>
          %and3A_513 = arith.constant 63 : i32
          %and3A_514 = vector.broadcast %and3A_513 : i32 to vector<16xi32>
          %and3A_515 = arith.andi %add3A_512, %and3A_514 : vector<16xi32>
          %add3A_516 = arith.addi %get3A_288, %and3A_515 : vector<16xi32>
          %gather3A_517 = tpu.vector_load_idx %arg15[%add3A_285, %add3A_516] : memref<256x128xf32, #tpu.memory_space<vmem>>[vector<16xi32>, vector<16xi32>], vector<16xf32>,
          tpu.vector_store_idx %arg16[%and3A_515, %add3A_285], %gather3A_517 : memref<80x256xf32, #tpu.memory_space<vmem>>[vector<16xi32>, vector<16xi32>], vector<16xf32>,
          %add3A_518 = arith.constant 1 : i32
          %add3A_519 = vector.broadcast %add3A_518 : i32 to vector<16xi32>
          %add3A_520 = arith.addi %and3A_515, %add3A_519 : vector<16xi32>
          %and3A_521 = arith.constant 63 : i32
          %and3A_522 = vector.broadcast %and3A_521 : i32 to vector<16xi32>
          %and3A_523 = arith.andi %add3A_520, %and3A_522 : vector<16xi32>
          %add3A_524 = arith.addi %get3A_288, %and3A_523 : vector<16xi32>
          %gather3A_525 = tpu.vector_load_idx %arg15[%add3A_285, %add3A_524] : memref<256x128xf32, #tpu.memory_space<vmem>>[vector<16xi32>, vector<16xi32>], vector<16xf32>,
          tpu.vector_store_idx %arg16[%and3A_523, %add3A_285], %gather3A_525 : memref<80x256xf32, #tpu.memory_space<vmem>>[vector<16xi32>, vector<16xi32>], vector<16xf32>,
          %add3A_526 = arith.constant 1 : i32
          %add3A_527 = vector.broadcast %add3A_526 : i32 to vector<16xi32>
          %add3A_528 = arith.addi %and3A_523, %add3A_527 : vector<16xi32>
          %and3A_529 = arith.constant 63 : i32
          %and3A_530 = vector.broadcast %and3A_529 : i32 to vector<16xi32>
          %and3A_531 = arith.andi %add3A_528, %and3A_530 : vector<16xi32>
          %add3A_532 = arith.addi %get3A_288, %and3A_531 : vector<16xi32>
          %gather3A_533 = tpu.vector_load_idx %arg15[%add3A_285, %add3A_532] : memref<256x128xf32, #tpu.memory_space<vmem>>[vector<16xi32>, vector<16xi32>], vector<16xf32>,
          tpu.vector_store_idx %arg16[%and3A_531, %add3A_285], %gather3A_533 : memref<80x256xf32, #tpu.memory_space<vmem>>[vector<16xi32>, vector<16xi32>], vector<16xf32>,
          %add3A_534 = arith.constant 1 : i32
          %add3A_535 = vector.broadcast %add3A_534 : i32 to vector<16xi32>
          %add3A_536 = arith.addi %and3A_531, %add3A_535 : vector<16xi32>
          %and3A_537 = arith.constant 63 : i32
          %and3A_538 = vector.broadcast %and3A_537 : i32 to vector<16xi32>
          %and3A_539 = arith.andi %add3A_536, %and3A_538 : vector<16xi32>
          %add3A_540 = arith.addi %get3A_288, %and3A_539 : vector<16xi32>
          %gather3A_541 = tpu.vector_load_idx %arg15[%add3A_285, %add3A_540] : memref<256x128xf32, #tpu.memory_space<vmem>>[vector<16xi32>, vector<16xi32>], vector<16xf32>,
          tpu.vector_store_idx %arg16[%and3A_539, %add3A_285], %gather3A_541 : memref<80x256xf32, #tpu.memory_space<vmem>>[vector<16xi32>, vector<16xi32>], vector<16xf32>,
          %add3A_542 = arith.constant 1 : i32
          %add3A_543 = vector.broadcast %add3A_542 : i32 to vector<16xi32>
          %add3A_544 = arith.addi %and3A_539, %add3A_543 : vector<16xi32>
          %and3A_545 = arith.constant 63 : i32
          %and3A_546 = vector.broadcast %and3A_545 : i32 to vector<16xi32>
          %and3A_547 = arith.andi %add3A_544, %and3A_546 : vector<16xi32>
          %add3A_548 = arith.addi %get3A_288, %and3A_547 : vector<16xi32>
          %gather3A_549 = tpu.vector_load_idx %arg15[%add3A_285, %add3A_548] : memref<256x128xf32, #tpu.memory_space<vmem>>[vector<16xi32>, vector<16xi32>], vector<16xf32>,
          tpu.vector_store_idx %arg16[%and3A_547, %add3A_285], %gather3A_549 : memref<80x256xf32, #tpu.memory_space<vmem>>[vector<16xi32>, vector<16xi32>], vector<16xf32>,
          %add3A_550 = arith.constant 1 : i32
          %add3A_551 = vector.broadcast %add3A_550 : i32 to vector<16xi32>
          %add3A_552 = arith.addi %and3A_547, %add3A_551 : vector<16xi32>
          %and3A_553 = arith.constant 63 : i32
          %and3A_554 = vector.broadcast %and3A_553 : i32 to vector<16xi32>
          %and3A_555 = arith.andi %add3A_552, %and3A_554 : vector<16xi32>
          %add3A_556 = arith.addi %get3A_288, %and3A_555 : vector<16xi32>
          %gather3A_557 = tpu.vector_load_idx %arg15[%add3A_285, %add3A_556] : memref<256x128xf32, #tpu.memory_space<vmem>>[vector<16xi32>, vector<16xi32>], vector<16xf32>,
          tpu.vector_store_idx %arg16[%and3A_555, %add3A_285], %gather3A_557 : memref<80x256xf32, #tpu.memory_space<vmem>>[vector<16xi32>, vector<16xi32>], vector<16xf32>,
          %add3A_558 = arith.constant 1 : i32
          %add3A_559 = vector.broadcast %add3A_558 : i32 to vector<16xi32>
          %add3A_560 = arith.addi %and3A_555, %add3A_559 : vector<16xi32>
          %and3A_561 = arith.constant 63 : i32
          %and3A_562 = vector.broadcast %and3A_561 : i32 to vector<16xi32>
          %and3A_563 = arith.andi %add3A_560, %and3A_562 : vector<16xi32>
          %add3A_564 = arith.addi %get3A_288, %and3A_563 : vector<16xi32>
          %gather3A_565 = tpu.vector_load_idx %arg15[%add3A_285, %add3A_564] : memref<256x128xf32, #tpu.memory_space<vmem>>[vector<16xi32>, vector<16xi32>], vector<16xf32>,
          tpu.vector_store_idx %arg16[%and3A_563, %add3A_285], %gather3A_565 : memref<80x256xf32, #tpu.memory_space<vmem>>[vector<16xi32>, vector<16xi32>], vector<16xf32>,
          %add3A_566 = arith.constant 1 : i32
          %add3A_567 = vector.broadcast %add3A_566 : i32 to vector<16xi32>
          %add3A_568 = arith.addi %and3A_563, %add3A_567 : vector<16xi32>
          %and3A_569 = arith.constant 63 : i32
          %and3A_570 = vector.broadcast %and3A_569 : i32 to vector<16xi32>
          %and3A_571 = arith.andi %add3A_568, %and3A_570 : vector<16xi32>
          %add3A_572 = arith.addi %get3A_288, %and3A_571 : vector<16xi32>
          %gather3A_573 = tpu.vector_load_idx %arg15[%add3A_285, %add3A_572] : memref<256x128xf32, #tpu.memory_space<vmem>>[vector<16xi32>, vector<16xi32>], vector<16xf32>,
          tpu.vector_store_idx %arg16[%and3A_571, %add3A_285], %gather3A_573 : memref<80x256xf32, #tpu.memory_space<vmem>>[vector<16xi32>, vector<16xi32>], vector<16xf32>,
          %add3A_574 = arith.constant 1 : i32
          %add3A_575 = vector.broadcast %add3A_574 : i32 to vector<16xi32>
          %add3A_576 = arith.addi %and3A_571, %add3A_575 : vector<16xi32>
          %and3A_577 = arith.constant 63 : i32
          %and3A_578 = vector.broadcast %and3A_577 : i32 to vector<16xi32>
          %and3A_579 = arith.andi %add3A_576, %and3A_578 : vector<16xi32>
          %add3A_580 = arith.addi %get3A_288, %and3A_579 : vector<16xi32>
          %gather3A_581 = tpu.vector_load_idx %arg15[%add3A_285, %add3A_580] : memref<256x128xf32, #tpu.memory_space<vmem>>[vector<16xi32>, vector<16xi32>], vector<16xf32>,
          tpu.vector_store_idx %arg16[%and3A_579, %add3A_285], %gather3A_581 : memref<80x256xf32, #tpu.memory_space<vmem>>[vector<16xi32>, vector<16xi32>], vector<16xf32>,
          %add3A_582 = arith.constant 1 : i32
          %add3A_583 = vector.broadcast %add3A_582 : i32 to vector<16xi32>
          %add3A_584 = arith.addi %and3A_579, %add3A_583 : vector<16xi32>
          %and3A_585 = arith.constant 63 : i32
          %and3A_586 = vector.broadcast %and3A_585 : i32 to vector<16xi32>
          %and3A_587 = arith.andi %add3A_584, %and3A_586 : vector<16xi32>
          %add3A_588 = arith.addi %get3A_288, %and3A_587 : vector<16xi32>
          %gather3A_589 = tpu.vector_load_idx %arg15[%add3A_285, %add3A_588] : memref<256x128xf32, #tpu.memory_space<vmem>>[vector<16xi32>, vector<16xi32>], vector<16xf32>,
          tpu.vector_store_idx %arg16[%and3A_587, %add3A_285], %gather3A_589 : memref<80x256xf32, #tpu.memory_space<vmem>>[vector<16xi32>, vector<16xi32>], vector<16xf32>,
          %add3A_590 = arith.constant 1 : i32
          %add3A_591 = vector.broadcast %add3A_590 : i32 to vector<16xi32>
          %add3A_592 = arith.addi %and3A_587, %add3A_591 : vector<16xi32>
          %and3A_593 = arith.constant 63 : i32
          %and3A_594 = vector.broadcast %and3A_593 : i32 to vector<16xi32>
          %and3A_595 = arith.andi %add3A_592, %and3A_594 : vector<16xi32>
          %add3A_596 = arith.addi %get3A_288, %and3A_595 : vector<16xi32>
          %gather3A_597 = tpu.vector_load_idx %arg15[%add3A_285, %add3A_596] : memref<256x128xf32, #tpu.memory_space<vmem>>[vector<16xi32>, vector<16xi32>], vector<16xf32>,
          tpu.vector_store_idx %arg16[%and3A_595, %add3A_285], %gather3A_597 : memref<80x256xf32, #tpu.memory_space<vmem>>[vector<16xi32>, vector<16xi32>], vector<16xf32>,
          %add3A_598 = arith.constant 1 : i32
          %add3A_599 = vector.broadcast %add3A_598 : i32 to vector<16xi32>
          %add3A_600 = arith.addi %and3A_595, %add3A_599 : vector<16xi32>
          %and3A_601 = arith.constant 63 : i32
          %and3A_602 = vector.broadcast %and3A_601 : i32 to vector<16xi32>
          %and3A_603 = arith.andi %add3A_600, %and3A_602 : vector<16xi32>
          %add3A_604 = arith.addi %get3A_288, %and3A_603 : vector<16xi32>
          %gather3A_605 = tpu.vector_load_idx %arg15[%add3A_285, %add3A_604] : memref<256x128xf32, #tpu.memory_space<vmem>>[vector<16xi32>, vector<16xi32>], vector<16xf32>,
          tpu.vector_store_idx %arg16[%and3A_603, %add3A_285], %gather3A_605 : memref<80x256xf32, #tpu.memory_space<vmem>>[vector<16xi32>, vector<16xi32>], vector<16xf32>,
          %add3A_606 = arith.constant 1 : i32
          %add3A_607 = vector.broadcast %add3A_606 : i32 to vector<16xi32>
          %add3A_608 = arith.addi %and3A_603, %add3A_607 : vector<16xi32>
          %and3A_609 = arith.constant 63 : i32
          %and3A_610 = vector.broadcast %and3A_609 : i32 to vector<16xi32>
          %and3A_611 = arith.andi %add3A_608, %and3A_610 : vector<16xi32>
          scf.yield %and3A_611 : vector<16xi32>
        }
        %scan3A_301 = arith.constant 4 : i32
        %and3A_302 = arith.constant 15 : i32
        %and3A_303 = vector.broadcast %and3A_302 : i32 to vector<16xi32>
        %and3A_304 = arith.andi %iota3A, %and3A_303 : vector<16xi32>
        %scan3A_305 = arith.constant 0 : i32
        %add3A_306 = arith.addi %mul3A_295, %and3A_304 : vector<16xi32>
        %gather3A = tpu.vector_load_idx %arg17[%add3A_306] : memref<16000xf32, #tpu.memory_space<vmem>>[vector<16xi32>], vector<16xf32>,
        %add3A_307 = arith.constant 64 : i32
        %add3A_308 = vector.broadcast %add3A_307 : i32 to vector<16xi32>
        %add3A_309 = arith.addi %add3A_308, %and3A_304 : vector<16xi32>
        tpu.vector_store_idx %arg16[%add3A_309, %add3A_285], %gather3A : memref<80x256xf32, #tpu.memory_space<vmem>>[vector<16xi32>, vector<16xi32>], vector<16xf32>,
        %add3A_310 = arith.constant 1 : i32
        %add3A_311 = vector.broadcast %add3A_310 : i32 to vector<16xi32>
        %add3A_312 = arith.addi %and3A_304, %add3A_311 : vector<16xi32>
        %and3A_313 = arith.constant 15 : i32
        %and3A_314 = vector.broadcast %and3A_313 : i32 to vector<16xi32>
        %and3A_315 = arith.andi %add3A_312, %and3A_314 : vector<16xi32>
        %add3A_316 = arith.addi %mul3A_295, %and3A_315 : vector<16xi32>
        %gather3A_317 = tpu.vector_load_idx %arg17[%add3A_316] : memref<16000xf32, #tpu.memory_space<vmem>>[vector<16xi32>], vector<16xf32>,
        %add3A_318 = arith.constant 64 : i32
        %add3A_319 = vector.broadcast %add3A_318 : i32 to vector<16xi32>
        %add3A_320 = arith.addi %add3A_319, %and3A_315 : vector<16xi32>
        tpu.vector_store_idx %arg16[%add3A_320, %add3A_285], %gather3A_317 : memref<80x256xf32, #tpu.memory_space<vmem>>[vector<16xi32>, vector<16xi32>], vector<16xf32>,
        %add3A_321 = arith.constant 1 : i32
        %add3A_322 = vector.broadcast %add3A_321 : i32 to vector<16xi32>
        %add3A_323 = arith.addi %and3A_315, %add3A_322 : vector<16xi32>
        %and3A_324 = arith.constant 15 : i32
        %and3A_325 = vector.broadcast %and3A_324 : i32 to vector<16xi32>
        %and3A_326 = arith.andi %add3A_323, %and3A_325 : vector<16xi32>
        %add3A_327 = arith.addi %mul3A_295, %and3A_326 : vector<16xi32>
        %gather3A_328 = tpu.vector_load_idx %arg17[%add3A_327] : memref<16000xf32, #tpu.memory_space<vmem>>[vector<16xi32>], vector<16xf32>,
        %add3A_329 = arith.constant 64 : i32
        %add3A_330 = vector.broadcast %add3A_329 : i32 to vector<16xi32>
        %add3A_331 = arith.addi %add3A_330, %and3A_326 : vector<16xi32>
        tpu.vector_store_idx %arg16[%add3A_331, %add3A_285], %gather3A_328 : memref<80x256xf32, #tpu.memory_space<vmem>>[vector<16xi32>, vector<16xi32>], vector<16xf32>,
        %add3A_332 = arith.constant 1 : i32
        %add3A_333 = vector.broadcast %add3A_332 : i32 to vector<16xi32>
        %add3A_334 = arith.addi %and3A_326, %add3A_333 : vector<16xi32>
        %and3A_335 = arith.constant 15 : i32
        %and3A_336 = vector.broadcast %and3A_335 : i32 to vector<16xi32>
        %and3A_337 = arith.andi %add3A_334, %and3A_336 : vector<16xi32>
        %add3A_338 = arith.addi %mul3A_295, %and3A_337 : vector<16xi32>
        %gather3A_339 = tpu.vector_load_idx %arg17[%add3A_338] : memref<16000xf32, #tpu.memory_space<vmem>>[vector<16xi32>], vector<16xf32>,
        %add3A_340 = arith.constant 64 : i32
        %add3A_341 = vector.broadcast %add3A_340 : i32 to vector<16xi32>
        %add3A_342 = arith.addi %add3A_341, %and3A_337 : vector<16xi32>
        tpu.vector_store_idx %arg16[%add3A_342, %add3A_285], %gather3A_339 : memref<80x256xf32, #tpu.memory_space<vmem>>[vector<16xi32>, vector<16xi32>], vector<16xf32>,
        %add3A_343 = arith.constant 1 : i32
        %add3A_344 = vector.broadcast %add3A_343 : i32 to vector<16xi32>
        %add3A_345 = arith.addi %and3A_337, %add3A_344 : vector<16xi32>
        %and3A_346 = arith.constant 15 : i32
        %and3A_347 = vector.broadcast %and3A_346 : i32 to vector<16xi32>
        %and3A_348 = arith.andi %add3A_345, %and3A_347 : vector<16xi32>
        %add3A_349 = arith.addi %mul3A_295, %and3A_348 : vector<16xi32>
        %gather3A_350 = tpu.vector_load_idx %arg17[%add3A_349] : memref<16000xf32, #tpu.memory_space<vmem>>[vector<16xi32>], vector<16xf32>,
        %add3A_351 = arith.constant 64 : i32
        %add3A_352 = vector.broadcast %add3A_351 : i32 to vector<16xi32>
        %add3A_353 = arith.addi %add3A_352, %and3A_348 : vector<16xi32>
        tpu.vector_store_idx %arg16[%add3A_353, %add3A_285], %gather3A_350 : memref<80x256xf32, #tpu.memory_space<vmem>>[vector<16xi32>, vector<16xi32>], vector<16xf32>,
        %add3A_354 = arith.constant 1 : i32
        %add3A_355 = vector.broadcast %add3A_354 : i32 to vector<16xi32>
        %add3A_356 = arith.addi %and3A_348, %add3A_355 : vector<16xi32>
        %and3A_357 = arith.constant 15 : i32
        %and3A_358 = vector.broadcast %and3A_357 : i32 to vector<16xi32>
        %and3A_359 = arith.andi %add3A_356, %and3A_358 : vector<16xi32>
        %add3A_360 = arith.addi %mul3A_295, %and3A_359 : vector<16xi32>
        %gather3A_361 = tpu.vector_load_idx %arg17[%add3A_360] : memref<16000xf32, #tpu.memory_space<vmem>>[vector<16xi32>], vector<16xf32>,
        %add3A_362 = arith.constant 64 : i32
        %add3A_363 = vector.broadcast %add3A_362 : i32 to vector<16xi32>
        %add3A_364 = arith.addi %add3A_363, %and3A_359 : vector<16xi32>
        tpu.vector_store_idx %arg16[%add3A_364, %add3A_285], %gather3A_361 : memref<80x256xf32, #tpu.memory_space<vmem>>[vector<16xi32>, vector<16xi32>], vector<16xf32>,
        %add3A_365 = arith.constant 1 : i32
        %add3A_366 = vector.broadcast %add3A_365 : i32 to vector<16xi32>
        %add3A_367 = arith.addi %and3A_359, %add3A_366 : vector<16xi32>
        %and3A_368 = arith.constant 15 : i32
        %and3A_369 = vector.broadcast %and3A_368 : i32 to vector<16xi32>
        %and3A_370 = arith.andi %add3A_367, %and3A_369 : vector<16xi32>
        %add3A_371 = arith.addi %mul3A_295, %and3A_370 : vector<16xi32>
        %gather3A_372 = tpu.vector_load_idx %arg17[%add3A_371] : memref<16000xf32, #tpu.memory_space<vmem>>[vector<16xi32>], vector<16xf32>,
        %add3A_373 = arith.constant 64 : i32
        %add3A_374 = vector.broadcast %add3A_373 : i32 to vector<16xi32>
        %add3A_375 = arith.addi %add3A_374, %and3A_370 : vector<16xi32>
        tpu.vector_store_idx %arg16[%add3A_375, %add3A_285], %gather3A_372 : memref<80x256xf32, #tpu.memory_space<vmem>>[vector<16xi32>, vector<16xi32>], vector<16xf32>,
        %add3A_376 = arith.constant 1 : i32
        %add3A_377 = vector.broadcast %add3A_376 : i32 to vector<16xi32>
        %add3A_378 = arith.addi %and3A_370, %add3A_377 : vector<16xi32>
        %and3A_379 = arith.constant 15 : i32
        %and3A_380 = vector.broadcast %and3A_379 : i32 to vector<16xi32>
        %and3A_381 = arith.andi %add3A_378, %and3A_380 : vector<16xi32>
        %add3A_382 = arith.addi %mul3A_295, %and3A_381 : vector<16xi32>
        %gather3A_383 = tpu.vector_load_idx %arg17[%add3A_382] : memref<16000xf32, #tpu.memory_space<vmem>>[vector<16xi32>], vector<16xf32>,
        %add3A_384 = arith.constant 64 : i32
        %add3A_385 = vector.broadcast %add3A_384 : i32 to vector<16xi32>
        %add3A_386 = arith.addi %add3A_385, %and3A_381 : vector<16xi32>
        tpu.vector_store_idx %arg16[%add3A_386, %add3A_285], %gather3A_383 : memref<80x256xf32, #tpu.memory_space<vmem>>[vector<16xi32>, vector<16xi32>], vector<16xf32>,
        %add3A_387 = arith.constant 1 : i32
        %add3A_388 = vector.broadcast %add3A_387 : i32 to vector<16xi32>
        %add3A_389 = arith.addi %and3A_381, %add3A_388 : vector<16xi32>
        %and3A_390 = arith.constant 15 : i32
        %and3A_391 = vector.broadcast %and3A_390 : i32 to vector<16xi32>
        %and3A_392 = arith.andi %add3A_389, %and3A_391 : vector<16xi32>
        %add3A_393 = arith.addi %mul3A_295, %and3A_392 : vector<16xi32>
        %gather3A_394 = tpu.vector_load_idx %arg17[%add3A_393] : memref<16000xf32, #tpu.memory_space<vmem>>[vector<16xi32>], vector<16xf32>,
        %add3A_395 = arith.constant 64 : i32
        %add3A_396 = vector.broadcast %add3A_395 : i32 to vector<16xi32>
        %add3A_397 = arith.addi %add3A_396, %and3A_392 : vector<16xi32>
        tpu.vector_store_idx %arg16[%add3A_397, %add3A_285], %gather3A_394 : memref<80x256xf32, #tpu.memory_space<vmem>>[vector<16xi32>, vector<16xi32>], vector<16xf32>,
        %add3A_398 = arith.constant 1 : i32
        %add3A_399 = vector.broadcast %add3A_398 : i32 to vector<16xi32>
        %add3A_400 = arith.addi %and3A_392, %add3A_399 : vector<16xi32>
        %and3A_401 = arith.constant 15 : i32
        %and3A_402 = vector.broadcast %and3A_401 : i32 to vector<16xi32>
        %and3A_403 = arith.andi %add3A_400, %and3A_402 : vector<16xi32>
        %add3A_404 = arith.addi %mul3A_295, %and3A_403 : vector<16xi32>
        %gather3A_405 = tpu.vector_load_idx %arg17[%add3A_404] : memref<16000xf32, #tpu.memory_space<vmem>>[vector<16xi32>], vector<16xf32>,
        %add3A_406 = arith.constant 64 : i32
        %add3A_407 = vector.broadcast %add3A_406 : i32 to vector<16xi32>
        %add3A_408 = arith.addi %add3A_407, %and3A_403 : vector<16xi32>
        tpu.vector_store_idx %arg16[%add3A_408, %add3A_285], %gather3A_405 : memref<80x256xf32, #tpu.memory_space<vmem>>[vector<16xi32>, vector<16xi32>], vector<16xf32>,
        %add3A_409 = arith.constant 1 : i32
        %add3A_410 = vector.broadcast %add3A_409 : i32 to vector<16xi32>
        %add3A_411 = arith.addi %and3A_403, %add3A_410 : vector<16xi32>
        %and3A_412 = arith.constant 15 : i32
        %and3A_413 = vector.broadcast %and3A_412 : i32 to vector<16xi32>
        %and3A_414 = arith.andi %add3A_411, %and3A_413 : vector<16xi32>
        %add3A_415 = arith.addi %mul3A_295, %and3A_414 : vector<16xi32>
        %gather3A_416 = tpu.vector_load_idx %arg17[%add3A_415] : memref<16000xf32, #tpu.memory_space<vmem>>[vector<16xi32>], vector<16xf32>,
        %add3A_417 = arith.constant 64 : i32
        %add3A_418 = vector.broadcast %add3A_417 : i32 to vector<16xi32>
        %add3A_419 = arith.addi %add3A_418, %and3A_414 : vector<16xi32>
        tpu.vector_store_idx %arg16[%add3A_419, %add3A_285], %gather3A_416 : memref<80x256xf32, #tpu.memory_space<vmem>>[vector<16xi32>, vector<16xi32>], vector<16xf32>,
        %add3A_420 = arith.constant 1 : i32
        %add3A_421 = vector.broadcast %add3A_420 : i32 to vector<16xi32>
        %add3A_422 = arith.addi %and3A_414, %add3A_421 : vector<16xi32>
        %and3A_423 = arith.constant 15 : i32
        %and3A_424 = vector.broadcast %and3A_423 : i32 to vector<16xi32>
        %and3A_425 = arith.andi %add3A_422, %and3A_424 : vector<16xi32>
        %add3A_426 = arith.addi %mul3A_295, %and3A_425 : vector<16xi32>
        %gather3A_427 = tpu.vector_load_idx %arg17[%add3A_426] : memref<16000xf32, #tpu.memory_space<vmem>>[vector<16xi32>], vector<16xf32>,
        %add3A_428 = arith.constant 64 : i32
        %add3A_429 = vector.broadcast %add3A_428 : i32 to vector<16xi32>
        %add3A_430 = arith.addi %add3A_429, %and3A_425 : vector<16xi32>
        tpu.vector_store_idx %arg16[%add3A_430, %add3A_285], %gather3A_427 : memref<80x256xf32, #tpu.memory_space<vmem>>[vector<16xi32>, vector<16xi32>], vector<16xf32>,
        %add3A_431 = arith.constant 1 : i32
        %add3A_432 = vector.broadcast %add3A_431 : i32 to vector<16xi32>
        %add3A_433 = arith.addi %and3A_425, %add3A_432 : vector<16xi32>
        %and3A_434 = arith.constant 15 : i32
        %and3A_435 = vector.broadcast %and3A_434 : i32 to vector<16xi32>
        %and3A_436 = arith.andi %add3A_433, %and3A_435 : vector<16xi32>
        %add3A_437 = arith.addi %mul3A_295, %and3A_436 : vector<16xi32>
        %gather3A_438 = tpu.vector_load_idx %arg17[%add3A_437] : memref<16000xf32, #tpu.memory_space<vmem>>[vector<16xi32>], vector<16xf32>,
        %add3A_439 = arith.constant 64 : i32
        %add3A_440 = vector.broadcast %add3A_439 : i32 to vector<16xi32>
        %add3A_441 = arith.addi %add3A_440, %and3A_436 : vector<16xi32>
        tpu.vector_store_idx %arg16[%add3A_441, %add3A_285], %gather3A_438 : memref<80x256xf32, #tpu.memory_space<vmem>>[vector<16xi32>, vector<16xi32>], vector<16xf32>,
        %add3A_442 = arith.constant 1 : i32
        %add3A_443 = vector.broadcast %add3A_442 : i32 to vector<16xi32>
        %add3A_444 = arith.addi %and3A_436, %add3A_443 : vector<16xi32>
        %and3A_445 = arith.constant 15 : i32
        %and3A_446 = vector.broadcast %and3A_445 : i32 to vector<16xi32>
        %and3A_447 = arith.andi %add3A_444, %and3A_446 : vector<16xi32>
        %add3A_448 = arith.addi %mul3A_295, %and3A_447 : vector<16xi32>
        %gather3A_449 = tpu.vector_load_idx %arg17[%add3A_448] : memref<16000xf32, #tpu.memory_space<vmem>>[vector<16xi32>], vector<16xf32>,
        %add3A_450 = arith.constant 64 : i32
        %add3A_451 = vector.broadcast %add3A_450 : i32 to vector<16xi32>
        %add3A_452 = arith.addi %add3A_451, %and3A_447 : vector<16xi32>
        tpu.vector_store_idx %arg16[%add3A_452, %add3A_285], %gather3A_449 : memref<80x256xf32, #tpu.memory_space<vmem>>[vector<16xi32>, vector<16xi32>], vector<16xf32>,
        %add3A_453 = arith.constant 1 : i32
        %add3A_454 = vector.broadcast %add3A_453 : i32 to vector<16xi32>
        %add3A_455 = arith.addi %and3A_447, %add3A_454 : vector<16xi32>
        %and3A_456 = arith.constant 15 : i32
        %and3A_457 = vector.broadcast %and3A_456 : i32 to vector<16xi32>
        %and3A_458 = arith.andi %add3A_455, %and3A_457 : vector<16xi32>
        %add3A_459 = arith.addi %mul3A_295, %and3A_458 : vector<16xi32>
        %gather3A_460 = tpu.vector_load_idx %arg17[%add3A_459] : memref<16000xf32, #tpu.memory_space<vmem>>[vector<16xi32>], vector<16xf32>,
        %add3A_461 = arith.constant 64 : i32
        %add3A_462 = vector.broadcast %add3A_461 : i32 to vector<16xi32>
        %add3A_463 = arith.addi %add3A_462, %and3A_458 : vector<16xi32>
        tpu.vector_store_idx %arg16[%add3A_463, %add3A_285], %gather3A_460 : memref<80x256xf32, #tpu.memory_space<vmem>>[vector<16xi32>, vector<16xi32>], vector<16xf32>,
        %add3A_464 = arith.constant 1 : i32
        %add3A_465 = vector.broadcast %add3A_464 : i32 to vector<16xi32>
        %add3A_466 = arith.addi %and3A_458, %add3A_465 : vector<16xi32>
        %and3A_467 = arith.constant 15 : i32
        %and3A_468 = vector.broadcast %and3A_467 : i32 to vector<16xi32>
        %and3A_469 = arith.andi %add3A_466, %and3A_468 : vector<16xi32>
        %add3A_470 = arith.addi %mul3A_295, %and3A_469 : vector<16xi32>
        %gather3A_471 = tpu.vector_load_idx %arg17[%add3A_470] : memref<16000xf32, #tpu.memory_space<vmem>>[vector<16xi32>], vector<16xf32>,
        %add3A_472 = arith.constant 64 : i32
        %add3A_473 = vector.broadcast %add3A_472 : i32 to vector<16xi32>
        %add3A_474 = arith.addi %add3A_473, %and3A_469 : vector<16xi32>
        tpu.vector_store_idx %arg16[%add3A_474, %add3A_285], %gather3A_471 : memref<80x256xf32, #tpu.memory_space<vmem>>[vector<16xi32>, vector<16xi32>], vector<16xf32>,
        %add3A_475 = arith.constant 1 : i32
        %add3A_476 = vector.broadcast %add3A_475 : i32 to vector<16xi32>
        %add3A_477 = arith.addi %and3A_469, %add3A_476 : vector<16xi32>
        %and3A_478 = arith.constant 15 : i32
        %and3A_479 = vector.broadcast %and3A_478 : i32 to vector<16xi32>
        %and3A_480 = arith.andi %add3A_477, %and3A_479 : vector<16xi32>
        %scan3A_481 = arith.constant 1 : i32
      }
      %scan3A_232 = arith.constant 16 : i32
      %jit3A_233 = arith.constant 16 : i32
      %div3A_234 = arith.divsi %add3A_182, %jit3A_233 : i32
      %sign3A_235 = arith.constant 0 : i32
      %sign3A_236 = arith.cmpi sgt, %add3A_182, %sign3A_235 : i32
      %sign3A_237 = arith.extui %sign3A_236 : i1 to i32
      %sign3A_238 = arith.constant 0 : i32
      %sign3A_239 = arith.cmpi slt, %add3A_182, %sign3A_238 : i32
      %sign3A_240 = arith.extui %sign3A_239 : i1 to i32
      %sign3A_241 = arith.subi %sign3A_237, %sign3A_240 : i32
      %sign3A_242 = arith.constant 0 : i32
      %sign3A_243 = arith.cmpi sgt, %jit3A_233, %sign3A_242 : i32
      %sign3A_244 = arith.extui %sign3A_243 : i1 to i32
      %sign3A_245 = arith.constant 0 : i32
      %sign3A_246 = arith.cmpi slt, %jit3A_233, %sign3A_245 : i32
      %sign3A_247 = arith.extui %sign3A_246 : i1 to i32
      %sign3A_248 = arith.subi %sign3A_244, %sign3A_247 : i32
      %ne3A_249 = arith.cmpi ne, %sign3A_241, %sign3A_248 : i32
      %rem3A_250 = arith.remsi %add3A_182, %jit3A_233 : i32
      %ne3A_251 = arith.constant 0 : i32
      %ne3A_252 = arith.cmpi ne, %rem3A_250, %ne3A_251 : i32
      %and3A_253 = arith.andi %ne3A_249, %ne3A_252 : i1
      %sub3A_254 = arith.constant 1 : i32
      %sub3A_255 = arith.subi %div3A_234, %sub3A_254 : i32
      %select_n3A_256 = arith.select %and3A_253, %sub3A_255, %div3A_234 : i32
      %jit3A_257 = arith.constant 16 : i32
      %eq3A_258 = arith.constant 0 : i32
      %eq3A_259 = arith.cmpi eq, %jit3A_257, %eq3A_258 : i32
      %jit3A_260 = arith.constant 1 : i32
      %select_n3A_261 = arith.select %eq3A_259, %jit3A_260, %jit3A_257 : i32
      %rem3A_262 = arith.remsi %add3A_182, %select_n3A_261 : i32
      %ne3A_263 = arith.constant 0 : i32
      %ne3A_264 = arith.cmpi ne, %rem3A_262, %ne3A_263 : i32
      %lt3A_265 = arith.constant 0 : i32
      %lt3A_266 = arith.cmpi slt, %rem3A_262, %lt3A_265 : i32
      %lt3A_267 = arith.constant 0 : i32
      %lt3A_268 = arith.cmpi slt, %select_n3A_261, %lt3A_267 : i32
      %ne3A_269 = arith.xori %lt3A_266, %lt3A_268 : i1
      %and3A_270 = arith.andi %ne3A_269, %ne3A_264 : i1
      %add3A_271 = arith.addi %rem3A_262, %select_n3A_261 : i32
      %select_n3A_272 = arith.select %and3A_270, %add3A_271, %rem3A_262 : i32
      %mul3A_273 = arith.constant 256 : i32
      %mul3A_274 = arith.muli %select_n3A_272, %mul3A_273 : i32
      %dma_start3A_275 = arith.constant 0 : i32
      %dma_start3A_276 = tpu.memref_slice %arg7[%select_n3A_256, %dma_start3A_275, %mul3A_274] : memref<200x80x4096xf32, #tpu.memory_space<hbm>> -> memref<1x80x256xf32, #tpu.memory_space<hbm>>
      %dma_start3A_277 = tpu.memref_squeeze %dma_start3A_276 : memref<1x80x256xf32, #tpu.memory_space<hbm>> -> memref<80x256xf32, #tpu.memory_space<hbm>>
      %dma_start3A_278 = arith.constant 0 : i32
      %dma_start3A_279 = tpu.memref_slice %arg7[%select_n3A_256, %dma_start3A_278, %mul3A_274] : memref<200x80x4096xf32, #tpu.memory_space<hbm>> -> memref<1x80x256xf32, #tpu.memory_space<hbm>>
      %dma_start3A_280 = tpu.memref_squeeze %dma_start3A_279 : memref<1x80x256xf32, #tpu.memory_space<hbm>> -> memref<80x256xf32, #tpu.memory_space<hbm>>
      tpu.enqueue_dma source(%arg16 : memref<80x256xf32, #tpu.memory_space<vmem>>) target(%dma_start3A_280 : memref<80x256xf32, #tpu.memory_space<hbm>>) target_semaphore(%arg20 : memref<!tpu.dma_semaphore, #tpu.memory_space<semaphore_mem>>)
    }
    %scan3A_38 = arith.constant 50 : i32
    %add3A_39 = arith.constant 100 : i32
    %add3A_40 = arith.addi %mul3A_2, %add3A_39 : i32
    %sub3A = arith.constant 1 : i32
    %sub3A_41 = arith.subi %add3A_40, %sub3A : i32
    %jit3A = arith.constant 16 : i32
    %div3A = arith.divsi %sub3A_41, %jit3A : i32
    %sign3A = arith.constant 0 : i32
    %sign3A_42 = arith.cmpi sgt, %sub3A_41, %sign3A : i32
    %sign3A_43 = arith.extui %sign3A_42 : i1 to i32
    %sign3A_44 = arith.constant 0 : i32
    %sign3A_45 = arith.cmpi slt, %sub3A_41, %sign3A_44 : i32
    %sign3A_46 = arith.extui %sign3A_45 : i1 to i32
    %sign3A_47 = arith.subi %sign3A_43, %sign3A_46 : i32
    %sign3A_48 = arith.constant 0 : i32
    %sign3A_49 = arith.cmpi sgt, %jit3A, %sign3A_48 : i32
    %sign3A_50 = arith.extui %sign3A_49 : i1 to i32
    %sign3A_51 = arith.constant 0 : i32
    %sign3A_52 = arith.cmpi slt, %jit3A, %sign3A_51 : i32
    %sign3A_53 = arith.extui %sign3A_52 : i1 to i32
    %sign3A_54 = arith.subi %sign3A_50, %sign3A_53 : i32
    %ne3A = arith.cmpi ne, %sign3A_47, %sign3A_54 : i32
    %rem3A = arith.remsi %sub3A_41, %jit3A : i32
    %ne3A_55 = arith.constant 0 : i32
    %ne3A_56 = arith.cmpi ne, %rem3A, %ne3A_55 : i32
    %and3A = arith.andi %ne3A, %ne3A_56 : i1
    %sub3A_57 = arith.constant 1 : i32
    %sub3A_58 = arith.subi %div3A, %sub3A_57 : i32
    %select_n3A = arith.select %and3A, %sub3A_58, %div3A : i32
    %jit3A_59 = arith.constant 16 : i32
    %eq3A = arith.constant 0 : i32
    %eq3A_60 = arith.cmpi eq, %jit3A_59, %eq3A : i32
    %jit3A_61 = arith.constant 1 : i32
    %select_n3A_62 = arith.select %eq3A_60, %jit3A_61, %jit3A_59 : i32
    %rem3A_63 = arith.remsi %sub3A_41, %select_n3A_62 : i32
    %ne3A_64 = arith.constant 0 : i32
    %ne3A_65 = arith.cmpi ne, %rem3A_63, %ne3A_64 : i32
    %lt3A = arith.constant 0 : i32
    %lt3A_66 = arith.cmpi slt, %rem3A_63, %lt3A : i32
    %lt3A_67 = arith.constant 0 : i32
    %lt3A_68 = arith.cmpi slt, %select_n3A_62, %lt3A_67 : i32
    %ne3A_69 = arith.xori %lt3A_66, %lt3A_68 : i1
    %and3A_70 = arith.andi %ne3A_69, %ne3A_65 : i1
    %add3A_71 = arith.addi %rem3A_63, %select_n3A_62 : i32
    %select_n3A_72 = arith.select %and3A_70, %add3A_71, %rem3A_63 : i32
    %mul3A_73 = arith.constant 256 : i32
    %mul3A_74 = arith.muli %select_n3A_72, %mul3A_73 : i32
    %dma_wait3A = arith.constant 0 : i32
    %dma_wait3A_75 = tpu.memref_slice %arg7[%select_n3A, %dma_wait3A, %mul3A_74] : memref<200x80x4096xf32, #tpu.memory_space<hbm>> -> memref<1x80x256xf32, #tpu.memory_space<hbm>>
    %dma_wait3A_76 = tpu.memref_squeeze %dma_wait3A_75 : memref<1x80x256xf32, #tpu.memory_space<hbm>> -> memref<80x256xf32, #tpu.memory_space<hbm>>
    %dma_wait3A_77 = arith.constant 0 : i32
    %dma_wait3A_78 = tpu.memref_slice %arg7[%select_n3A, %dma_wait3A_77, %mul3A_74] : memref<200x80x4096xf32, #tpu.memory_space<hbm>> -> memref<1x80x256xf32, #tpu.memory_space<hbm>>
    %dma_wait3A_79 = tpu.memref_squeeze %dma_wait3A_78 : memref<1x80x256xf32, #tpu.memory_space<hbm>> -> memref<80x256xf32, #tpu.memory_space<hbm>>
    tpu.wait_dma2 semaphore(%arg20 : memref<!tpu.dma_semaphore, #tpu.memory_space<semaphore_mem>>) src(%arg16 : memref<80x256xf32, #tpu.memory_space<vmem>>) dst(%dma_wait3A_79 : memref<80x256xf32, #tpu.memory_space<hbm>>)
    return
  }
}

</mosaic_0001>

<sc_bundles>
// kernel: kernel.3.cloned.1.call-start
scs
__scs_entry_jumppad:
0x0: {  	(pc) =	sbr.rel $0x88, $3  }
0x1: {  	(tag) =	ssettag $0x0;
	lr =	simm.s32 $0x1  }
0x2: {  	[smem:$0x3F9D] =	sst lr;
	_ =	strace $0xD0000000  }
0x3: {  	_ = 	snop  }
0x4: {  	_ = 	snop  }
0x5: {  	_ = 	snop  }
0x6: {  	_ = 	snop  }
0x7: {  	_ = 	snop  }
__scs_overlays_trampoline_lowered:
0x8: {  	[smem:$0x3FAC] =	sst s0  }
0x9: {  	[smem:$0x3FAD] =	sst s1  }
0xa: {  	[smem:$0x3FAE] =	sst s2  }
0xb: {  	[smem:$0x3FAF] =	sst s3  }
0xc: {  	[smem:$0x3FB0] =	sst s4  }
0xd: {  	[smem:$0x3FB1] =	sst s5  }
0xe: {  	[smem:$0x3FB2] =	sst s6  }
0xf: {  	[smem:$0x3FB3] =	sst s7  }
0x10: {  	[smem:$0x3FB4] =	sst s8  }
0x11: {  	[smem:$0x3FB5] =	sst s9;
	s0 =	simm.s32 @!p0 $0x0  }
0x12: {  	s1 =	sld [smem:$0x3F9B];
	s0 =	simm.s32 @p0 $0x1  }
0x13: {  	[smem:$0x3FB6] =	sst s0;
	s0 =	simm.s32 @!p1 $0x0  }
0x14: {  	s2 =	sld [smem:$0x3F9A];
	s0 =	simm.s32 @p1 $0x1  }
0x15: {  	[smem:$0x3FB7] =	sst s0;
	s0 =	simm.s32 @!p2 $0x0  }
0x16: {  	s3 =	sld [smem:$0x3FDB];
	s0 =	simm.s32 @p2 $0x1  }
0x17: {  	s4 =	simm.s32 $0x1BF5;
	[smem:$0x3FB9] =	sst s0  }
0x18: {  	s0 =	sld [smem:$0x3F9C];
	_ =	swait.ge [sflag:s4], $0x0  }
0x19: {  	s7 =	sld [smem:$0x3F9D]  }
0x1a: {  	s8 =	sadd.s32 $0xFFFFE003, lr  }
0x1b: {  	s9 =	sadd.s32 $0xFFFFFEF7, lr;
	s5 =	simm.s32 $0xFFFFFFFF;
	p2 =	slt.u32 s8, $0xFFFFF086  }
0x1c: {  	p1 =	slt.u32 s9, $0xF7A;
	s5 =	simm.s32 @!p2 $0x0  }
0x1d: {  	s5 =	simm.s32 @p1 $0x1;
	p0 =	seq.s32 s7, s2  }
0x1e: {  	s7 =	smul.u32 @!p0 $0xF7A, s2;
	p2 =	seq.s32 @!p0 s5, $0x0  }
0x1f: {  	s9 =	smul.u32 $0xF7A, s1;
	s8 =	simm.s32 @!p0 $0x1BF5;
	p2 =	por !p2, p0  }
0x20: {  	[sflag:s8] =	ssyncset.s32 @!p0 $0xFFFFF086;
	s6 =	sadd.s32 @!p0 s3, s7;
	s7 =	simm.s32 @!p0 $0x108  }
0x21: {  	s3 =	sadd.s32 s3, s9;
	s6 =	sadd.s32 @!p0 $0x88, s6;
	s7 =	simm.s32 @p2 $0x1082  }
0x22: {  	[simem:s7], [sflag:s8] =	dma.local @!p0 [hbm:s6], $0xF7A  }
0x23: {  	s9 =	sor.u32 $0xD0000000, s2;
	s6 =	simm.s32 $0x108;
	_ =	swait.ge @!p0 [sflag:s8], $0x0  }
0x24: {  	s3 =	sadd.s32 $0x88, s3;
	s6 =	simm.s32 @!p1 $0x1082;
	[sflag:s4] =	ssyncset.s32 $0xFFFFF086  }
0x25: {  	[simem:s6], [sflag:s4] =	dma.local [hbm:s3], $0xF7A  }
0x26: {  	[smem:$0x3F9D] =	sst s1;
	(tag) =	ssettag s2;
	_ =	strace s9  }
0x27: {  	s1 =	sld [smem:$0x3FAD]  }
0x28: {  	s2 =	sld [smem:$0x3FAE]  }
0x29: {  	s4 =	sld [smem:$0x3FB0]  }
0x2a: {  	p0 =	seq.s32 s5, $0x0;
	s5 =	sld [smem:$0x3FB1]  }
0x2b: {  	s6 =	sld [smem:$0x3FB2]  }
0x2c: {  	s7 =	sld [smem:$0x3FB3]  }
0x2d: {  	s3 =	simm.s32 $0x108;
	s8 =	sld [smem:$0x3FB4]  }
0x2e: {  	s3 =	simm.s32 @!p0 $0x1082;
	s9 =	sld [smem:$0x3FB5]  }
0x2f: {  	lr =	sadd.s32 s0, s3;
	s0 =	sld [smem:$0x3FAC]  }
0x30: {  	s3 =	sld [smem:$0x3FAF]  }
0x31: {  	[smem:$0x3FB8] =	sst s10  }
0x32: {  	s10 =	sld [smem:$0x3FB6];
	_ =	sdelay $0x3  }
0x33: {  	p0 =	seq.s32 s10, $0x1;
	s10 =	sld [smem:$0x3FB8];
	_ =	sdelay $0x3  }
0x34: {  	[smem:$0x3FB8] =	sst s10  }
0x35: {  	s10 =	sld [smem:$0x3FB7];
	_ =	sdelay $0x3  }
0x36: {  	p1 =	seq.s32 s10, $0x1;
	s10 =	sld [smem:$0x3FB8];
	_ =	sdelay $0x3  }
0x37: {  	[smem:$0x3FB8] =	sst s10  }
0x38: {  	s10 =	sld [smem:$0x3FB9]  }
0x39: {  	_ = 	snop;
	(pc) =	sbr.ind lr, $3  }
0x3a: {  	_ = 	snop  }
0x3b: {  	_ = 	snop  }
0x3c: {  	p2 =	seq.s32 s10, $0x1;
	s10 =	sld [smem:$0x3FB8]  }
0x3d: {  	_ =	shalt  }
0x3e: {  	_ =	shalt  }
0x3f: {  	_ =	shalt  }
0x40: {  	_ =	shalt  }
0x41: {  	_ =	shalt  }
0x42: {  	_ =	shalt  }
0x43: {  	_ =	shalt  }
0x44: {  	_ =	shalt  }
0x45: {  	_ =	shalt  }
0x46: {  	_ =	shalt  }
0x47: {  	_ =	shalt  }
0x48: {  	_ =	shalt  }
0x49: {  	_ =	shalt  }
0x4a: {  	_ =	shalt  }
0x4b: {  	_ =	shalt  }
0x4c: {  	_ =	shalt  }
0x4d: {  	_ =	shalt  }
0x4e: {  	_ =	shalt  }
0x4f: {  	_ =	shalt  }
0x50: {  	_ =	shalt  }
0x51: {  	_ =	shalt  }
0x52: {  	_ =	shalt  }
0x53: {  	_ =	shalt  }
0x54: {  	_ =	shalt  }
0x55: {  	_ =	shalt  }
0x56: {  	_ =	shalt  }
0x57: {  	_ =	shalt  }
0x58: {  	_ =	shalt  }
0x59: {  	_ =	shalt  }
0x5a: {  	_ =	shalt  }
0x5b: {  	_ =	shalt  }
0x5c: {  	_ =	shalt  }
0x5d: {  	_ =	shalt  }
0x5e: {  	_ =	shalt  }
0x5f: {  	_ =	shalt  }
0x60: {  	_ =	shalt  }
0x61: {  	_ =	shalt  }
0x62: {  	_ =	shalt  }
0x63: {  	_ =	shalt  }
0x64: {  	_ =	shalt  }
0x65: {  	_ =	shalt  }
0x66: {  	_ =	shalt  }
0x67: {  	_ =	shalt  }
0x68: {  	_ =	shalt  }
0x69: {  	_ =	shalt  }
0x6a: {  	_ =	shalt  }
0x6b: {  	_ =	shalt  }
0x6c: {  	_ =	shalt  }
0x6d: {  	_ =	shalt  }
0x6e: {  	_ =	shalt  }
0x6f: {  	_ =	shalt  }
0x70: {  	_ =	shalt  }
0x71: {  	_ =	shalt  }
0x72: {  	_ =	shalt  }
0x73: {  	_ =	shalt  }
0x74: {  	_ =	shalt  }
0x75: {  	_ =	shalt  }
0x76: {  	_ =	shalt  }
0x77: {  	_ =	shalt  }
0x78: {  	_ =	shalt  }
0x79: {  	_ =	shalt  }
0x7a: {  	_ =	shalt  }
0x7b: {  	_ =	shalt  }
0x7c: {  	_ =	shalt  }
0x7d: {  	_ =	shalt  }
0x7e: {  	_ =	shalt  }
0x7f: {  	_ =	shalt  }
0x80: {  	_ =	shalt  }
0x81: {  	_ =	shalt  }
0x82: {  	_ =	shalt  }
0x83: {  	_ =	shalt  }
0x84: {  	_ =	shalt  }
0x85: {  	_ =	shalt  }
0x86: {  	_ =	shalt  }
0x87: {  	_ =	shalt  }
.Lfunc_end0:
.L_simem_size_0:
called_computation_lowered:
.L_overlay_start_0:
0x88: {  	s2 =	sld [smem:$0x3FD9]  }
0x89: {  	s3 =	sld [smem:$0x3FFE];
	_ =	sdelay $0x1  }
0x8a: {  	s1 =	srdreg.scid  }
0x8b: {  	s0 =	sand.u32 $0x1, s1  }
0x8c: {  	s17 =	sshll.u32 s0, $0xA;
	s2 =	sadd.s32 s3, s2  }
0x8d: {  	s2 =	sadd.s32 s2, s17  }
0x8e: {  	[smem:$0x3FC4] =	sst s2  }
0x8f: {  	_ = 	snop  }
0x90: {  	s2 =	sld [smem:$0x3FD0];
	(tm) =	ssettm $0x1  }
0x91: {  	s18 =	sld [smem:$0x3FFB];
	_ =	sdelay $0x3  }
0x92: {  	_ =	strace s18  }
0x93: {  	s3 =	sld [smem:$0x3FFC];
	_ =	sdelay $0x3  }
0x94: {  	_ =	strace s3  }
0x95: {  	s3 =	sld [smem:$0x3FFD];
	_ =	sdelay $0x3  }
0x96: {  	_ =	strace s3  }
0x97: {  	_ =	strace $0x8FFFFFFF  }
0x98: {  	s19 =	sld [smem:$0x3FDB];
	_ =	sdelay $0x1  }
0x99: {  	s4 =	simm.s32 $_scs_section_size  }
0x9a: {  	s5 =	simm.s32 $_size__tile_overlayer_lowered;
	s6 =	simm.s32 $_tile_overlayer_lowered  }
0x9b: {  	s22 =	simm.s32 $0x1BFF;
	s21 =	sshll.u32 s6, $0x1;
	s3 =	sadd.s32 s4, s19  }
0x9c: {  	s7 =	simm.s32 $0x0;
	s20 =	sshll.u32 s5, $0x1;
	s5 =	sadd.s32 s21, s3  }
0x9d: {  	[timem:s7], [sflag:s22] =	dma.local [hbm:s5], s20  }
0x9e: {  	_ =	swait.ge [sflag:s22], s20  }
0x9f: {  	s4 =	ssub.s32 $0x0, s20;
	[sflag:s22] =	ssyncset.done $0x0  }
0xa0: {  	[sflag:s22] =	ssyncadd.s32 s4;
	_ =	sdelay $0x1  }
0xa1: {  	s23 =	simm.s32 $0x1B8B  }
0xa2: {  	_ =	swait.ge [sflag:s23], $0x1  }
0xa3: {  	[sflag:s23] =	ssyncset.done $0x0  }
0xa4: {  	s25 =	simm.s32 $0x1B8E;
	s24 =	sld [smem:$0x3FFE];
	[sflag:s23] =	ssyncadd.s32 $0xFFFFFFFF  }
0xa5: {  	s26 =	simm.s32 $execute0_lowered;
	[smem:$0x3FD2] =	sst s25  }
0xa6: {  	s5 =	sshll.u32 s26, $0x1;
	_ =	strace $0x80000046;
	[dreg:$0x1] =	wrdreg $0xFFFFFFFF  }
0xa7: {  	s28 =	simm.s32 $_size_execute0_lowered;
	s3 =	sadd.s32 s3, s5;
	[dreg:$0x0] =	wrdreg $0x0  }
0xa8: {  	s5 =	sshll.u32 s28, $0x1;
	[dreg:$0x2] =	wrdreg s3  }
0xa9: {  	[dreg:$0x3] =	wrdreg s5  }
0xaa: {  	[dreg:$0x4] =	wrdreg $0xC0  }
0xab: {  	_ =	task [dreg:s7], $0x5FFFF  }
0xac: {  	[dreg:$0x1] =	wrdreg $0xFFFFFFFF  }
0xad: {  	[dreg:$0x0] =	wrdreg $0x60  }
0xae: {  	[dreg:$0x2] =	wrdreg s24  }
0xaf: {  	[dreg:$0x3] =	wrdreg s2  }
0xb0: {  	[dreg:$0x4] =	wrdreg $0x9  }
0xb1: {  	_ =	task.clear_ibuf [dreg:s7], $0x5FFFF;
	_ =	strace $0x90000046  }
0xb2: {  	s29 =	simm.s32 $0x9;
	_ =	strace $0x80000048  }
0xb3: {  	_ =	swait.ge [sflag:s29], $0x1  }
0xb4: {  	[sflag:s29] =	ssyncadd.s32 $0xFFFFFFFF  }
0xb5: {  	_ =	strace $0x90000048  }
0xb6: {  	_ =	sfence  }
0xb7: {  	s30 =	sld [smem:$0x0];
	_ =	sdelay $0x2  }
0xb8: {  	s31 =	sshll.u32 s1, $0xD;
	s1 =	sshrl.u32 s1, $0x2  }
0xb9: {  	s3 =	sand.u32 $0x4000, s31;
	s1 =	sadd.s32 s1, s30  }
0xba: {  	s0 =	sor.u32 s3, s0;
	s1 =	sshll.u32 s1, $0x11  }
0xbb: {  	s0 =	sor.u32 s1, s0  }
0xbc: {  	s0 =	sadd.s32 $0x8F2B, s0  }
0xbd: {  	[sflag:s0] =	ssyncadd.remote.s32 $0x1  }
0xbe: {  	_ =	sfence.sel $0xFFFF  }
0xbf: {  	[dreg:$0x0] =	wrdreg $0xFFFFFFFF;
	(pc) =	sbr.abs _section_cstart, $3  }
0xc0: {  	[dreg:$0x1] =	wrdreg $0xFFFFFFFF  }
0xc1: {  	_ =	task.clear_ibuf [dreg:s7], $0x2FFFF;
	_ =	strace $0x9FFFFFFF  }
0xc2: {  	(tm) =	ssettm $0x7FFFFFFF  }
0xc3: {  	_ =	shalt  }
tec
execute0_lowered:
.L_overlay_start_1:
0x0: {  	(tag) =	ssettag $0x1  }
0x1: {  	vm14 =	vcmask $0x300;
	v0 =	vimm.s32 $0x4B80  }
0x2: {  	vm13 =	vcmask $0x704;
	vm12 =	vcmask $0xB08;
	vm11 =	vcmask $0xF0C  }
0x3: {  	vm10 =	vcmask $0x1310;
	vm9 =	vcmask $0x1714;
	vm8 =	vcmask $0x1B18  }
0x4: {  	vm7 =	vcmask $0x1F1C;
	vm6 =	vcmask $0x2320;
	vm4 =	vcmask $0x2724  }
0x5: {  	vm3 =	vcmask $0x2B28;
	v1 =	vimm.s32 $0x4000;
	vm1 =	vcmask $0x2F2C  }
0x6: {  	vm2 =	vcmask $0x3330;
	vm0 =	vcmask $0x3734;
	v3 =	vimm.s32 $0xFEDCBA9  }
0x7: {  	v4 =	vimm.s32 $0x87654321;
	vm5 =	vcmask $0x3B38;
	v8 =	vimm.s32 $0x98765432  }
0x8: {  	v9 =	vimm.s32 $0x4100;
	v12 =	vimm.s32 $0x4180;
	v13 =	vimm.s32 $0xA9876543  }
0x9: {  	v15 =	vimm.s32 $0xBA987654;
	v19 =	vimm.s32 $0x4200;
	v20 =	vimm.s32 $0x4280  }
0xa: {  	v21 =	vimm.s32 $0xCBA98765;
	v25 =	vimm.s32 $0x4300;
	v27 =	vimm.s32 $0xEDCBA987  }
0xb: {  	v30 =	vimm.s32 $0x76543210;
	v31 =	vimm.s32 $0xFEDCBA98;
	v62 =	vimm.s32 $0x4900  }
0xc: {  	v63 =	vimm.s32 $0x4980;
	v34 =	vimm.s32 $0x4A00;
	v35 =	vimm.s32 $0x4A80  }
0xd: {  	v36 =	vimm.s32 $0x4B00;
	v0 =	vsel vm14, $0x4000, v0;
	v1 =	vsel vm14, $0x4080, v1  }
0xe: {  	v3 =	vunpack.c.l.s4.s8 v3;
	v8 =	vunpack.c.l.s4.s8 v8;
	v9 =	vsel vm14, $0x4180, v9  }
0xf: {  	v12 =	vsel vm14, $0x4200, v12;
	v13 =	vunpack.c.l.s4.s8 v13;
	v15 =	vunpack.c.l.s4.s8 v15  }
0x10: {  	v19 =	vsel vm14, $0x4280, v19;
	v20 =	vsel vm14, $0x4300, v20;
	v21 =	vunpack.c.l.s4.s8 v21  }
0x11: {  	v27 =	vunpack.c.l.s4.s8 v27;
	v31 =	vunpack.c.l.s4.s8 v31;
	v30 =	vunpack.c.l.s4.s8 v30  }
0x12: {  	v34 =	vsel vm14, $0x4A80, v34;
	v35 =	vsel vm14, $0x4B00, v35;
	v36 =	vsel vm14, $0x4B80, v36  }
0x13: {  	v0 =	vsel vm13, $0x4080, v0;
	v1 =	vsel vm13, $0x4100, v1;
	v9 =	vsel vm13, $0x4200, v9  }
0x14: {  	v12 =	vsel vm13, $0x4280, v12;
	v20 =	vsel vm13, $0x4380, v20;
	v34 =	vsel vm13, $0x4B00, v34  }
0x15: {  	v35 =	vsel vm13, $0x4B80, v35;
	v36 =	vsel vm13, $0x4000, v36;
	v0 =	vsel vm12, $0x4100, v0  }
0x16: {  	v1 =	vsel vm12, $0x4180, v1;
	v9 =	vsel vm12, $0x4280, v9;
	v12 =	vsel vm12, $0x4300, v12  }
0x17: {  	v20 =	vsel vm12, $0x4800, v20;
	v31 =	vunpack.c.0.s8.s32 v31;
	v30 =	vunpack.c.0.s8.s32 v30  }
0x18: {  	v34 =	vsel vm12, $0x4B80, v34;
	v35 =	vsel vm12, $0x4000, v35;
	v0 =	vsel vm11, $0x4180, v0  }
0x19: {  	v36 =	vsel vm12, $0x4080, v36;
	v1 =	vsel vm11, $0x4200, v1;
	v0 =	vsel vm10, $0x4200, v0  }
0x1a: {  	v9 =	vsel vm11, $0x4300, v9;
	v12 =	vsel vm11, $0x4380, v12;
	v0 =	vsel vm9, $0x4280, v0  }
0x1b: {  	v20 =	vsel vm11, $0x4880, v20;
	v34 =	vsel vm11, $0x4000, v34;
	v0 =	vsel vm8, $0x4300, v0  }
0x1c: {  	v35 =	vsel vm11, $0x4080, v35;
	v36 =	vsel vm11, $0x4100, v36;
	v0 =	vsel vm7, $0x4380, v0  }
0x1d: {  	v1 =	vsel vm10, $0x4280, v1;
	v9 =	vsel vm10, $0x4380, v9;
	v0 =	vsel vm6, $0x4800, v0  }
0x1e: {  	v12 =	vsel vm10, $0x4800, v12;
	v20 =	vsel vm10, $0x4900, v20;
	v0 =	vsel vm4, $0x4880, v0  }
0x1f: {  	v31 =	vand.u32 $0xF, v31;
	v34 =	vsel vm10, $0x4080, v34;
	v0 =	vsel vm3, $0x4900, v0  }
0x20: {  	v35 =	vsel vm10, $0x4100, v35;
	v36 =	vsel vm10, $0x4180, v36;
	v2 =	vsel vm1, $0x4980, v0  }
0x21: {  	v12 =	vsel vm9, $0x4880, v12;
	v20 =	vsel vm9, $0x4980, v20;
	v2 =	vsel vm2, $0x4A00, v2  }
0x22: {  	v5 =	vsel vm0, $0x4A80, v2;
	v2 =	vunpack.c.l.s4.s8 v4;
	v4 =	vsel vm9, $0x4300, v1  }
0x23: {  	v1 =	vunpack.c.0.s8.s32 v3;
	v3 =	vsel vm8, $0x4380, v4;
	v4 =	vimm.s32 $0x4080  }
0x24: {  	v2 =	vunpack.c.0.s8.s32 v2;
	v3 =	vsel vm7, $0x4800, v3;
	v4 =	vsel vm14, $0x4100, v4  }
0x25: {  	v34 =	vsel vm9, $0x4100, v34;
	v3 =	vsel vm6, $0x4880, v3;
	v4 =	vsel vm13, $0x4180, v4  }
0x26: {  	v6 =	vcombine.low v2, v1;
	v7 =	vsel vm4, $0x4900, v3;
	v4 =	vsel vm12, $0x4200, v4  }
0x27: {  	v3 =	vsel vm5, $0x4B00, v5;
	v5 =	vsel vm3, $0x4980, v7;
	v7 =	vsel vm11, $0x4280, v4  }
0x28: {  	v35 =	vsel vm9, $0x4180, v35;
	v4 =	vand.u32 $0xF, v6;
	v6 =	vsel vm10, $0x4300, v7  }
0x29: {  	v36 =	vsel vm9, $0x4200, v36;
	v5 =	vsel vm1, $0x4A00, v5;
	v6 =	vsel vm9, $0x4380, v6  }
0x2a: {  	v7 =	vsel vm2, $0x4A80, v5;
	v5 =	vimm.s32 $0x10FEDCBA;
	v6 =	vsel vm8, $0x4800, v6  }
0x2b: {  	v18 =	vsel vm8, $0x4900, v12;
	v5 =	vunpack.c.l.s4.s8 v5;
	v6 =	vsel vm7, $0x4880, v6  }
0x2c: {  	v23 =	vsel vm8, $0x4A00, v20;
	v34 =	vsel vm8, $0x4180, v34;
	v10 =	vsel vm6, $0x4900, v6  }
0x2d: {  	v5 =	vunpack.c.0.s8.s32 v5;
	v6 =	vunpack.c.0.s8.s32 v8;
	v8 =	vsel vm4, $0x4980, v10  }
0x2e: {  	v35 =	vsel vm8, $0x4200, v35;
	v36 =	vsel vm8, $0x4280, v36;
	v8 =	vsel vm3, $0x4A00, v8  }
0x2f: {  	v34 =	vsel vm7, $0x4200, v34;
	v10 =	vcombine.low v6, v5;
	v8 =	vsel vm1, $0x4A80, v8  }
0x30: {  	v35 =	vsel vm7, $0x4280, v35;
	v36 =	vsel vm7, $0x4300, v36;
	v11 =	vsel vm2, $0x4B00, v8  }
0x31: {  	v8 =	vand.u32 $0xF, v10;
	v10 =	vsel vm0, $0x4B80, v11;
	v11 =	vsel vm9, $0x4800, v9  }
0x32: {  	v34 =	vsel vm6, $0x4280, v34;
	v35 =	vsel vm6, $0x4300, v35;
	v11 =	vsel vm8, $0x4880, v11  }
0x33: {  	v9 =	vsel vm5, $0x4000, v10;
	v10 =	vimm.s32 $0x210FEDCB;
	v11 =	vsel vm7, $0x4900, v11  }
0x34: {  	v36 =	vsel vm6, $0x4380, v36;
	v10 =	vunpack.c.l.s4.s8 v10;
	v11 =	vsel vm6, $0x4980, v11  }
0x35: {  	v34 =	vsel vm4, $0x4300, v34;
	v35 =	vsel vm4, $0x4380, v35;
	v11 =	vsel vm4, $0x4A00, v11  }
0x36: {  	v36 =	vsel vm4, $0x4800, v36;
	v10 =	vunpack.c.0.s8.s32 v10;
	v14 =	vsel vm3, $0x4A80, v11  }
0x37: {  	v11 =	vunpack.c.0.s8.s32 v13;
	v13 =	vsel vm1, $0x4B00, v14;
	v14 =	vimm.s32 $0x3210FEDC  }
0x38: {  	v34 =	vsel vm3, $0x4380, v34;
	v35 =	vsel vm3, $0x4800, v35;
	v14 =	vunpack.c.l.s4.s8 v14  }
0x39: {  	v36 =	vsel vm3, $0x4880, v36;
	v16 =	vcombine.low v11, v10;
	v17 =	vsel vm2, $0x4B80, v13  }
0x3a: {  	v13 =	vunpack.c.0.s8.s32 v15;
	v15 =	vsel vm7, $0x4980, v18;
	v12 =	vunpack.c.0.s8.s32 v14  }
0x3b: {  	v0 =	vlaneseq.u32;
	v15 =	vsel vm6, $0x4A00, v15;
	v14 =	vand.u32 $0xF, v16  }
0x3c: {  	v16 =	vsel vm0, $0x4000, v17;
	v18 =	vsel vm4, $0x4A80, v15;
	v17 =	vcombine.low v13, v12  }
0x3d: {  	v34 =	vsel vm1, $0x4800, v34;
	v15 =	vsel vm5, $0x4080, v16;
	v18 =	vsel vm3, $0x4B00, v18  }
0x3e: {  	v16 =	vand.u32 $0xF, v17;
	v17 =	vsel vm1, $0x4B80, v18;
	v18 =	vsel vm13, $0x4300, v19  }
0x3f: {  	v35 =	vsel vm1, $0x4880, v35;
	v36 =	vsel vm1, $0x4900, v36;
	v18 =	vsel vm12, $0x4380, v18  }
0x40: {  	v19 =	vsel vm2, $0x4000, v17;
	v17 =	vimm.s32 $0x43210FED;
	v18 =	vsel vm11, $0x4800, v18  }
0x41: {  	v34 =	vsel vm2, $0x4880, v34;
	v17 =	vunpack.c.l.s4.s8 v17;
	v18 =	vsel vm10, $0x4880, v18  }
0x42: {  	v35 =	vsel vm2, $0x4900, v35;
	v36 =	vsel vm2, $0x4980, v36;
	v18 =	vsel vm9, $0x4900, v18  }
0x43: {  	v17 =	vunpack.c.0.s8.s32 v17;
	v22 =	vsel vm8, $0x4980, v18;
	v18 =	vunpack.c.0.s8.s32 v21  }
0x44: {  	v34 =	vsel vm0, $0x4900, v34;
	v35 =	vsel vm0, $0x4980, v35;
	v36 =	vsel vm0, $0x4A00, v36  }
0x45: {  	v34 =	vsel vm5, $0x4980, v34;
	v21 =	vsel vm7, $0x4A00, v22;
	v22 =	vcombine.low v18, v17  }
0x46: {  	v35 =	vsel vm5, $0x4A00, v35;
	v36 =	vsel vm5, $0x4A80, v36;
	v7 =	vsel vm0, $0x4B00, v7  }
0x47: {  	v7 =	vsel vm5, $0x4B80, v7;
	v20 =	vand.u32 $0xF, v22;
	v22 =	vsel vm7, $0x4A80, v23  }
0x48: {  	v19 =	vsel vm0, $0x4080, v19;
	v23 =	vimm.s32 $0x543210FE;
	v22 =	vsel vm6, $0x4B00, v22  }
0x49: {  	v21 =	vsel vm6, $0x4A80, v21;
	v23 =	vunpack.c.l.s4.s8 v23;
	v22 =	vsel vm4, $0x4B80, v22  }
0x4a: {  	v19 =	vsel vm5, $0x4100, v19;
	v21 =	vsel vm4, $0x4B00, v21;
	v24 =	vsel vm3, $0x4000, v22  }
0x4b: {  	v22 =	vunpack.c.0.s8.s32 v23;
	v23 =	vsel vm1, $0x4080, v24;
	v24 =	vsel vm14, $0x4380, v25  }
0x4c: {  	v25 =	vimm.s32 $0xDCBA9876;
	v23 =	vsel vm2, $0x4100, v23;
	v24 =	vsel vm13, $0x4800, v24  }
0x4d: {  	v26 =	vsel vm0, $0x4180, v23;
	v23 =	vsel vm12, $0x4880, v24;
	v24 =	vimm.s32 $0x6543210F  }
0x4e: {  	v25 =	vunpack.c.l.s4.s8 v25;
	v23 =	vsel vm11, $0x4900, v23;
	v28 =	vunpack.c.l.s4.s8 v24  }
0x4f: {  	v24 =	vsel vm5, $0x4200, v26;
	v26 =	vunpack.c.0.s8.s32 v27;
	v29 =	vsel vm10, $0x4980, v23  }
0x50: {  	v23 =	vunpack.c.0.s8.s32 v25;
	v29 =	vsel vm9, $0x4A00, v29;
	v25 =	vunpack.c.0.s8.s32 v28  }
0x51: {  	v28 =	vimm.s32 $0x4380;
	v27 =	vsel vm8, $0x4A80, v29;
	v29 =	vimm.s32 $0x4800  }
0x52: {  	v21 =	vsel vm3, $0x4B80, v21;
	v28 =	vsel vm14, $0x4800, v28;
	v29 =	vsel vm14, $0x4880, v29  }
0x53: {  	v21 =	vsel vm1, $0x4000, v21;
	v28 =	vsel vm13, $0x4880, v28;
	v29 =	vsel vm13, $0x4900, v29  }
0x54: {  	v21 =	vsel vm2, $0x4080, v21;
	v28 =	vsel vm12, $0x4900, v28;
	v29 =	vsel vm12, $0x4980, v29  }
0x55: {  	v21 =	vsel vm0, $0x4100, v21;
	v28 =	vsel vm11, $0x4980, v28;
	v29 =	vsel vm11, $0x4A00, v29  }
0x56: {  	v21 =	vsel vm5, $0x4180, v21;
	v28 =	vsel vm10, $0x4A00, v28;
	v29 =	vsel vm10, $0x4A80, v29  }
0x57: {  	v27 =	vsel vm7, $0x4B00, v27;
	v28 =	vsel vm9, $0x4A80, v28;
	v29 =	vsel vm9, $0x4B00, v29  }
0x58: {  	v27 =	vsel vm6, $0x4B80, v27;
	v28 =	vsel vm8, $0x4B00, v28;
	v29 =	vsel vm8, $0x4B80, v29  }
0x59: {  	v27 =	vsel vm4, $0x4000, v27;
	v28 =	vsel vm7, $0x4B80, v28;
	v29 =	vsel vm7, $0x4000, v29  }
0x5a: {  	v27 =	vsel vm3, $0x4080, v27;
	v28 =	vsel vm6, $0x4000, v28;
	v29 =	vsel vm6, $0x4080, v29  }
0x5b: {  	v27 =	vsel vm1, $0x4100, v27;
	v28 =	vsel vm4, $0x4080, v28;
	v29 =	vsel vm4, $0x4100, v29  }
0x5c: {  	v27 =	vsel vm2, $0x4180, v27;
	v28 =	vsel vm3, $0x4100, v28;
	v29 =	vsel vm3, $0x4180, v29  }
0x5d: {  	v27 =	vsel vm0, $0x4200, v27;
	v28 =	vsel vm1, $0x4180, v28;
	v29 =	vsel vm1, $0x4200, v29  }
0x5e: {  	s0 =	rddreg [dreg:$0x0];
	v27 =	vsel vm5, $0x4280, v27;
	v28 =	vsel vm2, $0x4200, v28;
	v29 =	vsel vm2, $0x4280, v29  }
0x5f: {  	s1 =	rddreg [dreg:$0x1];
	v32 =	vsel vm0, $0x4280, v28;
	v28 =	vcombine.low v31, v30;
	v31 =	vimm.s32 $0x4880  }
0x60: {  	s3 =	simm.s32 $0x0;
	s2 =	srdreg.scid;
	s4 =	stileid.u32;
	v33 =	vsel vm0, $0x4300, v29;
	v29 =	vsel vm5, $0x4300, v32;
	v31 =	vsel vm14, $0x4900, v31  }
0x61: {  	s15 =	simm.s32 $0x15600;
	s16 =	simm.s32 $0x4;
	s17 =	simm.s32 $0x80;
	v32 =	vsel vm14, $0x4980, v62;
	v30 =	vsel vm5, $0x4380, v33;
	v33 =	vsel vm14, $0x4A00, v63  }
0x62: {  	s18 =	simm.s32 $0x400;
	s20 =	simm.s32 $0x600;
	s22 =	simm.s32 $0x100;
	v31 =	vsel vm13, $0x4980, v31;
	v32 =	vsel vm13, $0x4A00, v32;
	v33 =	vsel vm13, $0x4A80, v33  }
0x63: {  	s28 =	simm.s32 $0xC600;
	s29 =	simm.s32 $0x1;
	s30 =	simm.s32 $0x10600;
	v31 =	vsel vm12, $0x4A00, v31;
	v32 =	vsel vm12, $0x4A80, v32;
	v33 =	vsel vm12, $0x4B00, v33  }
0x64: {  	s31 =	simm.s32 $0x800;
	s19 =	simm.s32 $0x3;
	[smem:$0x7FF] =	sst s3;
	v31 =	vsel vm11, $0x4A80, v31;
	v32 =	vsel vm11, $0x4B00, v32;
	v33 =	vsel vm11, $0x4B80, v33  }
0x65: {  	s5 =	sshll.u32 s4, $0x1;
	s4 =	sadd.s32 $0xA00, s0;
	s7 =	sadd.s32 $0xF74E00, s0;
	v31 =	vsel vm10, $0x4B00, v31;
	v32 =	vsel vm10, $0x4B80, v32;
	v33 =	vsel vm10, $0x4000, v33  }
0x66: {  	s2 =	sand.u32 $0x1, s2;
	s6 =	sadd.s32 $0x32A00, s0;
	_ =	strace $0x80000047;
	v31 =	vsel vm9, $0x4B80, v31;
	v32 =	vsel vm9, $0x4000, v32;
	v33 =	vsel vm9, $0x4080, v33  }
0x67: {  	s8 =	sor.u32 s2, s5;
	s5 =	sadd.s32 $0x19A00, s0;
	s0 =	sadd.s32 $0x4BA00, s0;
	v31 =	vsel vm8, $0x4000, v31;
	v32 =	vsel vm8, $0x4080, v32;
	v33 =	vsel vm8, $0x4100, v33  }
0x68: {  	s24 =	ssub.s32 $0x2, s2;
	s2 =	sshll.u32 s2, $0x9;
	s9 =	smul.u32 $0x6400, s8;
	v31 =	vsel vm7, $0x4080, v31;
	v32 =	vsel vm7, $0x4100, v32;
	v33 =	vsel vm7, $0x4180, v33  }
0x69: {  	[dreg:$0x3] =	wrdreg s0;
	s10 =	smul.u32 $0xC80, s8;
	s12 =	sshrl.u32 s24, $0x1;
	v31 =	vsel vm6, $0x4100, v31;
	v32 =	vsel vm6, $0x4180, v32;
	v33 =	vsel vm6, $0x4200, v33  }
0x6a: {  	s0 =	ssub.s32 s24, s12;
	s11 =	sand.u32 $0xFF800, s9;
	s9 =	smul.u32 $0x64, s8;
	v31 =	vsel vm4, $0x4180, v31;
	v32 =	vsel vm4, $0x4200, v32;
	v33 =	vsel vm4, $0x4280, v33  }
0x6b: {  	s25 =	sadd.s32 s4, s10;
	s0 =	smax.u32 s0, $0x1;
	s2 =	sor.u32 s2, s11;
	v31 =	vsel vm3, $0x4200, v31;
	v32 =	vsel vm3, $0x4280, v32;
	v33 =	vsel vm3, $0x4300, v33  }
0x6c: {  	s10 =	simm.s32 $0x0;
	[dreg:$0x4] =	wrdreg s25;
	s2 =	sshrl.u32 s2, $0x3;
	v31 =	vsel vm1, $0x4280, v31;
	v32 =	vsel vm1, $0x4300, v32;
	v33 =	vsel vm1, $0x4380, v33  }
0x6d: {  	[dreg:$0x7] =	wrdreg s0;
	s25 =	simm.s32 $0x8600;
	s26 =	sadd.s32 s5, s2;
	v31 =	vsel vm2, $0x4300, v31;
	v32 =	vsel vm2, $0x4380, v32;
	v33 =	vsel vm2, $0x4800, v33  }
0x6e: {  	s0 =	simm.s32 $0x8000;
	s2 =	sadd.s32 s6, s2;
	[dreg:$0x5] =	wrdreg s26;
	v31 =	vsel vm0, $0x4380, v31;
	v32 =	vsel vm0, $0x4800, v32;
	v33 =	vsel vm0, $0x4880, v33  }
0x6f: {  	s13 =	sadd.s32 $0x64, s9;
	[dreg:$0x6] =	wrdreg s2;
	s2 =	simm.s32 $0x2;
	v31 =	vsel vm5, $0x4800, v31;
	v32 =	vsel vm5, $0x4880, v32;
	v33 =	vsel vm5, $0x4900, v33  }
.LBB2_1:
0x70: {  	[dreg:$0x8] =	wrdreg s10  }
0x71: {  	s8 =	rddreg [dreg:$0x3]  }
0x72: {  	[tilespmem:s15], [sflag:$0x4] =	stream.linear.gather [hbm4b:s8+s3], $0x3E80, $0x38;
	[tilespmem:$0x19480] =	vst v63  }
0x73: {  	_ =	swait.ge [sflag:s16], $0x3E80  }
0x74: {  	[sflag:s16] =	ssyncset.done $0x0  }
0x75: {  	s14 =	rddreg [dreg:$0x4];
	[sflag:s16] =	ssyncadd.s32 $0xFFFFC180  }
0x76: {  	[tilespmem:s3], [sflag:$0x4] =	stream.linear.gather [hbm4b:s14+s3], $0x100, $0x38;
	[tilespmem:$0x19480] =	vst v63  }
0x77: {  	_ =	swait.ge [sflag:s16], $0x100  }
0x78: {  	[sflag:s16] =	ssyncset.done $0x0  }
0x79: {  	s23 =	simm.s32 $0x200;
	s21 =	rddreg [dreg:$0x5];
	[sflag:s16] =	ssyncadd.s32 $0xFFFFFF00  }
0x7a: {  	[tilespmem:s23], [sflag:$0x1] =	stream.strided.gather [hbm4b:s21+s17], $0x100, s18, s17, $0x38;
	[tilespmem:$0x19480] =	vst v63  }
0x7b: {  	s24 =	rddreg [dreg:$0x6]  }
0x7c: {  	[tilespmem:s18], [sflag:$0x1] =	stream.strided.gather [hbm4b:s24+s17], $0x100, s18, s17, $0x38;
	[tilespmem:$0x19480] =	vst v63  }
0x7d: {  	_ = 	snop  }
0x7e: {  	[tilespmem:s20], [sflag:$0x1] =	stream.indirect.gather [hbm4b:s7+s17], $0x80, s3, s17, $0xb8;
	[tilespmem:$0x19480] =	vst v63  }
0x7f: {  	s26 =	simm.s32 $0x4600;
	s8 =	simm.s32 $0x0  }
0x80: {  	[tilespmem:s26], [sflag:$0x1] =	stream.indirect.gather [hbm4b:s7+s17], $0x80, s17, s17, $0xb8;
	[tilespmem:$0x19480] =	vst v63  }
.LBB2_2:
0x81: {  	s10 =	sshll.u32 s8, $0x1  }
0x82: {  	s11 =	sadd.s32 s9, s10  }
0x83: {  	s10 =	sor.u32 $0x1, s11  }
0x84: {  	s12 =	sshll.u32 s10, $0x5  }
0x85: {  	s12 =	sand.u32 $0x1FFFFFE0, s12  }
0x86: {  	s23 =	sshll.u32 s11, $0x5;
	s14 =	sshll.u32 s10, $0x4;
	s12 =	sadd.s32 s4, s12  }
0x87: {  	[tilespmem:s22], [sflag:$0x4] =	stream.linear.gather [hbm4b:s12+s3], $0x100, $0x38;
	[tilespmem:$0x19480] =	vst v63  }
0x88: {  	s14 =	sand.u32 $0x70, s14;
	s12 =	sand.u32 $0xFFFFF00, s23;
	_ =	swait.ge [sflag:s16], $0x100  }
0x89: {  	s12 =	sor.u32 s12, s14;
	[sflag:s16] =	ssyncset.done $0x0  }
0x8a: {  	s21 =	simm.s32 $0x300;
	s14 =	sadd.s32 s5, s12;
	[sflag:s16] =	ssyncadd.s32 $0xFFFFFF00  }
0x8b: {  	[tilespmem:s21], [sflag:$0x2] =	stream.strided.gather [hbm4b:s14+s17], $0x100, s18, s17, $0x38;
	[tilespmem:$0x19480] =	vst v63  }
0x8c: {  	s24 =	simm.s32 $0x500;
	s12 =	sadd.s32 s6, s12  }
0x8d: {  	[tilespmem:s24], [sflag:$0x2] =	stream.strided.gather [hbm4b:s12+s17], $0x100, s18, s17, $0x38;
	[tilespmem:$0x19480] =	vst v63  }
0x8e: {  	_ = 	snop  }
0x8f: {  	[tilespmem:s25], [sflag:$0x2] =	stream.indirect.gather [hbm4b:s7+s17], $0x80, s22, s17, $0xb8;
	[tilespmem:$0x19480] =	vst v63  }
0x90: {  	s26 =	simm.s32 $0x180  }
0x91: {  	[tilespmem:s28], [sflag:$0x2] =	stream.indirect.gather [hbm4b:s7+s17], $0x80, s26, s17, $0xb8;
	[tilespmem:$0x19480] =	vst v63  }
0x92: {  	_ =	swait.ge [sflag:s29], $0x100  }
0x93: {  	[sflag:s29] =	ssyncset.done $0x0  }
0x94: {  	[sflag:s29] =	ssyncadd.s32 $0xFFFFFF00  }
0x95: {  	_ =	swait.ge [sflag:s29], $0x100  }
0x96: {  	[sflag:s29] =	ssyncset.done $0x0  }
0x97: {  	[sflag:s29] =	ssyncadd.s32 $0xFFFFFF00  }
0x98: {  	_ =	swait.ge [sflag:s29], $0x4000  }
0x99: {  	[sflag:s29] =	ssyncset.done $0x0  }
0x9a: {  	[sflag:s29] =	ssyncadd.s32 $0xFFFFC000  }
0x9b: {  	_ =	swait.ge [sflag:s29], $0x4000  }
0x9c: {  	p0 =	seq.s32 s8, $0x0;
	[sflag:s29] =	ssyncset.done $0x0  }
0x9d: {  	s12 =	simm.s32 @!p0 $0x3;
	[sflag:s29] =	ssyncadd.s32 $0xFFFFC000  }
0x9e: {  	_ =	swait.ge @!p0 [sflag:s12], $0x5000  }
0x9f: {  	[sflag:s12] =	ssyncset.done @!p0 $0x0  }
0xa0: {  	[sflag:s12] =	ssyncadd.s32 @!p0 $0xFFFFB000;
	s12 =	simm.s32 $0x0  }
.LBB2_3:
0xa1: {  	s14 =	sshll.u32 s12, $0x4  }
0xa2: {  	v38 =	vld [tilespmem:s14+$0x200];
	_ =	sdelay $0x3  }
0xa3: {  	v40 =	vlaneseq.u32  }
0xa4: {  	v39 =	vor.u32 s14, v40;
	v41 =	vadd.s32 v38, v40  }
0xa5: {  	v37 =	vshll.u32 v39, $0x7;
	v42 =	vand.u32 $0xFFFFFF80, v41  }
0xa6: {  	v41 =	vand.u32 $0x7F, v41;
	v42 =	vadd.s32 v37, v42  }
0xa7: {  	v43 =	vmov s14;
	v54 =	vadd.s32 $0x1, v40;
	v41 =	vor.u32 v41, v42  }
0xa8: {  	v55 =	vshll.u32 v40, $0x8;
	v44 =	vshll.u32 v40, $0x7;
	v43 =	vshll.u32 v43, $0x3  }
0xa9: {  	v39 =	vand.u32 $0x7F, v39;
	v56 =	vand.u32 $0x3F, v54;
	v53 =	vand.u32 $0x400, v43  }
0xaa: {  	v46 =	vor.u32 v39, v53;
	v39 =	vand.u32 $0x3800, v55;
	v42 =	vadd.s32 v38, v56  }
0xab: {  	v44 =	vand.u32 $0x380, v44;
	v39 =	vor.u32 v46, v39;
	v45 =	vand.u32 $0xFFFFFF80, v42  }
0xac: {  	v47 =	vor.u32 v44, v39;
	v57 =	vand.u32 $0x7F, v42;
	v58 =	vadd.s32 v37, v45;
	v41 =	vld.idx.msk [tilespmem:v41+s20+$0x0], $0xffff  }
0xad: {  	v42 =	vor.u32 v57, v58  }
0xae: {  	v59 =	vadd.s32 $0x2, v40  }
0xaf: {  	v48 =	vshll.u32 v54, $0x8;
	v49 =	vand.u32 $0x3F, v59;
	v43 =	vshll.u32 v54, $0x7  }
0xb0: {  	v48 =	vand.u32 $0x3800, v48;
	v43 =	vand.u32 $0x380, v43;
	v49 =	vadd.s32 v38, v49  }
0xb1: {  	v43 =	vor.u32 v48, v43;
	v39 =	vld [tilespmem:s14+$0x400];
	v60 =	vand.u32 $0xFFFFFF80, v49;
	[tilespmem:v47+s30+$0x0] =	vst.idx.msk $0xffff, v41  }
0xb2: {  	v43 =	vor.u32 v46, v43;
	v61 =	vand.u32 $0x7F, v49;
	v41 =	vadd.s32 v37, v60;
	v42 =	vld.idx.msk [tilespmem:v42+s20+$0x0], $0xffff  }
0xb3: {  	v41 =	vor.u32 v61, v41  }
0xb4: {  	v62 =	vadd.s32 $0x3, v40  }
0xb5: {  	v63 =	vshll.u32 v59, $0x8;
	v52 =	vand.u32 $0x3F, v62;
	v45 =	vshll.u32 v59, $0x7  }
0xb6: {  	v48 =	vand.u32 $0x3800, v63;
	v49 =	vadd.s32 v38, v52;
	v45 =	vand.u32 $0x380, v45  }
0xb7: {  	v53 =	vand.u32 $0xFFFFFF80, v49;
	v45 =	vor.u32 v48, v45;
	[tilespmem:v43+s30+$0x0] =	vst.idx.msk $0xffff, v42  }
0xb8: {  	v55 =	vand.u32 $0x7F, v49;
	v54 =	vor.u32 v46, v45;
	v42 =	vadd.s32 v37, v53;
	v41 =	vld.idx.msk [tilespmem:v41+s20+$0x0], $0xffff  }
0xb9: {  	v42 =	vor.u32 v55, v42  }
0xba: {  	v56 =	vadd.s32 $0x4, v40  }
0xbb: {  	v57 =	vshll.u32 v62, $0x8;
	v58 =	vand.u32 $0x3F, v56;
	v47 =	vshll.u32 v62, $0x7  }
0xbc: {  	v48 =	vand.u32 $0x3800, v57;
	v49 =	vadd.s32 v38, v58;
	v47 =	vand.u32 $0x380, v47  }
0xbd: {  	v59 =	vand.u32 $0xFFFFFF80, v49;
	v47 =	vor.u32 v48, v47;
	[tilespmem:v54+s30+$0x0] =	vst.idx.msk $0xffff, v41  }
0xbe: {  	v61 =	vand.u32 $0x7F, v49;
	v60 =	vor.u32 v46, v47;
	v41 =	vadd.s32 v37, v59;
	v42 =	vld.idx.msk [tilespmem:v42+s20+$0x0], $0xffff  }
0xbf: {  	v41 =	vor.u32 v61, v41  }
0xc0: {  	v62 =	vadd.s32 $0x5, v40  }
0xc1: {  	v63 =	vshll.u32 v56, $0x8;
	v45 =	vshll.u32 v56, $0x7;
	v52 =	vand.u32 $0x3F, v62  }
0xc2: {  	v45 =	vand.u32 $0x380, v45;
	v48 =	vand.u32 $0x3800, v63;
	v49 =	vadd.s32 v38, v52  }
0xc3: {  	v45 =	vor.u32 v48, v45;
	v53 =	vand.u32 $0xFFFFFF80, v49;
	[tilespmem:v60+s30+$0x0] =	vst.idx.msk $0xffff, v42  }
0xc4: {  	v55 =	vand.u32 $0x7F, v49;
	v54 =	vor.u32 v46, v45;
	v42 =	vadd.s32 v37, v53;
	v41 =	vld.idx.msk [tilespmem:v41+s20+$0x0], $0xffff  }
0xc5: {  	v42 =	vor.u32 v55, v42  }
0xc6: {  	v56 =	vadd.s32 $0x6, v40  }
0xc7: {  	v58 =	vand.u32 $0x3F, v56;
	v57 =	vshll.u32 v62, $0x8;
	v47 =	vshll.u32 v62, $0x7  }
0xc8: {  	v48 =	vand.u32 $0x3800, v57;
	v47 =	vand.u32 $0x380, v47;
	v49 =	vadd.s32 v38, v58  }
0xc9: {  	v47 =	vor.u32 v48, v47;
	v59 =	vand.u32 $0xFFFFFF80, v49;
	[tilespmem:v54+s30+$0x0] =	vst.idx.msk $0xffff, v41  }
0xca: {  	v61 =	vand.u32 $0x7F, v49;
	v60 =	vor.u32 v46, v47;
	v41 =	vadd.s32 v37, v59;
	v42 =	vld.idx.msk [tilespmem:v42+s20+$0x0], $0xffff  }
0xcb: {  	v41 =	vor.u32 v61, v41  }
0xcc: {  	v62 =	vadd.s32 $0x7, v40  }
0xcd: {  	v63 =	vshll.u32 v56, $0x8;
	v52 =	vand.u32 $0x3F, v62;
	v45 =	vshll.u32 v56, $0x7  }
0xce: {  	v48 =	vand.u32 $0x3800, v63;
	v45 =	vand.u32 $0x380, v45;
	v49 =	vadd.s32 v38, v52  }
0xcf: {  	v45 =	vor.u32 v48, v45;
	v53 =	vand.u32 $0xFFFFFF80, v49;
	[tilespmem:v60+s30+$0x0] =	vst.idx.msk $0xffff, v42  }
0xd0: {  	v55 =	vand.u32 $0x7F, v49;
	v54 =	vor.u32 v46, v45;
	v42 =	vadd.s32 v37, v53;
	v41 =	vld.idx.msk [tilespmem:v41+s20+$0x0], $0xffff  }
0xd1: {  	v42 =	vor.u32 v55, v42  }
0xd2: {  	v56 =	vadd.s32 $0x8, v40  }
0xd3: {  	v57 =	vshll.u32 v62, $0x8;
	v58 =	vand.u32 $0x3F, v56;
	v47 =	vshll.u32 v62, $0x7  }
0xd4: {  	v48 =	vand.u32 $0x3800, v57;
	v47 =	vand.u32 $0x380, v47;
	v49 =	vadd.s32 v38, v58  }
0xd5: {  	v47 =	vor.u32 v48, v47;
	v59 =	vand.u32 $0xFFFFFF80, v49;
	[tilespmem:v54+s30+$0x0] =	vst.idx.msk $0xffff, v41  }
0xd6: {  	v61 =	vand.u32 $0x7F, v49;
	v60 =	vor.u32 v46, v47;
	v41 =	vadd.s32 v37, v59;
	v42 =	vld.idx.msk [tilespmem:v42+s20+$0x0], $0xffff  }
0xd7: {  	v41 =	vor.u32 v61, v41  }
0xd8: {  	v62 =	vadd.s32 $0x9, v40  }
0xd9: {  	v63 =	vand.u32 $0x3F, v62;
	v45 =	vshll.u32 v56, $0x8  }
0xda: {  	v48 =	vadd.s32 v38, v63;
	v45 =	vand.u32 $0x3800, v45  }
0xdb: {  	v52 =	vor.u32 v46, v45;
	v53 =	vand.u32 $0xFFFFFF80, v48;
	[tilespmem:v60+s30+$0x0] =	vst.idx.msk $0xffff, v42  }
0xdc: {  	v43 =	vadd.s32 v37, v53;
	v54 =	vand.u32 $0x7F, v48;
	v42 =	vor.u32 v44, v52;
	v41 =	vld.idx.msk [tilespmem:v41+s20+$0x0], $0xffff  }
0xdd: {  	v43 =	vor.u32 v54, v43  }
0xde: {  	v55 =	vadd.s32 $0xA, v40  }
0xdf: {  	v56 =	vshll.u32 v62, $0x8;
	v47 =	vshll.u32 v62, $0x7;
	v57 =	vand.u32 $0x3F, v55  }
0xe0: {  	v45 =	vand.u32 $0x3800, v56;
	v47 =	vand.u32 $0x380, v47;
	v48 =	vadd.s32 v38, v57  }
0xe1: {  	v45 =	vor.u32 v45, v47;
	v58 =	vand.u32 $0xFFFFFF80, v48;
	[tilespmem:v42+s30+$0x0] =	vst.idx.msk $0xffff, v41  }
0xe2: {  	v59 =	vor.u32 v46, v45;
	v60 =	vand.u32 $0x7F, v48;
	v41 =	vadd.s32 v37, v58;
	v42 =	vld.idx.msk [tilespmem:v43+s20+$0x0], $0xffff  }
0xe3: {  	v41 =	vor.u32 v60, v41  }
0xe4: {  	v61 =	vadd.s32 $0xB, v40  }
0xe5: {  	v62 =	vshll.u32 v55, $0x8;
	v63 =	vand.u32 $0x3F, v61;
	v44 =	vshll.u32 v55, $0x7  }
0xe6: {  	v47 =	vand.u32 $0x3800, v62;
	v48 =	vadd.s32 v38, v63;
	v44 =	vand.u32 $0x380, v44  }
0xe7: {  	v52 =	vand.u32 $0xFFFFFF80, v48;
	v44 =	vor.u32 v47, v44;
	[tilespmem:v59+s30+$0x0] =	vst.idx.msk $0xffff, v42  }
0xe8: {  	v54 =	vand.u32 $0x7F, v48;
	v53 =	vor.u32 v46, v44;
	v42 =	vadd.s32 v37, v52;
	v41 =	vld.idx.msk [tilespmem:v41+s20+$0x0], $0xffff  }
0xe9: {  	v42 =	vor.u32 v54, v42  }
0xea: {  	v55 =	vadd.s32 $0xC, v40  }
0xeb: {  	v56 =	vshll.u32 v61, $0x8;
	v45 =	vshll.u32 v61, $0x7;
	v57 =	vand.u32 $0x3F, v55  }
0xec: {  	v45 =	vand.u32 $0x380, v45;
	v47 =	vand.u32 $0x3800, v56;
	v48 =	vadd.s32 v38, v57  }
0xed: {  	v45 =	vor.u32 v47, v45;
	v58 =	vand.u32 $0xFFFFFF80, v48;
	[tilespmem:v53+s30+$0x0] =	vst.idx.msk $0xffff, v41  }
0xee: {  	v60 =	vand.u32 $0x7F, v48;
	v59 =	vor.u32 v46, v45;
	v41 =	vadd.s32 v37, v58;
	v42 =	vld.idx.msk [tilespmem:v42+s20+$0x0], $0xffff  }
0xef: {  	v41 =	vor.u32 v60, v41  }
0xf0: {  	v61 =	vadd.s32 $0xD, v40  }
0xf1: {  	v63 =	vand.u32 $0x3F, v61;
	v62 =	vshll.u32 v55, $0x8;
	v44 =	vshll.u32 v55, $0x7  }
0xf2: {  	v47 =	vand.u32 $0x3800, v62;
	v44 =	vand.u32 $0x380, v44;
	v48 =	vadd.s32 v38, v63  }
0xf3: {  	v44 =	vor.u32 v47, v44;
	v51 =	vand.u32 $0xFFFFFF80, v48;
	[tilespmem:v59+s30+$0x0] =	vst.idx.msk $0xffff, v42  }
0xf4: {  	v52 =	vor.u32 v46, v44;
	v53 =	vand.u32 $0x7F, v48;
	v42 =	vadd.s32 v37, v51;
	v41 =	vld.idx.msk [tilespmem:v41+s20+$0x0], $0xffff  }
0xf5: {  	v42 =	vor.u32 v53, v42  }
0xf6: {  	v54 =	vadd.s32 $0xE, v40  }
0xf7: {  	v55 =	vshll.u32 v61, $0x8;
	v45 =	vshll.u32 v61, $0x7;
	v56 =	vand.u32 $0x3F, v54  }
0xf8: {  	v47 =	vand.u32 $0x3800, v55;
	v45 =	vand.u32 $0x380, v45;
	v48 =	vadd.s32 v38, v56  }
0xf9: {  	v45 =	vor.u32 v47, v45;
	v57 =	vand.u32 $0xFFFFFF80, v48;
	[tilespmem:v52+s30+$0x0] =	vst.idx.msk $0xffff, v41  }
0xfa: {  	v58 =	vor.u32 v46, v45;
	v59 =	vand.u32 $0x7F, v48;
	v41 =	vadd.s32 v37, v57;
	v42 =	vld.idx.msk [tilespmem:v42+s20+$0x0], $0xffff  }
0xfb: {  	v41 =	vor.u32 v59, v41  }
0xfc: {  	v61 =	vadd.s32 $0xF, v40  }
0xfd: {  	v62 =	vand.u32 $0x3F, v61;
	v44 =	vshll.u32 v54, $0x7;
	v60 =	vshll.u32 v54, $0x8  }
0xfe: {  	v63 =	vadd.s32 v38, v62;
	v44 =	vand.u32 $0x380, v44;
	v45 =	vand.u32 $0x3800, v60  }
0xff: {  	v44 =	vor.u32 v45, v44;
	v53 =	vand.u32 $0xFFFFFF80, v63;
	[tilespmem:v58+s30+$0x0] =	vst.idx.msk $0xffff, v42  }
0x100: {  	v55 =	vand.u32 $0x7F, v63;
	v54 =	vor.u32 v46, v44;
	v42 =	vadd.s32 v37, v53;
	v41 =	vld.idx.msk [tilespmem:v41+s20+$0x0], $0xffff  }
0x101: {  	v40 =	vadd.s32 $0x10, v40;
	v57 =	vor.u32 v55, v42  }
0x102: {  	v40 =	vand.u32 $0x3F, v40  }
0x103: {  	v56 =	vshll.u32 v61, $0x7;
	v60 =	vadd.s32 v38, v40;
	v52 =	vshll.u32 v61, $0x8  }
0x104: {  	v61 =	vand.u32 $0xFFFFFF80, v60;
	v59 =	vand.u32 $0x380, v56;
	v58 =	vand.u32 $0x3800, v52  }
0x105: {  	v45 =	vand.u32 $0x7F, v60;
	v62 =	vadd.s32 v37, v61;
	v42 =	vor.u32 v58, v59;
	[tilespmem:v54+s30+$0x0] =	vst.idx.msk $0xffff, v41  }
0x106: {  	v43 =	vor.u32 v45, v62;
	v44 =	vor.u32 v46, v42;
	v45 =	vld.idx.msk [tilespmem:v57+s20+$0x0], $0xffff;
	_ =	sdelay $0x2  }
0x107: {  	v63 =	vshll.u32 v40, $0x7;
	v42 =	vadd.s32 $0x1, v40  }
0x108: {  	s14 =	simm.s32 $0x2;
	v47 =	vshll.u32 v40, $0x8;
	v48 =	vand.u32 $0x3F, v42;
	v41 =	vand.u32 $0x380, v63  }
.LBB2_4:
0x109: {  	p0 =	sne.s32 s14, $0x1;
	s14 =	sadd.s32 $0xFFFFFFFF, s14;
	v47 =	vand.u32 $0x3800, v47;
	v48 =	vadd.s32 v38, v48;
	v49 =	vshll.u32 v42, $0x8;
	[tilespmem:v44+s30+$0x0] =	vst.idx.msk $0xffff, v45  }
0x10a: {  	v42 =	vshll.u32 v42, $0x7;
	v43 =	vld.idx.msk [tilespmem:v43+s20+$0x0], $0xffff;
	v44 =	vor.u32 v46, v47;
	v45 =	vand.u32 $0xFFFFFF80, v48  }
0x10b: {  	v47 =	vand.u32 $0x7F, v48;
	v44 =	vor.u32 v41, v44;
	v45 =	vadd.s32 v37, v45  }
0x10c: {  	v42 =	vand.u32 $0x380, v42;
	v45 =	vor.u32 v47, v45;
	v47 =	vand.u32 $0x3800, v49  }
0x10d: {  	v42 =	vor.u32 v47, v42  }
0x10e: {  	v47 =	vadd.s32 $0x2, v40  }
0x10f: {  	v48 =	vand.u32 $0x3F, v47;
	v49 =	vshll.u32 v47, $0x8;
	v47 =	vshll.u32 v47, $0x7  }
0x110: {  	v47 =	vand.u32 $0x380, v47;
	[tilespmem:v44+s30+$0x0] =	vst.idx.msk $0xffff, v43;
	v43 =	vadd.s32 v38, v48;
	v44 =	vand.u32 $0x3800, v49  }
0x111: {  	v45 =	vld.idx.msk [tilespmem:v45+s20+$0x0], $0xffff;
	v48 =	vand.u32 $0xFFFFFF80, v43;
	v44 =	vor.u32 v44, v47  }
0x112: {  	v42 =	vor.u32 v46, v42;
	v43 =	vand.u32 $0x7F, v43;
	v47 =	vadd.s32 v37, v48  }
0x113: {  	v43 =	vor.u32 v43, v47;
	_ =	sdelay $0x1  }
0x114: {  	v47 =	vadd.s32 $0x3, v40  }
0x115: {  	v48 =	vand.u32 $0x3F, v47;
	v49 =	vshll.u32 v47, $0x8;
	v47 =	vshll.u32 v47, $0x7  }
0x116: {  	v47 =	vand.u32 $0x380, v47;
	[tilespmem:v42+s30+$0x0] =	vst.idx.msk $0xffff, v45;
	v42 =	vadd.s32 v38, v48;
	v45 =	vand.u32 $0x3800, v49  }
0x117: {  	v43 =	vld.idx.msk [tilespmem:v43+s20+$0x0], $0xffff;
	v48 =	vand.u32 $0xFFFFFF80, v42;
	v45 =	vor.u32 v45, v47  }
0x118: {  	v44 =	vor.u32 v46, v44;
	v42 =	vand.u32 $0x7F, v42;
	v47 =	vadd.s32 v37, v48  }
0x119: {  	v42 =	vor.u32 v42, v47;
	_ =	sdelay $0x1  }
0x11a: {  	v47 =	vadd.s32 $0x4, v40  }
0x11b: {  	v48 =	vand.u32 $0x3F, v47;
	v49 =	vshll.u32 v47, $0x8;
	v47 =	vshll.u32 v47, $0x7  }
0x11c: {  	v47 =	vand.u32 $0x380, v47;
	[tilespmem:v44+s30+$0x0] =	vst.idx.msk $0xffff, v43;
	v43 =	vadd.s32 v38, v48;
	v44 =	vand.u32 $0x3800, v49  }
0x11d: {  	v42 =	vld.idx.msk [tilespmem:v42+s20+$0x0], $0xffff;
	v48 =	vand.u32 $0xFFFFFF80, v43;
	v44 =	vor.u32 v44, v47  }
0x11e: {  	v45 =	vor.u32 v46, v45;
	v43 =	vand.u32 $0x7F, v43;
	v47 =	vadd.s32 v37, v48  }
0x11f: {  	v43 =	vor.u32 v43, v47;
	_ =	sdelay $0x1  }
0x120: {  	v47 =	vadd.s32 $0x5, v40  }
0x121: {  	v48 =	vand.u32 $0x3F, v47;
	v49 =	vshll.u32 v47, $0x8;
	v47 =	vshll.u32 v47, $0x7  }
0x122: {  	v47 =	vand.u32 $0x380, v47;
	[tilespmem:v45+s30+$0x0] =	vst.idx.msk $0xffff, v42;
	v42 =	vadd.s32 v38, v48;
	v45 =	vand.u32 $0x3800, v49  }
0x123: {  	v43 =	vld.idx.msk [tilespmem:v43+s20+$0x0], $0xffff;
	v48 =	vand.u32 $0xFFFFFF80, v42;
	v45 =	vor.u32 v45, v47  }
0x124: {  	v44 =	vor.u32 v46, v44;
	v42 =	vand.u32 $0x7F, v42;
	v47 =	vadd.s32 v37, v48  }
0x125: {  	v42 =	vor.u32 v42, v47;
	_ =	sdelay $0x1  }
0x126: {  	v47 =	vadd.s32 $0x6, v40  }
0x127: {  	v48 =	vand.u32 $0x3F, v47;
	v49 =	vshll.u32 v47, $0x8;
	v47 =	vshll.u32 v47, $0x7  }
0x128: {  	v47 =	vand.u32 $0x380, v47;
	[tilespmem:v44+s30+$0x0] =	vst.idx.msk $0xffff, v43;
	v43 =	vadd.s32 v38, v48;
	v44 =	vand.u32 $0x3800, v49  }
0x129: {  	v42 =	vld.idx.msk [tilespmem:v42+s20+$0x0], $0xffff;
	v48 =	vand.u32 $0xFFFFFF80, v43;
	v44 =	vor.u32 v44, v47  }
0x12a: {  	v45 =	vor.u32 v46, v45;
	v43 =	vand.u32 $0x7F, v43;
	v47 =	vadd.s32 v37, v48  }
0x12b: {  	v43 =	vor.u32 v43, v47;
	_ =	sdelay $0x1  }
0x12c: {  	v47 =	vadd.s32 $0x7, v40  }
0x12d: {  	v48 =	vand.u32 $0x3F, v47;
	v49 =	vshll.u32 v47, $0x8;
	v47 =	vshll.u32 v47, $0x7  }
0x12e: {  	v47 =	vand.u32 $0x380, v47;
	[tilespmem:v45+s30+$0x0] =	vst.idx.msk $0xffff, v42;
	v42 =	vadd.s32 v38, v48;
	v45 =	vand.u32 $0x3800, v49  }
0x12f: {  	v43 =	vld.idx.msk [tilespmem:v43+s20+$0x0], $0xffff;
	v48 =	vand.u32 $0xFFFFFF80, v42;
	v45 =	vor.u32 v45, v47  }
0x130: {  	v44 =	vor.u32 v46, v44;
	v42 =	vand.u32 $0x7F, v42;
	v47 =	vadd.s32 v37, v48  }
0x131: {  	v42 =	vor.u32 v42, v47;
	_ =	sdelay $0x1  }
0x132: {  	v47 =	vadd.s32 $0x8, v40  }
0x133: {  	v48 =	vand.u32 $0x3F, v47;
	v47 =	vshll.u32 v47, $0x8  }
0x134: {  	[tilespmem:v44+s30+$0x0] =	vst.idx.msk $0xffff, v43;
	v43 =	vadd.s32 v38, v48  }
0x135: {  	v42 =	vld.idx.msk [tilespmem:v42+s20+$0x0], $0xffff;
	v44 =	vand.u32 $0xFFFFFF80, v43  }
0x136: {  	v45 =	vor.u32 v46, v45;
	v43 =	vand.u32 $0x7F, v43;
	v44 =	vadd.s32 v37, v44  }
0x137: {  	v43 =	vor.u32 v43, v44;
	_ =	sdelay $0x1  }
0x138: {  	v44 =	vadd.s32 $0x9, v40  }
0x139: {  	v48 =	vand.u32 $0x3F, v44;
	v49 =	vshll.u32 v44, $0x8;
	v44 =	vshll.u32 v44, $0x7  }
0x13a: {  	[tilespmem:v45+s30+$0x0] =	vst.idx.msk $0xffff, v42;
	v42 =	vand.u32 $0x3800, v47;
	v45 =	vadd.s32 v38, v48;
	v47 =	vand.u32 $0x3800, v49  }
0x13b: {  	v44 =	vand.u32 $0x380, v44;
	v43 =	vld.idx.msk [tilespmem:v43+s20+$0x0], $0xffff;
	v42 =	vor.u32 v46, v42;
	v48 =	vand.u32 $0xFFFFFF80, v45  }
0x13c: {  	v41 =	vor.u32 v41, v42;
	v42 =	vand.u32 $0x7F, v45;
	v45 =	vadd.s32 v37, v48  }
0x13d: {  	v44 =	vor.u32 v47, v44;
	v42 =	vor.u32 v42, v45;
	_ =	sdelay $0x1  }
0x13e: {  	v45 =	vadd.s32 $0xA, v40  }
0x13f: {  	v47 =	vand.u32 $0x3F, v45;
	v48 =	vshll.u32 v45, $0x8;
	v45 =	vshll.u32 v45, $0x7  }
0x140: {  	v45 =	vand.u32 $0x380, v45;
	[tilespmem:v41+s30+$0x0] =	vst.idx.msk $0xffff, v43;
	v41 =	vadd.s32 v38, v47;
	v43 =	vand.u32 $0x3800, v48  }
0x141: {  	v42 =	vld.idx.msk [tilespmem:v42+s20+$0x0], $0xffff;
	v47 =	vand.u32 $0xFFFFFF80, v41;
	v43 =	vor.u32 v43, v45  }
0x142: {  	v44 =	vor.u32 v46, v44;
	v41 =	vand.u32 $0x7F, v41;
	v45 =	vadd.s32 v37, v47  }
0x143: {  	v41 =	vor.u32 v41, v45;
	_ =	sdelay $0x1  }
0x144: {  	v45 =	vadd.s32 $0xB, v40  }
0x145: {  	v47 =	vand.u32 $0x3F, v45;
	v48 =	vshll.u32 v45, $0x8;
	v45 =	vshll.u32 v45, $0x7  }
0x146: {  	v45 =	vand.u32 $0x380, v45;
	[tilespmem:v44+s30+$0x0] =	vst.idx.msk $0xffff, v42;
	v42 =	vadd.s32 v38, v47;
	v44 =	vand.u32 $0x3800, v48  }
0x147: {  	v41 =	vld.idx.msk [tilespmem:v41+s20+$0x0], $0xffff;
	v47 =	vand.u32 $0xFFFFFF80, v42;
	v44 =	vor.u32 v44, v45  }
0x148: {  	v43 =	vor.u32 v46, v43;
	v42 =	vand.u32 $0x7F, v42;
	v45 =	vadd.s32 v37, v47  }
0x149: {  	v42 =	vor.u32 v42, v45;
	_ =	sdelay $0x1  }
0x14a: {  	v45 =	vadd.s32 $0xC, v40  }
0x14b: {  	v47 =	vand.u32 $0x3F, v45;
	v48 =	vshll.u32 v45, $0x8;
	v45 =	vshll.u32 v45, $0x7  }
0x14c: {  	v45 =	vand.u32 $0x380, v45;
	[tilespmem:v43+s30+$0x0] =	vst.idx.msk $0xffff, v41;
	v41 =	vadd.s32 v38, v47;
	v43 =	vand.u32 $0x3800, v48  }
0x14d: {  	v42 =	vld.idx.msk [tilespmem:v42+s20+$0x0], $0xffff;
	v47 =	vand.u32 $0xFFFFFF80, v41;
	v43 =	vor.u32 v43, v45  }
0x14e: {  	v44 =	vor.u32 v46, v44;
	v41 =	vand.u32 $0x7F, v41;
	v45 =	vadd.s32 v37, v47  }
0x14f: {  	v41 =	vor.u32 v41, v45;
	_ =	sdelay $0x1  }
0x150: {  	v45 =	vadd.s32 $0xD, v40  }
0x151: {  	v47 =	vand.u32 $0x3F, v45;
	v48 =	vshll.u32 v45, $0x8;
	v45 =	vshll.u32 v45, $0x7  }
0x152: {  	v45 =	vand.u32 $0x380, v45;
	[tilespmem:v44+s30+$0x0] =	vst.idx.msk $0xffff, v42;
	v42 =	vadd.s32 v38, v47;
	v44 =	vand.u32 $0x3800, v48  }
0x153: {  	v41 =	vld.idx.msk [tilespmem:v41+s20+$0x0], $0xffff;
	v47 =	vand.u32 $0xFFFFFF80, v42;
	v44 =	vor.u32 v44, v45  }
0x154: {  	v43 =	vor.u32 v46, v43;
	v42 =	vand.u32 $0x7F, v42;
	v45 =	vadd.s32 v37, v47  }
0x155: {  	v42 =	vor.u32 v42, v45;
	_ =	sdelay $0x1  }
0x156: {  	v45 =	vadd.s32 $0xE, v40  }
0x157: {  	v47 =	vand.u32 $0x3F, v45;
	v48 =	vshll.u32 v45, $0x8;
	v45 =	vshll.u32 v45, $0x7  }
0x158: {  	v45 =	vand.u32 $0x380, v45;
	[tilespmem:v43+s30+$0x0] =	vst.idx.msk $0xffff, v41;
	v41 =	vadd.s32 v38, v47;
	v43 =	vand.u32 $0x3800, v48  }
0x159: {  	v42 =	vld.idx.msk [tilespmem:v42+s20+$0x0], $0xffff;
	v47 =	vand.u32 $0xFFFFFF80, v41;
	v43 =	vor.u32 v43, v45  }
0x15a: {  	v44 =	vor.u32 v46, v44;
	v41 =	vand.u32 $0x7F, v41;
	v45 =	vadd.s32 v37, v47  }
0x15b: {  	v41 =	vor.u32 v41, v45;
	_ =	sdelay $0x1  }
0x15c: {  	v45 =	vadd.s32 $0xF, v40  }
0x15d: {  	v47 =	vand.u32 $0x3F, v45;
	v48 =	vshll.u32 v45, $0x8;
	v45 =	vshll.u32 v45, $0x7  }
0x15e: {  	v45 =	vand.u32 $0x380, v45;
	[tilespmem:v44+s30+$0x0] =	vst.idx.msk $0xffff, v42;
	v42 =	vadd.s32 v38, v47;
	v44 =	vand.u32 $0x3800, v48  }
0x15f: {  	v41 =	vld.idx.msk [tilespmem:v41+s20+$0x0], $0xffff;
	v47 =	vand.u32 $0xFFFFFF80, v42;
	v44 =	vor.u32 v44, v45  }
0x160: {  	v43 =	vor.u32 v46, v43;
	v42 =	vand.u32 $0x7F, v42;
	v45 =	vadd.s32 v37, v47  }
0x161: {  	v42 =	vor.u32 v42, v45;
	_ =	sdelay $0x1  }
0x162: {  	v40 =	vadd.s32 $0x10, v40  }
0x163: {  	v40 =	vand.u32 $0x3F, v40  }
0x164: {  	v47 =	vadd.s32 v38, v40;
	[tilespmem:v43+s30+$0x0] =	vst.idx.msk $0xffff, v41  }
0x165: {  	v41 =	vand.u32 $0xFFFFFF80, v47;
	v45 =	vld.idx.msk [tilespmem:v42+s20+$0x0], $0xffff  }
.Ltmp0:
0x166: {  	v44 =	vor.u32 v46, v44;
	v42 =	vand.u32 $0x7F, v47;
	v41 =	vadd.s32 v37, v41;
	(pc) =	sbr.rel @p0 .LBB2_4-.Ltmp0, $3  }
0x167: {  	v43 =	vor.u32 v42, v41;
	_ =	sdelay $0x1  }
0x168: {  	v41 =	vshll.u32 v40, $0x7;
	v42 =	vadd.s32 $0x1, v40  }
0x169: {  	v47 =	vshll.u32 v40, $0x8;
	v41 =	vand.u32 $0x380, v41;
	v48 =	vand.u32 $0x3F, v42  }
0x16a: {  	_ =	sdelay $0x2  }
0x16b: {  	v47 =	vand.u32 $0x3800, v47;
	v48 =	vadd.s32 v38, v48  }
0x16c: {  	[tilespmem:v44+s30+$0x0] =	vst.idx.msk $0xffff, v45;
	v54 =	vor.u32 v46, v47;
	v55 =	vand.u32 $0xFFFFFF80, v48  }
0x16d: {  	v43 =	vld.idx.msk [tilespmem:v43+s20+$0x0], $0xffff;
	v56 =	vand.u32 $0x7F, v48;
	v44 =	vor.u32 v41, v54;
	v45 =	vadd.s32 v37, v55  }
0x16e: {  	v45 =	vor.u32 v56, v45  }
0x16f: {  	v57 =	vadd.s32 $0x2, v40  }
0x170: {  	v58 =	vshll.u32 v42, $0x8;
	v59 =	vshll.u32 v42, $0x7;
	v49 =	vand.u32 $0x3F, v57  }
0x171: {  	v48 =	vand.u32 $0x3800, v58;
	v42 =	vand.u32 $0x380, v59;
	v49 =	vadd.s32 v38, v49  }
0x172: {  	v42 =	vor.u32 v48, v42;
	v60 =	vand.u32 $0xFFFFFF80, v49;
	[tilespmem:v44+s30+$0x0] =	vst.idx.msk $0xffff, v43  }
0x173: {  	v42 =	vor.u32 v46, v42;
	v61 =	vand.u32 $0x7F, v49;
	v43 =	vadd.s32 v37, v60;
	v44 =	vld.idx.msk [tilespmem:v45+s20+$0x0], $0xffff  }
0x174: {  	v43 =	vor.u32 v61, v43  }
0x175: {  	v62 =	vadd.s32 $0x3, v40  }
0x176: {  	v63 =	vshll.u32 v57, $0x8;
	v47 =	vshll.u32 v57, $0x7;
	v52 =	vand.u32 $0x3F, v62  }
0x177: {  	v48 =	vand.u32 $0x3800, v63;
	v47 =	vand.u32 $0x380, v47;
	v49 =	vadd.s32 v38, v52  }
0x178: {  	v47 =	vor.u32 v48, v47;
	v53 =	vand.u32 $0xFFFFFF80, v49;
	[tilespmem:v42+s30+$0x0] =	vst.idx.msk $0xffff, v44  }
0x179: {  	v54 =	vor.u32 v46, v47;
	v55 =	vand.u32 $0x7F, v49;
	v42 =	vadd.s32 v37, v53;
	v43 =	vld.idx.msk [tilespmem:v43+s20+$0x0], $0xffff  }
0x17a: {  	v42 =	vor.u32 v55, v42  }
0x17b: {  	v56 =	vadd.s32 $0x4, v40  }
0x17c: {  	v57 =	vshll.u32 v62, $0x8;
	v58 =	vand.u32 $0x3F, v56;
	v45 =	vshll.u32 v62, $0x7  }
0x17d: {  	v48 =	vand.u32 $0x3800, v57;
	v49 =	vadd.s32 v38, v58;
	v45 =	vand.u32 $0x380, v45  }
0x17e: {  	v59 =	vand.u32 $0xFFFFFF80, v49;
	v45 =	vor.u32 v48, v45;
	[tilespmem:v54+s30+$0x0] =	vst.idx.msk $0xffff, v43  }
0x17f: {  	v61 =	vand.u32 $0x7F, v49;
	v60 =	vor.u32 v46, v45;
	v43 =	vadd.s32 v37, v59;
	v42 =	vld.idx.msk [tilespmem:v42+s20+$0x0], $0xffff  }
0x180: {  	v43 =	vor.u32 v61, v43  }
0x181: {  	v62 =	vadd.s32 $0x5, v40  }
0x182: {  	v63 =	vshll.u32 v56, $0x8;
	v47 =	vshll.u32 v56, $0x7;
	v52 =	vand.u32 $0x3F, v62  }
0x183: {  	v47 =	vand.u32 $0x380, v47;
	v48 =	vand.u32 $0x3800, v63;
	v49 =	vadd.s32 v38, v52  }
0x184: {  	v47 =	vor.u32 v48, v47;
	v53 =	vand.u32 $0xFFFFFF80, v49;
	[tilespmem:v60+s30+$0x0] =	vst.idx.msk $0xffff, v42  }
0x185: {  	v55 =	vand.u32 $0x7F, v49;
	v54 =	vor.u32 v46, v47;
	v42 =	vadd.s32 v37, v53;
	v43 =	vld.idx.msk [tilespmem:v43+s20+$0x0], $0xffff  }
0x186: {  	v42 =	vor.u32 v55, v42  }
0x187: {  	v56 =	vadd.s32 $0x6, v40  }
0x188: {  	v58 =	vand.u32 $0x3F, v56;
	v57 =	vshll.u32 v62, $0x8;
	v45 =	vshll.u32 v62, $0x7  }
0x189: {  	v48 =	vand.u32 $0x3800, v57;
	v45 =	vand.u32 $0x380, v45;
	v49 =	vadd.s32 v38, v58  }
0x18a: {  	v45 =	vor.u32 v48, v45;
	v59 =	vand.u32 $0xFFFFFF80, v49;
	[tilespmem:v54+s30+$0x0] =	vst.idx.msk $0xffff, v43  }
0x18b: {  	v61 =	vand.u32 $0x7F, v49;
	v60 =	vor.u32 v46, v45;
	v43 =	vadd.s32 v37, v59;
	v42 =	vld.idx.msk [tilespmem:v42+s20+$0x0], $0xffff  }
0x18c: {  	v43 =	vor.u32 v61, v43  }
0x18d: {  	v62 =	vadd.s32 $0x7, v40  }
0x18e: {  	v63 =	vshll.u32 v56, $0x8;
	v52 =	vand.u32 $0x3F, v62;
	v47 =	vshll.u32 v56, $0x7  }
0x18f: {  	v48 =	vand.u32 $0x3800, v63;
	v47 =	vand.u32 $0x380, v47;
	v49 =	vadd.s32 v38, v52  }
0x190: {  	v47 =	vor.u32 v48, v47;
	v53 =	vand.u32 $0xFFFFFF80, v49;
	[tilespmem:v60+s30+$0x0] =	vst.idx.msk $0xffff, v42  }
0x191: {  	v55 =	vand.u32 $0x7F, v49;
	v54 =	vor.u32 v46, v47;
	v42 =	vadd.s32 v37, v53;
	v43 =	vld.idx.msk [tilespmem:v43+s20+$0x0], $0xffff  }
0x192: {  	v42 =	vor.u32 v55, v42  }
0x193: {  	v56 =	vadd.s32 $0x8, v40  }
0x194: {  	v57 =	vshll.u32 v62, $0x8;
	v58 =	vand.u32 $0x3F, v56;
	v45 =	vshll.u32 v62, $0x7  }
0x195: {  	v48 =	vand.u32 $0x3800, v57;
	v45 =	vand.u32 $0x380, v45;
	v49 =	vadd.s32 v38, v58  }
0x196: {  	v45 =	vor.u32 v48, v45;
	v59 =	vand.u32 $0xFFFFFF80, v49;
	[tilespmem:v54+s30+$0x0] =	vst.idx.msk $0xffff, v43  }
0x197: {  	v61 =	vand.u32 $0x7F, v49;
	v60 =	vor.u32 v46, v45;
	v43 =	vadd.s32 v37, v59;
	v42 =	vld.idx.msk [tilespmem:v42+s20+$0x0], $0xffff  }
0x198: {  	v43 =	vor.u32 v61, v43  }
0x199: {  	v62 =	vadd.s32 $0x9, v40  }
0x19a: {  	v63 =	vand.u32 $0x3F, v62;
	v47 =	vshll.u32 v56, $0x8  }
0x19b: {  	v48 =	vadd.s32 v38, v63;
	v47 =	vand.u32 $0x3800, v47  }
0x19c: {  	v52 =	vand.u32 $0xFFFFFF80, v48;
	v51 =	vor.u32 v46, v47;
	[tilespmem:v60+s30+$0x0] =	vst.idx.msk $0xffff, v42  }
0x19d: {  	v44 =	vadd.s32 v37, v52;
	v53 =	vor.u32 v41, v51;
	v54 =	vand.u32 $0x7F, v48;
	v43 =	vld.idx.msk [tilespmem:v43+s20+$0x0], $0xffff  }
0x19e: {  	v42 =	vor.u32 v54, v44  }
0x19f: {  	v55 =	vadd.s32 $0xA, v40  }
0x1a0: {  	v56 =	vshll.u32 v62, $0x8;
	v45 =	vshll.u32 v62, $0x7;
	v57 =	vand.u32 $0x3F, v55  }
0x1a1: {  	v47 =	vand.u32 $0x3800, v56;
	v45 =	vand.u32 $0x380, v45;
	v48 =	vadd.s32 v38, v57  }
0x1a2: {  	v45 =	vor.u32 v47, v45;
	v58 =	vand.u32 $0xFFFFFF80, v48;
	[tilespmem:v53+s30+$0x0] =	vst.idx.msk $0xffff, v43  }
0x1a3: {  	v59 =	vor.u32 v46, v45;
	v41 =	vadd.s32 v37, v58;
	v60 =	vand.u32 $0x7F, v48;
	v42 =	vld.idx.msk [tilespmem:v42+s20+$0x0], $0xffff  }
0x1a4: {  	v41 =	vor.u32 v60, v41  }
0x1a5: {  	v61 =	vadd.s32 $0xB, v40  }
0x1a6: {  	v62 =	vshll.u32 v55, $0x8;
	v63 =	vand.u32 $0x3F, v61;
	v44 =	vshll.u32 v55, $0x7  }
0x1a7: {  	v47 =	vand.u32 $0x3800, v62;
	v48 =	vadd.s32 v38, v63;
	v44 =	vand.u32 $0x380, v44  }
0x1a8: {  	v52 =	vand.u32 $0xFFFFFF80, v48;
	v44 =	vor.u32 v47, v44;
	[tilespmem:v59+s30+$0x0] =	vst.idx.msk $0xffff, v42  }
0x1a9: {  	v54 =	vand.u32 $0x7F, v48;
	v53 =	vor.u32 v46, v44;
	v42 =	vadd.s32 v37, v52;
	v41 =	vld.idx.msk [tilespmem:v41+s20+$0x0], $0xffff  }
0x1aa: {  	v42 =	vor.u32 v54, v42  }
0x1ab: {  	v55 =	vadd.s32 $0xC, v40  }
0x1ac: {  	v56 =	vshll.u32 v61, $0x8;
	v45 =	vshll.u32 v61, $0x7;
	v57 =	vand.u32 $0x3F, v55  }
0x1ad: {  	v45 =	vand.u32 $0x380, v45;
	v47 =	vand.u32 $0x3800, v56;
	v48 =	vadd.s32 v38, v57  }
0x1ae: {  	v45 =	vor.u32 v47, v45;
	v58 =	vand.u32 $0xFFFFFF80, v48;
	[tilespmem:v53+s30+$0x0] =	vst.idx.msk $0xffff, v41  }
0x1af: {  	v60 =	vand.u32 $0x7F, v48;
	v59 =	vor.u32 v46, v45;
	v41 =	vadd.s32 v37, v58;
	v42 =	vld.idx.msk [tilespmem:v42+s20+$0x0], $0xffff  }
0x1b0: {  	v41 =	vor.u32 v60, v41  }
0x1b1: {  	v61 =	vadd.s32 $0xD, v40  }
0x1b2: {  	v63 =	vand.u32 $0x3F, v61;
	v62 =	vshll.u32 v55, $0x8;
	v44 =	vshll.u32 v55, $0x7  }
0x1b3: {  	v47 =	vand.u32 $0x3800, v62;
	v48 =	vadd.s32 v38, v63;
	v44 =	vand.u32 $0x380, v44  }
0x1b4: {  	v51 =	vand.u32 $0xFFFFFF80, v48;
	v44 =	vor.u32 v47, v44;
	[tilespmem:v59+s30+$0x0] =	vst.idx.msk $0xffff, v42  }
0x1b5: {  	v52 =	vor.u32 v46, v44;
	v53 =	vand.u32 $0x7F, v48;
	v42 =	vadd.s32 v37, v51;
	v41 =	vld.idx.msk [tilespmem:v41+s20+$0x0], $0xffff  }
0x1b6: {  	v42 =	vor.u32 v53, v42  }
0x1b7: {  	v54 =	vadd.s32 $0xE, v40  }
0x1b8: {  	v55 =	vshll.u32 v61, $0x8;
	v45 =	vshll.u32 v61, $0x7;
	v56 =	vand.u32 $0x3F, v54  }
0x1b9: {  	v47 =	vand.u32 $0x3800, v55;
	v45 =	vand.u32 $0x380, v45;
	v48 =	vadd.s32 v38, v56  }
0x1ba: {  	v45 =	vor.u32 v47, v45;
	v57 =	vand.u32 $0xFFFFFF80, v48;
	[tilespmem:v52+s30+$0x0] =	vst.idx.msk $0xffff, v41  }
0x1bb: {  	v58 =	vor.u32 v46, v45;
	v59 =	vand.u32 $0x7F, v48;
	v41 =	vadd.s32 v37, v57;
	v42 =	vld.idx.msk [tilespmem:v42+s20+$0x0], $0xffff  }
0x1bc: {  	v41 =	vor.u32 v59, v41  }
0x1bd: {  	v60 =	vadd.s32 $0xF, v40  }
0x1be: {  	v61 =	vshll.u32 v54, $0x8;
	v44 =	vshll.u32 v54, $0x7;
	v62 =	vand.u32 $0x3F, v60  }
0x1bf: {  	v44 =	vand.u32 $0x380, v44;
	v45 =	vand.u32 $0x3800, v61;
	v63 =	vadd.s32 v38, v62  }
0x1c0: {  	v44 =	vor.u32 v45, v44;
	v48 =	vand.u32 $0xFFFFFF80, v63;
	[tilespmem:v58+s30+$0x0] =	vst.idx.msk $0xffff, v42  }
0x1c1: {  	v49 =	vor.u32 v46, v44;
	v38 =	vand.u32 $0x7F, v63;
	v50 =	vadd.s32 v37, v48;
	v41 =	vld.idx.msk [tilespmem:v41+s20+$0x0], $0xffff  }
0x1c2: {  	v37 =	vor.u32 v38, v50;
	_ =	sdelay $0x1  }
0x1c3: {  	v40 =	vshll.u32 v60, $0x7;
	v51 =	vshll.u32 v60, $0x8  }
0x1c4: {  	v40 =	vand.u32 $0x380, v40;
	v38 =	vand.u32 $0x3800, v51  }
0x1c5: {  	v38 =	vor.u32 v38, v40;
	[tilespmem:v49+s30+$0x0] =	vst.idx.msk $0xffff, v41  }
0x1c6: {  	v47 =	vshll.u32 v39, $0x4;
	v38 =	vor.u32 v46, v38;
	v37 =	vld.idx.msk [tilespmem:v37+s20+$0x0], $0xffff  }
0x1c7: {  	v39 =	vor.u32 v0, v47;
	_ =	sdelay $0x3  }
0x1c8: {  	[tilespmem:v38+s30+$0x0] =	vst.idx.msk $0xffff, v37  }
0x1c9: {  	v52 =	vor.u32 v3, v46;
	v37 =	vld.idx.msk [tilespmem:v39+s15+$0x0], $0xffff  }
0x1ca: {  	v53 =	vor.u32 v4, v47;
	_ =	sdelay $0x3  }
0x1cb: {  	[tilespmem:v52+s30+$0x0] =	vst.idx.msk $0xffff, v37  }
0x1cc: {  	v54 =	vor.u32 v7, v46;
	v37 =	vld.idx.msk [tilespmem:v53+s15+$0x0], $0xffff  }
0x1cd: {  	v55 =	vor.u32 v8, v47;
	_ =	sdelay $0x3  }
0x1ce: {  	[tilespmem:v54+s30+$0x0] =	vst.idx.msk $0xffff, v37  }
0x1cf: {  	v56 =	vor.u32 v9, v46;
	v37 =	vld.idx.msk [tilespmem:v55+s15+$0x0], $0xffff  }
0x1d0: {  	v57 =	vor.u32 v14, v47;
	_ =	sdelay $0x3  }
0x1d1: {  	[tilespmem:v56+s30+$0x0] =	vst.idx.msk $0xffff, v37  }
0x1d2: {  	v58 =	vor.u32 v15, v46;
	v37 =	vld.idx.msk [tilespmem:v57+s15+$0x0], $0xffff  }
0x1d3: {  	v59 =	vor.u32 v16, v47;
	_ =	sdelay $0x3  }
0x1d4: {  	[tilespmem:v58+s30+$0x0] =	vst.idx.msk $0xffff, v37  }
0x1d5: {  	v60 =	vor.u32 v19, v46;
	v37 =	vld.idx.msk [tilespmem:v59+s15+$0x0], $0xffff  }
0x1d6: {  	v61 =	vor.u32 v20, v47;
	_ =	sdelay $0x2  }
0x1d7: {  	v62 =	vcombine.low v23, v22  }
0x1d8: {  	[tilespmem:v60+s30+$0x0] =	vst.idx.msk $0xffff, v37  }
0x1d9: {  	v63 =	vor.u32 v21, v46;
	v37 =	vand.u32 $0xF, v62;
	v38 =	vld.idx.msk [tilespmem:v61+s15+$0x0], $0xffff  }
0x1da: {  	v40 =	vor.u32 v37, v47;
	_ =	sdelay $0x2  }
0x1db: {  	v44 =	vcombine.low v26, v25  }
0x1dc: {  	[tilespmem:v63+s30+$0x0] =	vst.idx.msk $0xffff, v38  }
0x1dd: {  	v45 =	vor.u32 v24, v46;
	v38 =	vand.u32 $0xF, v44;
	v39 =	vld.idx.msk [tilespmem:v40+s15+$0x0], $0xffff  }
0x1de: {  	v41 =	vor.u32 v38, v47;
	_ =	sdelay $0x3  }
0x1df: {  	[tilespmem:v45+s30+$0x0] =	vst.idx.msk $0xffff, v39  }
0x1e0: {  	v48 =	vor.u32 v27, v46;
	v39 =	vld.idx.msk [tilespmem:v41+s15+$0x0], $0xffff  }
0x1e1: {  	v49 =	vor.u32 v28, v47;
	_ =	sdelay $0x2  }
0x1e2: {  	v50 =	vcombine.low v1, v2  }
0x1e3: {  	[tilespmem:v48+s30+$0x0] =	vst.idx.msk $0xffff, v39  }
0x1e4: {  	v51 =	vor.u32 v29, v46;
	v39 =	vand.u32 $0xF, v50;
	v40 =	vld.idx.msk [tilespmem:v49+s15+$0x0], $0xffff  }
0x1e5: {  	v42 =	vor.u32 v39, v47;
	_ =	sdelay $0x2  }
0x1e6: {  	v52 =	vcombine.low v5, v6  }
0x1e7: {  	[tilespmem:v51+s30+$0x0] =	vst.idx.msk $0xffff, v40  }
0x1e8: {  	v53 =	vor.u32 v30, v46;
	v40 =	vand.u32 $0xF, v52;
	v41 =	vld.idx.msk [tilespmem:v42+s15+$0x0], $0xffff  }
0x1e9: {  	v43 =	vor.u32 v40, v47;
	_ =	sdelay $0x2  }
0x1ea: {  	v54 =	vcombine.low v10, v11  }
0x1eb: {  	[tilespmem:v53+s30+$0x0] =	vst.idx.msk $0xffff, v41  }
0x1ec: {  	v55 =	vor.u32 v31, v46;
	v41 =	vand.u32 $0xF, v54;
	v42 =	vld.idx.msk [tilespmem:v43+s15+$0x0], $0xffff  }
0x1ed: {  	v44 =	vor.u32 v41, v47;
	_ =	sdelay $0x2  }
0x1ee: {  	v56 =	vcombine.low v12, v13  }
0x1ef: {  	[tilespmem:v55+s30+$0x0] =	vst.idx.msk $0xffff, v42  }
0x1f0: {  	v57 =	vor.u32 v32, v46;
	v42 =	vand.u32 $0xF, v56;
	v43 =	vld.idx.msk [tilespmem:v44+s15+$0x0], $0xffff  }
0x1f1: {  	v45 =	vor.u32 v42, v47;
	_ =	sdelay $0x2  }
0x1f2: {  	v58 =	vcombine.low v17, v18  }
0x1f3: {  	[tilespmem:v57+s30+$0x0] =	vst.idx.msk $0xffff, v43  }
0x1f4: {  	v59 =	vor.u32 v33, v46;
	v43 =	vand.u32 $0xF, v58;
	v44 =	vld.idx.msk [tilespmem:v45+s15+$0x0], $0xffff  }
0x1f5: {  	v48 =	vor.u32 v43, v47;
	_ =	sdelay $0x2  }
0x1f6: {  	v60 =	vcombine.low v22, v23  }
0x1f7: {  	[tilespmem:v59+s30+$0x0] =	vst.idx.msk $0xffff, v44  }
0x1f8: {  	v61 =	vor.u32 v34, v46;
	v44 =	vand.u32 $0xF, v60;
	v45 =	vld.idx.msk [tilespmem:v48+s15+$0x0], $0xffff  }
0x1f9: {  	v49 =	vor.u32 v44, v47;
	_ =	sdelay $0x2  }
0x1fa: {  	v50 =	vcombine.low v25, v26  }
0x1fb: {  	[tilespmem:v61+s30+$0x0] =	vst.idx.msk $0xffff, v45  }
0x1fc: {  	v62 =	vor.u32 v35, v46;
	v45 =	vand.u32 $0xF, v50;
	v48 =	vld.idx.msk [tilespmem:v49+s15+$0x0], $0xffff  }
0x1fd: {  	v47 =	vor.u32 v45, v47;
	_ =	sdelay $0x3  }
0x1fe: {  	s12 =	sadd.s32 $0x1, s12;
	[tilespmem:v62+s30+$0x0] =	vst.idx.msk $0xffff, v48  }
0x1ff: {  	p0 =	sne.s32 s12, $0x10;
	v63 =	vor.u32 v36, v46;
	v47 =	vld.idx.msk [tilespmem:v47+s15+$0x0], $0xffff  }
.Ltmp1:
0x200: {  	_ = 	snop;
	(pc) =	sbr.rel @p0 .LBB2_3-.Ltmp1, $2  }
0x201: {  	_ =	sdelay $0x2  }
0x202: {  	[tilespmem:v63+s30+$0x0] =	vst.idx.msk $0xffff, v47  }
0x203: {  	s12 =	sshrl.u32 s11, $0x4  }
0x204: {  	s14 =	sshll.u32 s11, $0xB;
	s12 =	smul.u32 $0x50000, s12  }
0x205: {  	s14 =	sand.u32 $0x7000, s14  }
0x206: {  	s14 =	sor.u32 s14, s12  }
0x207: {  	s11 =	sadd.s32 $0x2, s11;
	s14 =	sshrl.u32 s14, $0x3  }
0x208: {  	p0 =	sge.u32 s11, s13;
	s14 =	sadd.s32 s1, s14  }
0x209: {  	[hbm4b:s14+s31] =	stream.strided.scatter [tilespmem:s30], [sflag:$0x3], $0x5000, s0, s31, $0x38;
	[tilespmem:$0x19480] =	vst v63  }
0x20a: {  	s14 =	sshll.u32 @!p0 s11, $0x5  }
0x20b: {  	s21 =	sand.u32 @!p0 $0x1FFFFFC0, s14  }
0x20c: {  	s23 =	simm.s32 @!p0 $0x0;
	s21 =	sadd.s32 @!p0 s4, s21  }
0x20d: {  	[tilespmem:s23], [sflag:$0x4] =	stream.linear.gather @!p0 [hbm4b:s21+s23], $0x100, $0x38;
	[tilespmem:$0x19480] =	vst v63  }
0x20e: {  	s24 =	simm.s32 @!p0 $0x400;
	s11 =	sshll.u32 @!p0 s11, $0x4;
	s21 =	simm.s32 @!p0 $0x4  }
0x20f: {  	s14 =	sand.u32 @!p0 $0xFFFFF00, s14;
	s11 =	sand.u32 @!p0 $0x60, s11;
	_ =	swait.ge @!p0 [sflag:s21], $0x100  }
0x210: {  	s26 =	simm.s32 @!p0 $0x200;
	s11 =	sor.u32 @!p0 s11, s14;
	[sflag:s21] =	ssyncset.done @!p0 $0x0  }
0x211: {  	s14 =	sadd.s32 @!p0 s5, s11;
	[sflag:s21] =	ssyncadd.s32 @!p0 $0xFFFFFF00;
	s21 =	simm.s32 @!p0 $0x80  }
0x212: {  	[tilespmem:s26], [sflag:$0x1] =	stream.strided.gather @!p0 [hbm4b:s14+s21], $0x100, s24, s21, $0x38;
	[tilespmem:$0x19480] =	vst v63  }
0x213: {  	s11 =	sadd.s32 @!p0 s6, s11  }
0x214: {  	[tilespmem:s24], [sflag:$0x1] =	stream.strided.gather @!p0 [hbm4b:s11+s21], $0x100, s24, s21, $0x38;
	[tilespmem:$0x19480] =	vst v63  }
0x215: {  	s11 =	simm.s32 @!p0 $0x600  }
0x216: {  	[tilespmem:s11], [sflag:$0x1] =	stream.indirect.gather @!p0 [hbm4b:s7+s21], $0x80, s23, s21, $0xb8;
	[tilespmem:$0x19480] =	vst v63  }
0x217: {  	s11 =	simm.s32 @!p0 $0x4600  }
0x218: {  	[tilespmem:s11], [sflag:$0x1] =	stream.indirect.gather @!p0 [hbm4b:s7+s21], $0x80, s21, s21, $0xb8;
	[tilespmem:$0x19480] =	vst v63  }
0x219: {  	_ =	swait.ge [sflag:s2], $0x100  }
0x21a: {  	[sflag:s2] =	ssyncset.done $0x0  }
0x21b: {  	[sflag:s2] =	ssyncadd.s32 $0xFFFFFF00  }
0x21c: {  	_ =	swait.ge [sflag:s2], $0x100  }
0x21d: {  	[sflag:s2] =	ssyncset.done $0x0  }
0x21e: {  	[sflag:s2] =	ssyncadd.s32 $0xFFFFFF00  }
0x21f: {  	_ =	swait.ge [sflag:s2], $0x4000  }
0x220: {  	[sflag:s2] =	ssyncset.done $0x0  }
0x221: {  	[sflag:s2] =	ssyncadd.s32 $0xFFFFC000  }
0x222: {  	_ =	swait.ge [sflag:s2], $0x4000  }
0x223: {  	[sflag:s2] =	ssyncset.done $0x0  }
0x224: {  	[sflag:s2] =	ssyncadd.s32 $0xFFFFC000  }
0x225: {  	_ =	swait.ge [sflag:s19], $0x5000  }
0x226: {  	[sflag:s19] =	ssyncset.done $0x0  }
0x227: {  	s11 =	simm.s32 $0x0;
	[sflag:s19] =	ssyncadd.s32 $0xFFFFB000  }
.LBB2_7:
0x228: {  	s14 =	sshll.u32 s11, $0x4  }
0x229: {  	v48 =	vld [tilespmem:s14+$0x300];
	_ =	sdelay $0x3  }
0x22a: {  	v50 =	vlaneseq.u32  }
0x22b: {  	v46 =	vor.u32 s14, v50;
	v49 =	vadd.s32 v48, v50  }
0x22c: {  	v47 =	vshll.u32 v46, $0x7;
	v51 =	vand.u32 $0xFFFFFF80, v49  }
0x22d: {  	v52 =	vmov s14;
	v49 =	vand.u32 $0x7F, v49;
	v51 =	vadd.s32 v47, v51  }
0x22e: {  	v52 =	vshll.u32 v52, $0x3;
	v49 =	vor.u32 v49, v51  }
0x22f: {  	v60 =	vshll.u32 v50, $0x8;
	v59 =	vand.u32 $0x400, v52;
	v52 =	vadd.s32 $0x1, v50  }
0x230: {  	v54 =	vshll.u32 v50, $0x7;
	v46 =	vand.u32 $0x7F, v46;
	v53 =	vand.u32 $0x3F, v52  }
0x231: {  	v46 =	vor.u32 v46, v59;
	v53 =	vadd.s32 v48, v53;
	v51 =	vand.u32 $0x3800, v60  }
0x232: {  	v54 =	vand.u32 $0x380, v54;
	v55 =	vand.u32 $0xFFFFFF80, v53;
	v51 =	vor.u32 v46, v51  }
0x233: {  	v61 =	vand.u32 $0x7F, v53;
	v62 =	vadd.s32 v47, v55;
	v51 =	vor.u32 v54, v51;
	v56 =	vld.idx.msk [tilespmem:v49+s25+$0x0], $0xffff  }
0x234: {  	v53 =	vor.u32 v61, v62  }
0x235: {  	v63 =	vadd.s32 $0x2, v50  }
0x236: {  	v58 =	vand.u32 $0x3F, v63;
	v57 =	vshll.u32 v52, $0x8;
	v52 =	vshll.u32 v52, $0x7  }
0x237: {  	v57 =	vand.u32 $0x3800, v57;
	v52 =	vand.u32 $0x380, v52;
	v58 =	vadd.s32 v48, v58  }
0x238: {  	v52 =	vor.u32 v57, v52;
	v60 =	vand.u32 $0xFFFFFF80, v58;
	v49 =	vld [tilespmem:s14+$0x500];
	[tilespmem:v51+s30+$0x0] =	vst.idx.msk $0xffff, v56  }
0x239: {  	v52 =	vor.u32 v46, v52;
	v61 =	vand.u32 $0x7F, v58;
	v51 =	vadd.s32 v47, v60;
	v53 =	vld.idx.msk [tilespmem:v53+s25+$0x0], $0xffff  }
0x23a: {  	v51 =	vor.u32 v61, v51  }
0x23b: {  	v56 =	vadd.s32 $0x3, v50  }
0x23c: {  	v55 =	vshll.u32 v63, $0x7;
	v62 =	vshll.u32 v63, $0x8;
	v63 =	vand.u32 $0x3F, v56  }
0x23d: {  	v55 =	vand.u32 $0x380, v55;
	v57 =	vand.u32 $0x3800, v62;
	v58 =	vadd.s32 v48, v63  }
0x23e: {  	v55 =	vor.u32 v57, v55;
	v60 =	vand.u32 $0xFFFFFF80, v58;
	[tilespmem:v52+s30+$0x0] =	vst.idx.msk $0xffff, v53  }
0x23f: {  	v61 =	vor.u32 v46, v55;
	v62 =	vand.u32 $0x7F, v58;
	v52 =	vadd.s32 v47, v60;
	v51 =	vld.idx.msk [tilespmem:v51+s25+$0x0], $0xffff  }
0x240: {  	v52 =	vor.u32 v62, v52  }
0x241: {  	v55 =	vadd.s32 $0x4, v50  }
0x242: {  	v63 =	vshll.u32 v56, $0x8;
	v56 =	vshll.u32 v56, $0x7;
	v60 =	vand.u32 $0x3F, v55  }
0x243: {  	v57 =	vand.u32 $0x3800, v63;
	v56 =	vand.u32 $0x380, v56;
	v58 =	vadd.s32 v48, v60  }
0x244: {  	v56 =	vor.u32 v57, v56;
	[tilespmem:v61+s30+$0x0] =	vst.idx.msk $0xffff, v51;
	v61 =	vand.u32 $0xFFFFFF80, v58  }
0x245: {  	v62 =	vor.u32 v46, v56;
	v63 =	vand.u32 $0x7F, v58;
	v52 =	vld.idx.msk [tilespmem:v52+s25+$0x0], $0xffff;
	v51 =	vadd.s32 v47, v61  }
0x246: {  	v51 =	vor.u32 v63, v51  }
0x247: {  	v56 =	vadd.s32 $0x5, v50  }
0x248: {  	v60 =	vshll.u32 v55, $0x8;
	v55 =	vshll.u32 v55, $0x7;
	v61 =	vand.u32 $0x3F, v56  }
0x249: {  	v57 =	vand.u32 $0x3800, v60;
	v55 =	vand.u32 $0x380, v55;
	v58 =	vadd.s32 v48, v61  }
0x24a: {  	v55 =	vor.u32 v57, v55;
	[tilespmem:v62+s30+$0x0] =	vst.idx.msk $0xffff, v52;
	v62 =	vand.u32 $0xFFFFFF80, v58  }
0x24b: {  	v63 =	vor.u32 v46, v55;
	v60 =	vand.u32 $0x7F, v58;
	v51 =	vld.idx.msk [tilespmem:v51+s25+$0x0], $0xffff;
	v52 =	vadd.s32 v47, v62  }
0x24c: {  	v52 =	vor.u32 v60, v52  }
0x24d: {  	v55 =	vadd.s32 $0x6, v50  }
0x24e: {  	v61 =	vshll.u32 v56, $0x8;
	v56 =	vshll.u32 v56, $0x7;
	v62 =	vand.u32 $0x3F, v55  }
0x24f: {  	v57 =	vand.u32 $0x3800, v61;
	v56 =	vand.u32 $0x380, v56;
	v58 =	vadd.s32 v48, v62  }
0x250: {  	v56 =	vor.u32 v57, v56;
	[tilespmem:v63+s30+$0x0] =	vst.idx.msk $0xffff, v51;
	v63 =	vand.u32 $0xFFFFFF80, v58  }
0x251: {  	v60 =	vor.u32 v46, v56;
	v61 =	vand.u32 $0x7F, v58;
	v52 =	vld.idx.msk [tilespmem:v52+s25+$0x0], $0xffff;
	v51 =	vadd.s32 v47, v63  }
0x252: {  	v51 =	vor.u32 v61, v51  }
0x253: {  	v56 =	vadd.s32 $0x7, v50  }
0x254: {  	v62 =	vshll.u32 v55, $0x8;
	v55 =	vshll.u32 v55, $0x7;
	v63 =	vand.u32 $0x3F, v56  }
0x255: {  	v57 =	vand.u32 $0x3800, v62;
	v55 =	vand.u32 $0x380, v55;
	v58 =	vadd.s32 v48, v63  }
0x256: {  	v55 =	vor.u32 v57, v55;
	v59 =	vand.u32 $0xFFFFFF80, v58;
	[tilespmem:v60+s30+$0x0] =	vst.idx.msk $0xffff, v52  }
0x257: {  	v61 =	vand.u32 $0x7F, v58;
	v60 =	vor.u32 v46, v55;
	v52 =	vadd.s32 v47, v59;
	v51 =	vld.idx.msk [tilespmem:v51+s25+$0x0], $0xffff  }
0x258: {  	v52 =	vor.u32 v61, v52  }
0x259: {  	v55 =	vadd.s32 $0x8, v50  }
0x25a: {  	v62 =	vshll.u32 v56, $0x8;
	v56 =	vshll.u32 v56, $0x7;
	v63 =	vand.u32 $0x3F, v55  }
0x25b: {  	v57 =	vand.u32 $0x3800, v62;
	v56 =	vand.u32 $0x380, v56;
	v58 =	vadd.s32 v48, v63  }
0x25c: {  	v56 =	vor.u32 v57, v56;
	[tilespmem:v60+s30+$0x0] =	vst.idx.msk $0xffff, v51;
	v60 =	vand.u32 $0xFFFFFF80, v58  }
0x25d: {  	v61 =	vor.u32 v46, v56;
	v62 =	vand.u32 $0x7F, v58;
	v52 =	vld.idx.msk [tilespmem:v52+s25+$0x0], $0xffff;
	v51 =	vadd.s32 v47, v60  }
0x25e: {  	v51 =	vor.u32 v62, v51  }
0x25f: {  	v56 =	vadd.s32 $0x9, v50  }
0x260: {  	v55 =	vshll.u32 v55, $0x8;
	v63 =	vand.u32 $0x3F, v56  }
0x261: {  	v55 =	vand.u32 $0x3800, v55;
	v57 =	vadd.s32 v48, v63  }
0x262: {  	v59 =	vor.u32 v46, v55;
	v60 =	vand.u32 $0xFFFFFF80, v57;
	[tilespmem:v61+s30+$0x0] =	vst.idx.msk $0xffff, v52  }
0x263: {  	v53 =	vadd.s32 v47, v60;
	v52 =	vor.u32 v54, v59;
	v61 =	vand.u32 $0x7F, v57;
	v51 =	vld.idx.msk [tilespmem:v51+s25+$0x0], $0xffff  }
0x264: {  	v53 =	vor.u32 v61, v53  }
0x265: {  	v54 =	vadd.s32 $0xA, v50  }
0x266: {  	v62 =	vshll.u32 v56, $0x8;
	v56 =	vshll.u32 v56, $0x7;
	v63 =	vand.u32 $0x3F, v54  }
0x267: {  	v55 =	vand.u32 $0x3800, v62;
	v56 =	vand.u32 $0x380, v56;
	v57 =	vadd.s32 v48, v63  }
0x268: {  	v55 =	vor.u32 v55, v56;
	v59 =	vand.u32 $0xFFFFFF80, v57;
	[tilespmem:v52+s30+$0x0] =	vst.idx.msk $0xffff, v51  }
0x269: {  	v60 =	vor.u32 v46, v55;
	v61 =	vand.u32 $0x7F, v57;
	v51 =	vadd.s32 v47, v59;
	v52 =	vld.idx.msk [tilespmem:v53+s25+$0x0], $0xffff  }
0x26a: {  	v51 =	vor.u32 v61, v51  }
0x26b: {  	v55 =	vadd.s32 $0xB, v50  }
0x26c: {  	v62 =	vshll.u32 v54, $0x8;
	v54 =	vshll.u32 v54, $0x7;
	v63 =	vand.u32 $0x3F, v55  }
0x26d: {  	v56 =	vand.u32 $0x3800, v62;
	v54 =	vand.u32 $0x380, v54;
	v57 =	vadd.s32 v48, v63  }
0x26e: {  	v54 =	vor.u32 v56, v54;
	v59 =	vand.u32 $0xFFFFFF80, v57;
	[tilespmem:v60+s30+$0x0] =	vst.idx.msk $0xffff, v52  }
0x26f: {  	v61 =	vand.u32 $0x7F, v57;
	v60 =	vor.u32 v46, v54;
	v52 =	vadd.s32 v47, v59;
	v51 =	vld.idx.msk [tilespmem:v51+s25+$0x0], $0xffff  }
0x270: {  	v52 =	vor.u32 v61, v52  }
0x271: {  	v54 =	vadd.s32 $0xC, v50  }
0x272: {  	v62 =	vshll.u32 v55, $0x8;
	v55 =	vshll.u32 v55, $0x7;
	v63 =	vand.u32 $0x3F, v54  }
0x273: {  	v56 =	vand.u32 $0x3800, v62;
	v55 =	vand.u32 $0x380, v55;
	v57 =	vadd.s32 v48, v63  }
0x274: {  	v55 =	vor.u32 v56, v55;
	v59 =	vand.u32 $0xFFFFFF80, v57;
	[tilespmem:v60+s30+$0x0] =	vst.idx.msk $0xffff, v51  }
0x275: {  	v61 =	vand.u32 $0x7F, v57;
	v60 =	vor.u32 v46, v55;
	v51 =	vadd.s32 v47, v59;
	v52 =	vld.idx.msk [tilespmem:v52+s25+$0x0], $0xffff  }
0x276: {  	v51 =	vor.u32 v61, v51  }
0x277: {  	v55 =	vadd.s32 $0xD, v50  }
0x278: {  	v62 =	vshll.u32 v54, $0x8;
	v54 =	vshll.u32 v54, $0x7;
	v63 =	vand.u32 $0x3F, v55  }
0x279: {  	v56 =	vand.u32 $0x3800, v62;
	v54 =	vand.u32 $0x380, v54;
	v57 =	vadd.s32 v48, v63  }
0x27a: {  	v54 =	vor.u32 v56, v54;
	v59 =	vand.u32 $0xFFFFFF80, v57;
	[tilespmem:v60+s30+$0x0] =	vst.idx.msk $0xffff, v52  }
0x27b: {  	v61 =	vand.u32 $0x7F, v57;
	v60 =	vor.u32 v46, v54;
	v52 =	vadd.s32 v47, v59;
	v51 =	vld.idx.msk [tilespmem:v51+s25+$0x0], $0xffff  }
0x27c: {  	v52 =	vor.u32 v61, v52  }
0x27d: {  	v54 =	vadd.s32 $0xE, v50  }
0x27e: {  	v62 =	vshll.u32 v55, $0x8;
	v55 =	vshll.u32 v55, $0x7;
	v63 =	vand.u32 $0x3F, v54  }
0x27f: {  	v56 =	vand.u32 $0x3800, v62;
	v55 =	vand.u32 $0x380, v55;
	v57 =	vadd.s32 v48, v63  }
0x280: {  	v55 =	vor.u32 v56, v55;
	v59 =	vand.u32 $0xFFFFFF80, v57;
	[tilespmem:v60+s30+$0x0] =	vst.idx.msk $0xffff, v51  }
0x281: {  	v53 =	vor.u32 v46, v55;
	v60 =	vand.u32 $0x7F, v57;
	v51 =	vadd.s32 v47, v59;
	v52 =	vld.idx.msk [tilespmem:v52+s25+$0x0], $0xffff  }
0x282: {  	v51 =	vor.u32 v60, v51  }
0x283: {  	v56 =	vadd.s32 $0xF, v50  }
0x284: {  	v62 =	vand.u32 $0x3F, v56;
	v61 =	vshll.u32 v54, $0x8;
	v54 =	vshll.u32 v54, $0x7  }
0x285: {  	v55 =	vand.u32 $0x3800, v61;
	v54 =	vand.u32 $0x380, v54;
	v63 =	vadd.s32 v48, v62  }
0x286: {  	v50 =	vadd.s32 $0x10, v50;
	v54 =	vor.u32 v55, v54;
	v61 =	vand.u32 $0xFFFFFF80, v63;
	[tilespmem:v53+s30+$0x0] =	vst.idx.msk $0xffff, v52  }
0x287: {  	v62 =	vand.u32 $0x7F, v63;
	v53 =	vor.u32 v46, v54;
	v52 =	vadd.s32 v47, v61;
	v51 =	vld.idx.msk [tilespmem:v51+s25+$0x0], $0xffff  }
0x288: {  	v63 =	vshll.u32 v56, $0x7;
	v60 =	vshll.u32 v56, $0x8;
	v56 =	vor.u32 v62, v52  }
0x289: {  	v50 =	vand.u32 $0x3F, v50  }
0x28a: {  	v58 =	vand.u32 $0x3800, v60;
	v60 =	vadd.s32 v48, v50  }
0x28b: {  	v59 =	vand.u32 $0x380, v63;
	v61 =	vand.u32 $0xFFFFFF80, v60  }
0x28c: {  	v55 =	vand.u32 $0x7F, v60;
	v52 =	vor.u32 v58, v59;
	v62 =	vadd.s32 v47, v61;
	[tilespmem:v53+s30+$0x0] =	vst.idx.msk $0xffff, v51  }
0x28d: {  	v54 =	vor.u32 v46, v52;
	v53 =	vor.u32 v55, v62;
	v55 =	vld.idx.msk [tilespmem:v56+s25+$0x0], $0xffff;
	_ =	sdelay $0x2  }
0x28e: {  	v63 =	vshll.u32 v50, $0x7;
	v52 =	vadd.s32 $0x1, v50  }
0x28f: {  	s14 =	simm.s32 $0x2;
	v57 =	vand.u32 $0x3F, v52;
	v51 =	vand.u32 $0x380, v63;
	v56 =	vshll.u32 v50, $0x8  }
.LBB2_8:
0x290: {  	p0 =	sne.s32 s14, $0x1;
	s14 =	sadd.s32 $0xFFFFFFFF, s14;
	v56 =	vand.u32 $0x3800, v56;
	v57 =	vadd.s32 v48, v57;
	v58 =	vshll.u32 v52, $0x8;
	[tilespmem:v54+s30+$0x0] =	vst.idx.msk $0xffff, v55  }
0x291: {  	v52 =	vshll.u32 v52, $0x7;
	v53 =	vld.idx.msk [tilespmem:v53+s25+$0x0], $0xffff;
	v54 =	vor.u32 v46, v56;
	v55 =	vand.u32 $0xFFFFFF80, v57  }
0x292: {  	v56 =	vand.u32 $0x7F, v57;
	v54 =	vor.u32 v51, v54;
	v55 =	vadd.s32 v47, v55  }
0x293: {  	v52 =	vand.u32 $0x380, v52;
	v55 =	vor.u32 v56, v55;
	v56 =	vand.u32 $0x3800, v58  }
0x294: {  	v52 =	vor.u32 v56, v52  }
0x295: {  	v56 =	vadd.s32 $0x2, v50  }
0x296: {  	v57 =	vand.u32 $0x3F, v56;
	v58 =	vshll.u32 v56, $0x8;
	v56 =	vshll.u32 v56, $0x7  }
0x297: {  	v56 =	vand.u32 $0x380, v56;
	[tilespmem:v54+s30+$0x0] =	vst.idx.msk $0xffff, v53;
	v53 =	vadd.s32 v48, v57;
	v54 =	vand.u32 $0x3800, v58  }
0x298: {  	v55 =	vld.idx.msk [tilespmem:v55+s25+$0x0], $0xffff;
	v57 =	vand.u32 $0xFFFFFF80, v53;
	v54 =	vor.u32 v54, v56  }
0x299: {  	v52 =	vor.u32 v46, v52;
	v53 =	vand.u32 $0x7F, v53;
	v56 =	vadd.s32 v47, v57  }
0x29a: {  	v53 =	vor.u32 v53, v56;
	_ =	sdelay $0x1  }
0x29b: {  	v56 =	vadd.s32 $0x3, v50  }
0x29c: {  	v57 =	vand.u32 $0x3F, v56;
	v58 =	vshll.u32 v56, $0x8;
	v56 =	vshll.u32 v56, $0x7  }
0x29d: {  	v56 =	vand.u32 $0x380, v56;
	[tilespmem:v52+s30+$0x0] =	vst.idx.msk $0xffff, v55;
	v52 =	vadd.s32 v48, v57;
	v55 =	vand.u32 $0x3800, v58  }
0x29e: {  	v53 =	vld.idx.msk [tilespmem:v53+s25+$0x0], $0xffff;
	v57 =	vand.u32 $0xFFFFFF80, v52;
	v55 =	vor.u32 v55, v56  }
0x29f: {  	v54 =	vor.u32 v46, v54;
	v52 =	vand.u32 $0x7F, v52;
	v56 =	vadd.s32 v47, v57  }
0x2a0: {  	v52 =	vor.u32 v52, v56;
	_ =	sdelay $0x1  }
0x2a1: {  	v56 =	vadd.s32 $0x4, v50  }
0x2a2: {  	v57 =	vand.u32 $0x3F, v56;
	v58 =	vshll.u32 v56, $0x8;
	v56 =	vshll.u32 v56, $0x7  }
0x2a3: {  	v56 =	vand.u32 $0x380, v56;
	[tilespmem:v54+s30+$0x0] =	vst.idx.msk $0xffff, v53;
	v53 =	vadd.s32 v48, v57;
	v54 =	vand.u32 $0x3800, v58  }
0x2a4: {  	v52 =	vld.idx.msk [tilespmem:v52+s25+$0x0], $0xffff;
	v57 =	vand.u32 $0xFFFFFF80, v53;
	v54 =	vor.u32 v54, v56  }
0x2a5: {  	v55 =	vor.u32 v46, v55;
	v53 =	vand.u32 $0x7F, v53;
	v56 =	vadd.s32 v47, v57  }
0x2a6: {  	v53 =	vor.u32 v53, v56;
	_ =	sdelay $0x1  }
0x2a7: {  	v56 =	vadd.s32 $0x5, v50  }
0x2a8: {  	v57 =	vand.u32 $0x3F, v56;
	v58 =	vshll.u32 v56, $0x8;
	v56 =	vshll.u32 v56, $0x7  }
0x2a9: {  	v56 =	vand.u32 $0x380, v56;
	[tilespmem:v55+s30+$0x0] =	vst.idx.msk $0xffff, v52;
	v52 =	vadd.s32 v48, v57;
	v55 =	vand.u32 $0x3800, v58  }
0x2aa: {  	v53 =	vld.idx.msk [tilespmem:v53+s25+$0x0], $0xffff;
	v57 =	vand.u32 $0xFFFFFF80, v52;
	v55 =	vor.u32 v55, v56  }
0x2ab: {  	v54 =	vor.u32 v46, v54;
	v52 =	vand.u32 $0x7F, v52;
	v56 =	vadd.s32 v47, v57  }
0x2ac: {  	v52 =	vor.u32 v52, v56;
	_ =	sdelay $0x1  }
0x2ad: {  	v56 =	vadd.s32 $0x6, v50  }
0x2ae: {  	v57 =	vand.u32 $0x3F, v56;
	v58 =	vshll.u32 v56, $0x8;
	v56 =	vshll.u32 v56, $0x7  }
0x2af: {  	v56 =	vand.u32 $0x380, v56;
	[tilespmem:v54+s30+$0x0] =	vst.idx.msk $0xffff, v53;
	v53 =	vadd.s32 v48, v57;
	v54 =	vand.u32 $0x3800, v58  }
0x2b0: {  	v52 =	vld.idx.msk [tilespmem:v52+s25+$0x0], $0xffff;
	v57 =	vand.u32 $0xFFFFFF80, v53;
	v54 =	vor.u32 v54, v56  }
0x2b1: {  	v55 =	vor.u32 v46, v55;
	v53 =	vand.u32 $0x7F, v53;
	v56 =	vadd.s32 v47, v57  }
0x2b2: {  	v53 =	vor.u32 v53, v56;
	_ =	sdelay $0x1  }
0x2b3: {  	v56 =	vadd.s32 $0x7, v50  }
0x2b4: {  	v57 =	vand.u32 $0x3F, v56;
	v58 =	vshll.u32 v56, $0x8;
	v56 =	vshll.u32 v56, $0x7  }
0x2b5: {  	v56 =	vand.u32 $0x380, v56;
	[tilespmem:v55+s30+$0x0] =	vst.idx.msk $0xffff, v52;
	v52 =	vadd.s32 v48, v57;
	v55 =	vand.u32 $0x3800, v58  }
0x2b6: {  	v53 =	vld.idx.msk [tilespmem:v53+s25+$0x0], $0xffff;
	v57 =	vand.u32 $0xFFFFFF80, v52;
	v55 =	vor.u32 v55, v56  }
0x2b7: {  	v54 =	vor.u32 v46, v54;
	v52 =	vand.u32 $0x7F, v52;
	v56 =	vadd.s32 v47, v57  }
0x2b8: {  	v52 =	vor.u32 v52, v56;
	_ =	sdelay $0x1  }
0x2b9: {  	v56 =	vadd.s32 $0x8, v50  }
0x2ba: {  	v57 =	vand.u32 $0x3F, v56;
	v56 =	vshll.u32 v56, $0x8  }
0x2bb: {  	[tilespmem:v54+s30+$0x0] =	vst.idx.msk $0xffff, v53;
	v53 =	vadd.s32 v48, v57  }
0x2bc: {  	v52 =	vld.idx.msk [tilespmem:v52+s25+$0x0], $0xffff;
	v54 =	vand.u32 $0xFFFFFF80, v53  }
0x2bd: {  	v55 =	vor.u32 v46, v55;
	v53 =	vand.u32 $0x7F, v53;
	v54 =	vadd.s32 v47, v54  }
0x2be: {  	v53 =	vor.u32 v53, v54;
	_ =	sdelay $0x1  }
0x2bf: {  	v54 =	vadd.s32 $0x9, v50  }
0x2c0: {  	v57 =	vand.u32 $0x3F, v54;
	v58 =	vshll.u32 v54, $0x8;
	v54 =	vshll.u32 v54, $0x7  }
0x2c1: {  	[tilespmem:v55+s30+$0x0] =	vst.idx.msk $0xffff, v52;
	v52 =	vand.u32 $0x3800, v56;
	v55 =	vadd.s32 v48, v57;
	v56 =	vand.u32 $0x3800, v58  }
0x2c2: {  	v54 =	vand.u32 $0x380, v54;
	v53 =	vld.idx.msk [tilespmem:v53+s25+$0x0], $0xffff;
	v52 =	vor.u32 v46, v52;
	v57 =	vand.u32 $0xFFFFFF80, v55  }
0x2c3: {  	v51 =	vor.u32 v51, v52;
	v52 =	vand.u32 $0x7F, v55;
	v55 =	vadd.s32 v47, v57  }
0x2c4: {  	v54 =	vor.u32 v56, v54;
	v52 =	vor.u32 v52, v55;
	_ =	sdelay $0x1  }
0x2c5: {  	v55 =	vadd.s32 $0xA, v50  }
0x2c6: {  	v56 =	vand.u32 $0x3F, v55;
	v57 =	vshll.u32 v55, $0x8;
	v55 =	vshll.u32 v55, $0x7  }
0x2c7: {  	v55 =	vand.u32 $0x380, v55;
	[tilespmem:v51+s30+$0x0] =	vst.idx.msk $0xffff, v53;
	v51 =	vadd.s32 v48, v56;
	v53 =	vand.u32 $0x3800, v57  }
0x2c8: {  	v52 =	vld.idx.msk [tilespmem:v52+s25+$0x0], $0xffff;
	v56 =	vand.u32 $0xFFFFFF80, v51;
	v53 =	vor.u32 v53, v55  }
0x2c9: {  	v54 =	vor.u32 v46, v54;
	v51 =	vand.u32 $0x7F, v51;
	v55 =	vadd.s32 v47, v56  }
0x2ca: {  	v51 =	vor.u32 v51, v55;
	_ =	sdelay $0x1  }
0x2cb: {  	v55 =	vadd.s32 $0xB, v50  }
0x2cc: {  	v56 =	vand.u32 $0x3F, v55;
	v57 =	vshll.u32 v55, $0x8;
	v55 =	vshll.u32 v55, $0x7  }
0x2cd: {  	v55 =	vand.u32 $0x380, v55;
	[tilespmem:v54+s30+$0x0] =	vst.idx.msk $0xffff, v52;
	v52 =	vadd.s32 v48, v56;
	v54 =	vand.u32 $0x3800, v57  }
0x2ce: {  	v51 =	vld.idx.msk [tilespmem:v51+s25+$0x0], $0xffff;
	v56 =	vand.u32 $0xFFFFFF80, v52;
	v54 =	vor.u32 v54, v55  }
0x2cf: {  	v53 =	vor.u32 v46, v53;
	v52 =	vand.u32 $0x7F, v52;
	v55 =	vadd.s32 v47, v56  }
0x2d0: {  	v52 =	vor.u32 v52, v55;
	_ =	sdelay $0x1  }
0x2d1: {  	v55 =	vadd.s32 $0xC, v50  }
0x2d2: {  	v56 =	vand.u32 $0x3F, v55;
	v57 =	vshll.u32 v55, $0x8;
	v55 =	vshll.u32 v55, $0x7  }
0x2d3: {  	v55 =	vand.u32 $0x380, v55;
	[tilespmem:v53+s30+$0x0] =	vst.idx.msk $0xffff, v51;
	v51 =	vadd.s32 v48, v56;
	v53 =	vand.u32 $0x3800, v57  }
0x2d4: {  	v52 =	vld.idx.msk [tilespmem:v52+s25+$0x0], $0xffff;
	v56 =	vand.u32 $0xFFFFFF80, v51;
	v53 =	vor.u32 v53, v55  }
0x2d5: {  	v54 =	vor.u32 v46, v54;
	v51 =	vand.u32 $0x7F, v51;
	v55 =	vadd.s32 v47, v56  }
0x2d6: {  	v51 =	vor.u32 v51, v55;
	_ =	sdelay $0x1  }
0x2d7: {  	v55 =	vadd.s32 $0xD, v50  }
0x2d8: {  	v56 =	vand.u32 $0x3F, v55;
	v57 =	vshll.u32 v55, $0x8;
	v55 =	vshll.u32 v55, $0x7  }
0x2d9: {  	v55 =	vand.u32 $0x380, v55;
	[tilespmem:v54+s30+$0x0] =	vst.idx.msk $0xffff, v52;
	v52 =	vadd.s32 v48, v56;
	v54 =	vand.u32 $0x3800, v57  }
0x2da: {  	v51 =	vld.idx.msk [tilespmem:v51+s25+$0x0], $0xffff;
	v56 =	vand.u32 $0xFFFFFF80, v52;
	v54 =	vor.u32 v54, v55  }
0x2db: {  	v53 =	vor.u32 v46, v53;
	v52 =	vand.u32 $0x7F, v52;
	v55 =	vadd.s32 v47, v56  }
0x2dc: {  	v52 =	vor.u32 v52, v55;
	_ =	sdelay $0x1  }
0x2dd: {  	v55 =	vadd.s32 $0xE, v50  }
0x2de: {  	v56 =	vand.u32 $0x3F, v55;
	v57 =	vshll.u32 v55, $0x8;
	v55 =	vshll.u32 v55, $0x7  }
0x2df: {  	v55 =	vand.u32 $0x380, v55;
	[tilespmem:v53+s30+$0x0] =	vst.idx.msk $0xffff, v51;
	v51 =	vadd.s32 v48, v56;
	v53 =	vand.u32 $0x3800, v57  }
0x2e0: {  	v52 =	vld.idx.msk [tilespmem:v52+s25+$0x0], $0xffff;
	v56 =	vand.u32 $0xFFFFFF80, v51;
	v53 =	vor.u32 v53, v55  }
0x2e1: {  	v54 =	vor.u32 v46, v54;
	v51 =	vand.u32 $0x7F, v51;
	v55 =	vadd.s32 v47, v56  }
0x2e2: {  	v51 =	vor.u32 v51, v55;
	_ =	sdelay $0x1  }
0x2e3: {  	v55 =	vadd.s32 $0xF, v50  }
0x2e4: {  	v56 =	vand.u32 $0x3F, v55;
	v57 =	vshll.u32 v55, $0x8;
	v55 =	vshll.u32 v55, $0x7  }
0x2e5: {  	v55 =	vand.u32 $0x380, v55;
	[tilespmem:v54+s30+$0x0] =	vst.idx.msk $0xffff, v52;
	v52 =	vadd.s32 v48, v56;
	v54 =	vand.u32 $0x3800, v57  }
0x2e6: {  	v51 =	vld.idx.msk [tilespmem:v51+s25+$0x0], $0xffff;
	v56 =	vand.u32 $0xFFFFFF80, v52;
	v54 =	vor.u32 v54, v55  }
0x2e7: {  	v53 =	vor.u32 v46, v53;
	v52 =	vand.u32 $0x7F, v52;
	v55 =	vadd.s32 v47, v56  }
0x2e8: {  	v52 =	vor.u32 v52, v55;
	_ =	sdelay $0x1  }
0x2e9: {  	v50 =	vadd.s32 $0x10, v50  }
0x2ea: {  	v50 =	vand.u32 $0x3F, v50  }
0x2eb: {  	v56 =	vadd.s32 v48, v50;
	[tilespmem:v53+s30+$0x0] =	vst.idx.msk $0xffff, v51  }
0x2ec: {  	v51 =	vand.u32 $0xFFFFFF80, v56;
	v55 =	vld.idx.msk [tilespmem:v52+s25+$0x0], $0xffff  }
.Ltmp2:
0x2ed: {  	v54 =	vor.u32 v46, v54;
	v52 =	vand.u32 $0x7F, v56;
	v51 =	vadd.s32 v47, v51;
	(pc) =	sbr.rel @p0 .LBB2_8-.Ltmp2, $3  }
0x2ee: {  	v53 =	vor.u32 v52, v51;
	_ =	sdelay $0x1  }
0x2ef: {  	v51 =	vshll.u32 v50, $0x7;
	v52 =	vadd.s32 $0x1, v50  }
0x2f0: {  	v56 =	vshll.u32 v50, $0x8;
	v51 =	vand.u32 $0x380, v51;
	v57 =	vand.u32 $0x3F, v52  }
0x2f1: {  	_ =	sdelay $0x2  }
0x2f2: {  	v56 =	vand.u32 $0x3800, v56;
	v57 =	vadd.s32 v48, v57  }
0x2f3: {  	[tilespmem:v54+s30+$0x0] =	vst.idx.msk $0xffff, v55;
	v59 =	vor.u32 v46, v56;
	v60 =	vand.u32 $0xFFFFFF80, v57  }
0x2f4: {  	v53 =	vld.idx.msk [tilespmem:v53+s25+$0x0], $0xffff;
	v61 =	vand.u32 $0x7F, v57;
	v54 =	vor.u32 v51, v59;
	v55 =	vadd.s32 v47, v60  }
0x2f5: {  	v55 =	vor.u32 v61, v55  }
0x2f6: {  	v56 =	vadd.s32 $0x2, v50  }
0x2f7: {  	v62 =	vshll.u32 v52, $0x8;
	v63 =	vshll.u32 v52, $0x7;
	v58 =	vand.u32 $0x3F, v56  }
0x2f8: {  	v57 =	vand.u32 $0x3800, v62;
	v52 =	vand.u32 $0x380, v63;
	v58 =	vadd.s32 v48, v58  }
0x2f9: {  	v52 =	vor.u32 v57, v52;
	v59 =	vand.u32 $0xFFFFFF80, v58;
	[tilespmem:v54+s30+$0x0] =	vst.idx.msk $0xffff, v53  }
0x2fa: {  	v52 =	vor.u32 v46, v52;
	v60 =	vand.u32 $0x7F, v58;
	v53 =	vadd.s32 v47, v59;
	v54 =	vld.idx.msk [tilespmem:v55+s25+$0x0], $0xffff  }
0x2fb: {  	v53 =	vor.u32 v60, v53  }
0x2fc: {  	v55 =	vadd.s32 $0x3, v50  }
0x2fd: {  	v61 =	vshll.u32 v56, $0x8;
	v56 =	vshll.u32 v56, $0x7;
	v62 =	vand.u32 $0x3F, v55  }
0x2fe: {  	v57 =	vand.u32 $0x3800, v61;
	v56 =	vand.u32 $0x380, v56;
	v58 =	vadd.s32 v48, v62  }
0x2ff: {  	v56 =	vor.u32 v57, v56;
	v63 =	vand.u32 $0xFFFFFF80, v58;
	[tilespmem:v52+s30+$0x0] =	vst.idx.msk $0xffff, v54  }
0x300: {  	v60 =	vor.u32 v46, v56;
	v61 =	vand.u32 $0x7F, v58;
	v52 =	vadd.s32 v47, v63;
	v53 =	vld.idx.msk [tilespmem:v53+s25+$0x0], $0xffff  }
0x301: {  	v52 =	vor.u32 v61, v52  }
0x302: {  	v56 =	vadd.s32 $0x4, v50  }
0x303: {  	v62 =	vshll.u32 v55, $0x8;
	v55 =	vshll.u32 v55, $0x7;
	v63 =	vand.u32 $0x3F, v56  }
0x304: {  	v57 =	vand.u32 $0x3800, v62;
	v55 =	vand.u32 $0x380, v55;
	v58 =	vadd.s32 v48, v63  }
0x305: {  	v55 =	vor.u32 v57, v55;
	[tilespmem:v60+s30+$0x0] =	vst.idx.msk $0xffff, v53;
	v60 =	vand.u32 $0xFFFFFF80, v58  }
0x306: {  	v61 =	vor.u32 v46, v55;
	v62 =	vand.u32 $0x7F, v58;
	v52 =	vld.idx.msk [tilespmem:v52+s25+$0x0], $0xffff;
	v53 =	vadd.s32 v47, v60  }
0x307: {  	v53 =	vor.u32 v62, v53  }
0x308: {  	v55 =	vadd.s32 $0x5, v50  }
0x309: {  	v63 =	vshll.u32 v56, $0x8;
	v56 =	vshll.u32 v56, $0x7;
	v60 =	vand.u32 $0x3F, v55  }
0x30a: {  	v57 =	vand.u32 $0x3800, v63;
	v56 =	vand.u32 $0x380, v56;
	v58 =	vadd.s32 v48, v60  }
0x30b: {  	v56 =	vor.u32 v57, v56;
	[tilespmem:v61+s30+$0x0] =	vst.idx.msk $0xffff, v52;
	v61 =	vand.u32 $0xFFFFFF80, v58  }
0x30c: {  	v62 =	vor.u32 v46, v56;
	v63 =	vand.u32 $0x7F, v58;
	v53 =	vld.idx.msk [tilespmem:v53+s25+$0x0], $0xffff;
	v52 =	vadd.s32 v47, v61  }
0x30d: {  	v52 =	vor.u32 v63, v52  }
0x30e: {  	v56 =	vadd.s32 $0x6, v50  }
0x30f: {  	v60 =	vshll.u32 v55, $0x8;
	v55 =	vshll.u32 v55, $0x7;
	v61 =	vand.u32 $0x3F, v56  }
0x310: {  	v57 =	vand.u32 $0x3800, v60;
	v55 =	vand.u32 $0x380, v55;
	v58 =	vadd.s32 v48, v61  }
0x311: {  	v55 =	vor.u32 v57, v55;
	[tilespmem:v62+s30+$0x0] =	vst.idx.msk $0xffff, v53;
	v62 =	vand.u32 $0xFFFFFF80, v58  }
0x312: {  	v63 =	vor.u32 v46, v55;
	v60 =	vand.u32 $0x7F, v58;
	v52 =	vld.idx.msk [tilespmem:v52+s25+$0x0], $0xffff;
	v53 =	vadd.s32 v47, v62  }
0x313: {  	v53 =	vor.u32 v60, v53  }
0x314: {  	v55 =	vadd.s32 $0x7, v50  }
0x315: {  	v61 =	vshll.u32 v56, $0x8;
	v56 =	vshll.u32 v56, $0x7;
	v62 =	vand.u32 $0x3F, v55  }
0x316: {  	v57 =	vand.u32 $0x3800, v61;
	v56 =	vand.u32 $0x380, v56;
	v58 =	vadd.s32 v48, v62  }
0x317: {  	v56 =	vor.u32 v57, v56;
	[tilespmem:v63+s30+$0x0] =	vst.idx.msk $0xffff, v52;
	v63 =	vand.u32 $0xFFFFFF80, v58  }
0x318: {  	v60 =	vor.u32 v46, v56;
	v61 =	vand.u32 $0x7F, v58;
	v53 =	vld.idx.msk [tilespmem:v53+s25+$0x0], $0xffff;
	v52 =	vadd.s32 v47, v63  }
0x319: {  	v52 =	vor.u32 v61, v52  }
0x31a: {  	v56 =	vadd.s32 $0x8, v50  }
0x31b: {  	v62 =	vshll.u32 v55, $0x8;
	v55 =	vshll.u32 v55, $0x7;
	v63 =	vand.u32 $0x3F, v56  }
0x31c: {  	v57 =	vand.u32 $0x3800, v62;
	v55 =	vand.u32 $0x380, v55;
	v58 =	vadd.s32 v48, v63  }
0x31d: {  	v55 =	vor.u32 v57, v55;
	[tilespmem:v60+s30+$0x0] =	vst.idx.msk $0xffff, v53;
	v60 =	vand.u32 $0xFFFFFF80, v58  }
0x31e: {  	v61 =	vor.u32 v46, v55;
	v62 =	vand.u32 $0x7F, v58;
	v52 =	vld.idx.msk [tilespmem:v52+s25+$0x0], $0xffff;
	v53 =	vadd.s32 v47, v60  }
0x31f: {  	v53 =	vor.u32 v62, v53  }
0x320: {  	v55 =	vadd.s32 $0x9, v50  }
0x321: {  	v56 =	vshll.u32 v56, $0x8;
	v63 =	vand.u32 $0x3F, v55  }
0x322: {  	v56 =	vand.u32 $0x3800, v56;
	v57 =	vadd.s32 v48, v63  }
0x323: {  	v59 =	vand.u32 $0xFFFFFF80, v57;
	v58 =	vor.u32 v46, v56;
	[tilespmem:v61+s30+$0x0] =	vst.idx.msk $0xffff, v52  }
0x324: {  	v54 =	vadd.s32 v47, v59;
	v60 =	vor.u32 v51, v58;
	v61 =	vand.u32 $0x7F, v57;
	v53 =	vld.idx.msk [tilespmem:v53+s25+$0x0], $0xffff  }
0x325: {  	v52 =	vor.u32 v61, v54  }
0x326: {  	v54 =	vadd.s32 $0xA, v50  }
0x327: {  	v62 =	vshll.u32 v55, $0x8;
	v55 =	vshll.u32 v55, $0x7;
	v63 =	vand.u32 $0x3F, v54  }
0x328: {  	v56 =	vand.u32 $0x3800, v62;
	v55 =	vand.u32 $0x380, v55;
	v57 =	vadd.s32 v48, v63  }
0x329: {  	v55 =	vor.u32 v56, v55;
	v59 =	vand.u32 $0xFFFFFF80, v57;
	[tilespmem:v60+s30+$0x0] =	vst.idx.msk $0xffff, v53  }
0x32a: {  	v61 =	vand.u32 $0x7F, v57;
	v51 =	vadd.s32 v47, v59;
	v60 =	vor.u32 v46, v55;
	v52 =	vld.idx.msk [tilespmem:v52+s25+$0x0], $0xffff  }
0x32b: {  	v51 =	vor.u32 v61, v51  }
0x32c: {  	v55 =	vadd.s32 $0xB, v50  }
0x32d: {  	v62 =	vshll.u32 v54, $0x8;
	v54 =	vshll.u32 v54, $0x7;
	v63 =	vand.u32 $0x3F, v55  }
0x32e: {  	v56 =	vand.u32 $0x3800, v62;
	v54 =	vand.u32 $0x380, v54;
	v57 =	vadd.s32 v48, v63  }
0x32f: {  	v54 =	vor.u32 v56, v54;
	v59 =	vand.u32 $0xFFFFFF80, v57;
	[tilespmem:v60+s30+$0x0] =	vst.idx.msk $0xffff, v52  }
0x330: {  	v61 =	vand.u32 $0x7F, v57;
	v60 =	vor.u32 v46, v54;
	v52 =	vadd.s32 v47, v59;
	v51 =	vld.idx.msk [tilespmem:v51+s25+$0x0], $0xffff  }
0x331: {  	v52 =	vor.u32 v61, v52  }
0x332: {  	v54 =	vadd.s32 $0xC, v50  }
0x333: {  	v62 =	vshll.u32 v55, $0x8;
	v55 =	vshll.u32 v55, $0x7;
	v63 =	vand.u32 $0x3F, v54  }
0x334: {  	v56 =	vand.u32 $0x3800, v62;
	v55 =	vand.u32 $0x380, v55;
	v57 =	vadd.s32 v48, v63  }
0x335: {  	v55 =	vor.u32 v56, v55;
	v59 =	vand.u32 $0xFFFFFF80, v57;
	[tilespmem:v60+s30+$0x0] =	vst.idx.msk $0xffff, v51  }
0x336: {  	v61 =	vand.u32 $0x7F, v57;
	v60 =	vor.u32 v46, v55;
	v51 =	vadd.s32 v47, v59;
	v52 =	vld.idx.msk [tilespmem:v52+s25+$0x0], $0xffff  }
0x337: {  	v51 =	vor.u32 v61, v51  }
0x338: {  	v55 =	vadd.s32 $0xD, v50  }
0x339: {  	v62 =	vshll.u32 v54, $0x8;
	v54 =	vshll.u32 v54, $0x7;
	v63 =	vand.u32 $0x3F, v55  }
0x33a: {  	v56 =	vand.u32 $0x3800, v62;
	v54 =	vand.u32 $0x380, v54;
	v57 =	vadd.s32 v48, v63  }
0x33b: {  	v54 =	vor.u32 v56, v54;
	[tilespmem:v60+s30+$0x0] =	vst.idx.msk $0xffff, v52;
	v60 =	vand.u32 $0xFFFFFF80, v57  }
0x33c: {  	v61 =	vor.u32 v46, v54;
	v62 =	vand.u32 $0x7F, v57;
	v51 =	vld.idx.msk [tilespmem:v51+s25+$0x0], $0xffff;
	v52 =	vadd.s32 v47, v60  }
0x33d: {  	v52 =	vor.u32 v62, v52  }
0x33e: {  	v54 =	vadd.s32 $0xE, v50  }
0x33f: {  	v63 =	vshll.u32 v55, $0x8;
	v55 =	vshll.u32 v55, $0x7;
	v60 =	vand.u32 $0x3F, v54  }
0x340: {  	v56 =	vand.u32 $0x3800, v63;
	v55 =	vand.u32 $0x380, v55;
	v57 =	vadd.s32 v48, v60  }
0x341: {  	v55 =	vor.u32 v56, v55;
	[tilespmem:v61+s30+$0x0] =	vst.idx.msk $0xffff, v51;
	v61 =	vand.u32 $0xFFFFFF80, v57  }
0x342: {  	v53 =	vor.u32 v46, v55;
	v62 =	vand.u32 $0x7F, v57;
	v52 =	vld.idx.msk [tilespmem:v52+s25+$0x0], $0xffff;
	v51 =	vadd.s32 v47, v61  }
0x343: {  	v51 =	vor.u32 v62, v51  }
0x344: {  	v50 =	vadd.s32 $0xF, v50  }
0x345: {  	v63 =	vshll.u32 v54, $0x8;
	v54 =	vshll.u32 v54, $0x7;
	v60 =	vand.u32 $0x3F, v50  }
0x346: {  	v55 =	vand.u32 $0x3800, v63;
	v54 =	vand.u32 $0x380, v54;
	v61 =	vadd.s32 v48, v60  }
0x347: {  	v54 =	vor.u32 v55, v54;
	v62 =	vand.u32 $0xFFFFFF80, v61;
	[tilespmem:v53+s30+$0x0] =	vst.idx.msk $0xffff, v52  }
0x348: {  	v63 =	vor.u32 v46, v54;
	v48 =	vand.u32 $0x7F, v61;
	v55 =	vadd.s32 v47, v62;
	v51 =	vld.idx.msk [tilespmem:v51+s25+$0x0], $0xffff  }
0x349: {  	v47 =	vor.u32 v48, v55;
	_ =	sdelay $0x1  }
0x34a: {  	v56 =	vshll.u32 v50, $0x8;
	v50 =	vshll.u32 v50, $0x7  }
0x34b: {  	v50 =	vand.u32 $0x380, v50;
	v48 =	vand.u32 $0x3800, v56  }
0x34c: {  	v48 =	vor.u32 v48, v50;
	[tilespmem:v63+s30+$0x0] =	vst.idx.msk $0xffff, v51  }
0x34d: {  	v49 =	vshll.u32 v49, $0x4;
	v48 =	vor.u32 v46, v48;
	v47 =	vld.idx.msk [tilespmem:v47+s25+$0x0], $0xffff  }
0x34e: {  	v57 =	vor.u32 v0, v49;
	_ =	sdelay $0x3  }
0x34f: {  	[tilespmem:v48+s30+$0x0] =	vst.idx.msk $0xffff, v47  }
0x350: {  	v58 =	vor.u32 v3, v46;
	v47 =	vld.idx.msk [tilespmem:v57+s15+$0x0], $0xffff  }
0x351: {  	v59 =	vor.u32 v4, v49;
	_ =	sdelay $0x3  }
0x352: {  	[tilespmem:v58+s30+$0x0] =	vst.idx.msk $0xffff, v47  }
0x353: {  	v60 =	vor.u32 v7, v46;
	v47 =	vld.idx.msk [tilespmem:v59+s15+$0x0], $0xffff  }
0x354: {  	v61 =	vor.u32 v8, v49;
	_ =	sdelay $0x3  }
0x355: {  	[tilespmem:v60+s30+$0x0] =	vst.idx.msk $0xffff, v47  }
0x356: {  	v62 =	vor.u32 v9, v46;
	v47 =	vld.idx.msk [tilespmem:v61+s15+$0x0], $0xffff  }
0x357: {  	v63 =	vor.u32 v14, v49;
	_ =	sdelay $0x3  }
0x358: {  	[tilespmem:v62+s30+$0x0] =	vst.idx.msk $0xffff, v47  }
0x359: {  	v52 =	vor.u32 v15, v46;
	v47 =	vld.idx.msk [tilespmem:v63+s15+$0x0], $0xffff  }
0x35a: {  	v53 =	vor.u32 v16, v49;
	_ =	sdelay $0x3  }
0x35b: {  	[tilespmem:v52+s30+$0x0] =	vst.idx.msk $0xffff, v47  }
0x35c: {  	v54 =	vor.u32 v19, v46;
	v47 =	vld.idx.msk [tilespmem:v53+s15+$0x0], $0xffff  }
0x35d: {  	v55 =	vor.u32 v20, v49;
	_ =	sdelay $0x3  }
0x35e: {  	[tilespmem:v54+s30+$0x0] =	vst.idx.msk $0xffff, v47  }
0x35f: {  	v56 =	vor.u32 v21, v46;
	v47 =	vld.idx.msk [tilespmem:v55+s15+$0x0], $0xffff  }
0x360: {  	v57 =	vor.u32 v37, v49;
	_ =	sdelay $0x3  }
0x361: {  	[tilespmem:v56+s30+$0x0] =	vst.idx.msk $0xffff, v47  }
0x362: {  	v58 =	vor.u32 v24, v46;
	v47 =	vld.idx.msk [tilespmem:v57+s15+$0x0], $0xffff  }
0x363: {  	v59 =	vor.u32 v38, v49;
	_ =	sdelay $0x3  }
0x364: {  	[tilespmem:v58+s30+$0x0] =	vst.idx.msk $0xffff, v47  }
0x365: {  	v60 =	vor.u32 v27, v46;
	v47 =	vld.idx.msk [tilespmem:v59+s15+$0x0], $0xffff  }
0x366: {  	v61 =	vor.u32 v28, v49;
	_ =	sdelay $0x3  }
0x367: {  	[tilespmem:v60+s30+$0x0] =	vst.idx.msk $0xffff, v47  }
0x368: {  	v62 =	vor.u32 v29, v46;
	v47 =	vld.idx.msk [tilespmem:v61+s15+$0x0], $0xffff  }
0x369: {  	v63 =	vor.u32 v39, v49;
	_ =	sdelay $0x3  }
0x36a: {  	[tilespmem:v62+s30+$0x0] =	vst.idx.msk $0xffff, v47  }
0x36b: {  	v52 =	vor.u32 v30, v46;
	v47 =	vld.idx.msk [tilespmem:v63+s15+$0x0], $0xffff  }
0x36c: {  	v53 =	vor.u32 v40, v49;
	_ =	sdelay $0x3  }
0x36d: {  	[tilespmem:v52+s30+$0x0] =	vst.idx.msk $0xffff, v47  }
0x36e: {  	v54 =	vor.u32 v31, v46;
	v47 =	vld.idx.msk [tilespmem:v53+s15+$0x0], $0xffff  }
0x36f: {  	v55 =	vor.u32 v41, v49;
	_ =	sdelay $0x3  }
0x370: {  	[tilespmem:v54+s30+$0x0] =	vst.idx.msk $0xffff, v47  }
0x371: {  	v56 =	vor.u32 v32, v46;
	v47 =	vld.idx.msk [tilespmem:v55+s15+$0x0], $0xffff  }
0x372: {  	v57 =	vor.u32 v42, v49;
	_ =	sdelay $0x3  }
0x373: {  	[tilespmem:v56+s30+$0x0] =	vst.idx.msk $0xffff, v47  }
0x374: {  	v58 =	vor.u32 v33, v46;
	v47 =	vld.idx.msk [tilespmem:v57+s15+$0x0], $0xffff  }
0x375: {  	v59 =	vor.u32 v43, v49;
	_ =	sdelay $0x3  }
0x376: {  	[tilespmem:v58+s30+$0x0] =	vst.idx.msk $0xffff, v47  }
0x377: {  	v60 =	vor.u32 v34, v46;
	v47 =	vld.idx.msk [tilespmem:v59+s15+$0x0], $0xffff  }
0x378: {  	v61 =	vor.u32 v44, v49;
	_ =	sdelay $0x3  }
0x379: {  	[tilespmem:v60+s30+$0x0] =	vst.idx.msk $0xffff, v47  }
0x37a: {  	v62 =	vor.u32 v35, v46;
	v47 =	vld.idx.msk [tilespmem:v61+s15+$0x0], $0xffff  }
0x37b: {  	v49 =	vor.u32 v45, v49;
	_ =	sdelay $0x3  }
0x37c: {  	s11 =	sadd.s32 $0x1, s11;
	[tilespmem:v62+s30+$0x0] =	vst.idx.msk $0xffff, v47  }
0x37d: {  	p0 =	sne.s32 s11, $0x10;
	v63 =	vor.u32 v36, v46;
	v47 =	vld.idx.msk [tilespmem:v49+s15+$0x0], $0xffff  }
.Ltmp3:
0x37e: {  	_ = 	snop;
	(pc) =	sbr.rel @p0 .LBB2_7-.Ltmp3, $2  }
0x37f: {  	_ =	sdelay $0x2  }
0x380: {  	[tilespmem:v63+s30+$0x0] =	vst.idx.msk $0xffff, v47  }
0x381: {  	s8 =	sadd.s32 $0x1, s8  }
0x382: {  	s10 =	sshll.u32 s10, $0xB;
	p0 =	sne.s32 s8, $0x32  }
.Ltmp4:
0x383: {  	s10 =	sand.u32 $0x7800, s10;
	(pc) =	sbr.rel @p0 .LBB2_2-.Ltmp4, $4  }
0x384: {  	s10 =	sor.u32 s12, s10  }
0x385: {  	s10 =	sshrl.u32 s10, $0x3  }
0x386: {  	s10 =	sadd.s32 s1, s10  }
0x387: {  	[hbm4b:s10+s31] =	stream.strided.scatter [tilespmem:s30], [sflag:$0x3], $0x5000, s0, s31, $0x38;
	[tilespmem:$0x19480] =	vst v63  }
0x388: {  	_ =	swait.ge [sflag:s19], $0x5000  }
0x389: {  	s10 =	rddreg [dreg:$0x8]  }
0x38a: {  	s8 =	rddreg [dreg:$0x7];
	s10 =	sadd.s32 $0x1, s10  }
0x38b: {  	p0 =	sne.s32 s10, s8  }
.Ltmp5:
0x38c: {  	_ = 	snop;
	(pc) =	sbr.rel @p0 .LBB2_1-.Ltmp5, $3  }
0x38d: {  	_ =	sdelay $0x1  }
0x38e: {  	[sflag:s19] =	ssyncset.done $0x0  }
0x38f: {  	[sflag:s19] =	ssyncadd.s32 $0xFFFFB000  }
0x390: {  	_ =	sfence.sel $0x180000  }
0x391: {  	[bflag:$0x0] =	sbarrier.arrive $0xFFFF  }
0x392: {  	_ =	strace $0x90000047  }
0x393: {  	s0 =	stileid.u32;
	[bflag:$0x2] =	sbarrier.arrive $0xFFFF  }
0x394: {  	p0 =	sne.s32 s0, $0x0;
	s0 =	rddreg [dreg:$0x2]  }
0x395: {  	s0 =	sadd.s32 @!p0 $0x100000, s0  }
0x396: {  	[sflag:s0] =	ssyncadd.tile.s32 @!p0 $0x1;
	_ =	shalt  }
.Lfunc_end2:
_tile_overlayer_lowered:
.L_overlay_start_2:
0x397: {  	(tag) =	ssettag $0x2  }
0x398: {  	s0 =	rddreg [dreg:$0x0];
	s2 =	stileid.u32  }
0x399: {  	s1 =	rddreg [dreg:$0x1];
	p0 =	sne.s32 s2, $0x0  }
0x39a: {  	s3 =	rddreg [dreg:$0x2];
	[bflag:$0x3] =	sbarrier.arrive $0xFFFF;
	s2 =	simm.s32 @!p0 $0x1C04  }
0x39b: {  	[timem:s3], [sflag:s2] =	dma.local @!p0 [hbm:s0], s1  }
0x39c: {  	s0 =	simm.s32 @!p0 $0x4  }
0x39d: {  	_ =	swait.ge @!p0 [sflag:s0], s1  }
0x39e: {  	s1 =	ssub.s32 @!p0 $0x0, s1;
	[sflag:s0] =	ssyncset.done @!p0 $0x0  }
0x39f: {  	[sflag:s0] =	ssyncadd.s32 @!p0 s1  }
0x3a0: {  	[bflag:$0x3] =	sbarrier.arrive $0xFFFF  }
0x3a1: {  	_ =	shalt  }

</sc_bundles>
